<compile_context>
chip_gen: v7x
topology: tpu7x:2x2x1
jax: 0.10.2.dev20260603
libtpu: 0.0.44.dev20260713+nightly
codegen_flags: <defaults>
</compile_context>

<pallas_src>
import functools

import jax
import jax.numpy as jnp
from jax import lax
from jax.experimental import pallas as pl
from jax.experimental.pallas import tpu as pltpu
from jax.experimental.pallas import tpu_sc as plsc

F32 = jnp.float32

NU = 100000
NI = 100000
NF = 16
NA = 8
NT = 32
BATCH = 16384
TW = NA * NT

L_U = 0.01
L_I = 0.01
L_A = 0.001
L_B = 0.01

NC = 2
NS = 16
NW = NC * NS
BPW = BATCH // NW
CH = 64
NCH = BPW // CH


def _gather_wide_body(ids, tab, out, idx, buf, sg0, sg1, sw0, sw1):
    wid = lax.axis_index("s") * NC + lax.axis_index("c")
    base = wid * BPW
    pltpu.sync_copy(ids.at[pl.ds(base, BPW)], idx)

    gsem = (sg0, sg1)
    wsem = (sw0, sw1)
    gp = [None, None]
    wp = [None, None]

    def issue(c):
        b = c % 2
        if wp[b] is not None:
            wp[b].wait()
            wp[b] = None
        sl = pl.ds(c * CH, CH)
        gp[b] = pltpu.async_copy(tab.at[idx.at[sl]], buf.at[b], gsem[b])

    issue(0)
    for c in range(NCH):
        b = c % 2
        if c + 1 < NCH:
            issue(c + 1)
        gp[b].wait()
        osl = pl.ds(base + c * CH, CH)
        wp[b] = pltpu.async_copy(buf.at[b], out.at[osl], wsem[b])
    for b in range(2):
        if wp[b] is not None:
            wp[b].wait()


@functools.cache
def _sc_wide():
    return pl.kernel(
        _gather_wide_body,
        out_type=[jax.ShapeDtypeStruct((BATCH, TW), F32)],
        mesh=plsc.VectorSubcoreMesh(core_axis_name="c", subcore_axis_name="s"),
        scratch_types=[
            pltpu.VMEM((BPW,), jnp.int32),
            pltpu.VMEM((2, CH, TW), F32),
            pltpu.SemaphoreType.DMA,
            pltpu.SemaphoreType.DMA,
            pltpu.SemaphoreType.DMA,
            pltpu.SemaphoreType.DMA,
        ],
    )


def _sc_small_body(uids, iids, usm, ism,
                   out_us, out_is,
                   uidx, iidx, usbuf, isbuf, sem):
    wid = lax.axis_index("s") * NC + lax.axis_index("c")
    base = wid * BPW
    pltpu.sync_copy(uids.at[pl.ds(base, BPW)], uidx)
    pltpu.sync_copy(iids.at[pl.ds(base, BPW)], iidx)
    cps = [pltpu.async_copy(usm.at[uidx], usbuf, sem),
           pltpu.async_copy(ism.at[iidx], isbuf, sem)]
    for cp in cps:
        cp.wait()
    osl = pl.ds(base, BPW)
    pltpu.sync_copy(usbuf, out_us.at[osl])
    pltpu.sync_copy(isbuf, out_is.at[osl])


@functools.cache
def _sc_small():
    return pl.kernel(
        _sc_small_body,
        out_type=[
            jax.ShapeDtypeStruct((BATCH, 32), F32),
            jax.ShapeDtypeStruct((BATCH, 32), F32),
        ],
        mesh=plsc.VectorSubcoreMesh(core_axis_name="c", subcore_axis_name="s"),
        compiler_params=pltpu.CompilerParams(use_tc_tiling_on_sc=False),
        scratch_types=[
            pltpu.VMEM((BPW,), jnp.int32),
            pltpu.VMEM((BPW,), jnp.int32),
            pltpu.VMEM((BPW, 32), F32),
            pltpu.VMEM((BPW, 32), F32),
            pltpu.SemaphoreType.DMA,
        ],
    )


BLK = 1024
NBLK = BATCH // BLK


def _tc_math_body(th_ref, ps_ref, us_ref, is_ref, r_ref,
                  a_ref, b_ref, rhat_ref, ar_ref, loss_ref):
    p = th_ref[...]
    q = ps_ref[...]
    x = (p + p) / (p + q)
    t = p * jnp.log(x) + q * jnp.log(2.0 - x)
    asp = lax.broadcasted_iota(jnp.int32, (TW, NA), 0) // NT
    e = (asp == lax.broadcasted_iota(jnp.int32, (TW, NA), 1)).astype(F32)
    kl = jnp.dot(t, e, preferred_element_type=F32)
    s_uia = 1.0 - 0.5 * kl

    us = us_ref[...]
    isv = is_ref[...]
    u = us[:, 0:NF]
    i = isv[:, 0:NF]
    a = a_ref[...]
    ar = jnp.dot(u * i, (a * a).T, preferred_element_type=F32)
    a_hat = s_uia * ar
    ar_ref[...] = a_hat

    pi = us[:, 16:17]
    bu = us[:, 17]
    lu = us[:, 18:26]
    bi = isv[:, 16]
    li = isv[:, 17:25]
    p_uia = pi * lu + (1.0 - pi) * li
    rhat = jnp.sum(p_uia * a_hat, axis=1) + bu + bi + b_ref[0]
    rhat_ref[...] = rhat

    res = r_ref[...] - rhat
    part = 0.5 * jnp.sum(res * res)
    part += 0.5 * L_U * jnp.sum(u * u)
    part += 0.5 * L_I * jnp.sum(i * i)
    part += 0.5 * L_B * (jnp.sum(bu * bu) + jnp.sum(bi * bi))

    @pl.when(pl.program_id(0) == 0)
    def _init():
        loss_ref[0] = 0.5 * L_A * jnp.sum(jnp.abs(a))

    loss_ref[0] += part


_tc_math = pl.pallas_call(
    _tc_math_body,
    grid=(NBLK,),
    in_specs=[
        pl.BlockSpec((BLK, TW), lambda b: (b, 0)),
        pl.BlockSpec((BLK, TW), lambda b: (b, 0)),
        pl.BlockSpec((BLK, 32), lambda b: (b, 0)),
        pl.BlockSpec((BLK, 32), lambda b: (b, 0)),
        pl.BlockSpec((BLK,), lambda b: (b,)),
        pl.BlockSpec((NA, NF), lambda b: (0, 0)),
        pl.BlockSpec((1,), lambda b: (0,)),
    ],
    out_specs=[
        pl.BlockSpec((BLK,), lambda b: (b,)),
        pl.BlockSpec((BLK, NA), lambda b: (b, 0)),
        pl.BlockSpec(memory_space=pltpu.SMEM),
    ],
    out_shape=[
        jax.ShapeDtypeStruct((BATCH,), F32),
        jax.ShapeDtypeStruct((BATCH, NA), F32),
        jax.ShapeDtypeStruct((1,), F32),
    ],
)


def kernel(U_ids, I_ids, R, user_table, item_table, Theta_u, Psi_i, Pi_u,
           Lambda_u, Lambda_i, A, Bu, Bi, B):
    th_flat = Theta_u.reshape(NU, TW)
    ps_flat = Psi_i.reshape(NI, TW)
    zu = jnp.zeros((NU, 6), F32)
    usm = jnp.concatenate(
        [user_table, Pi_u[:, None], Bu[:, None], Lambda_u, zu], axis=1)
    zi = jnp.zeros((NI, 7), F32)
    ism = jnp.concatenate([item_table, Bi[:, None], Lambda_i, zi], axis=1)

    (ps_b,) = _sc_wide()(I_ids, ps_flat)
    us_b, is_b = _sc_small()(U_ids, I_ids, usm, ism)
    (th_b,) = _sc_wide()(U_ids, th_flat)

    rhat, a_hat, loss = _tc_math(th_b, ps_b, us_b, is_b, R, A, B)
    return rhat, a_hat, loss[0]

# --- scband reference (transcript-rebuilt; emitter-appended) ---
"""Pipeline reference for scband-alfm-73650099191868 (READ-ONLY COPY).

The authoritative reference and input builder live on the scoring server;
editing this copy changes nothing except your own understanding.
"""

import jax, jax.numpy as jnp
import numpy as np

N_USERS = 100000
N_ITEMS = 100000
N_FACTORS = 16
N_ASPECTS = 8
N_TOPICS = 32
BATCH = 16384
LAMBDA_U = 0.01
LAMBDA_I = 0.01
LAMBDA_A = 0.001
LAMBDA_B = 0.01


def setup_inputs(seed: int = 0) -> dict:
    key = jax.random.key(seed)
    ks = jax.random.split(key, 12)
    U_ids = jax.random.randint(ks[0], (BATCH,), 0, N_USERS, dtype=jnp.int32)
    I_ids = jax.random.randint(ks[1], (BATCH,), 0, N_ITEMS, dtype=jnp.int32)
    R = jax.random.uniform(ks[2], (BATCH,), dtype=jnp.float32, minval=1.0, maxval=5.0)
    user_table = 0.1 * jax.random.normal(ks[3], (N_USERS, N_FACTORS), dtype=jnp.float32)
    item_table = 0.1 * jax.random.normal(ks[4], (N_ITEMS, N_FACTORS), dtype=jnp.float32)
    Theta_u = jax.nn.softmax(jax.random.normal(ks[5], (N_USERS, N_ASPECTS, N_TOPICS), dtype=jnp.float32), axis=-1)
    Psi_i = jax.nn.softmax(jax.random.normal(ks[6], (N_ITEMS, N_ASPECTS, N_TOPICS), dtype=jnp.float32), axis=-1)
    Pi_u = jax.random.uniform(ks[7], (N_USERS,), dtype=jnp.float32)
    Lambda_u = jax.nn.softmax(jax.random.normal(ks[8], (N_USERS, N_ASPECTS), dtype=jnp.float32), axis=-1)
    Lambda_i = jax.nn.softmax(jax.random.normal(ks[9], (N_ITEMS, N_ASPECTS), dtype=jnp.float32), axis=-1)
    A = jnp.ones((N_ASPECTS, N_FACTORS), dtype=jnp.float32)
    Bu = jnp.zeros((N_USERS,), dtype=jnp.float32)
    Bi = jnp.zeros((N_ITEMS,), dtype=jnp.float32)
    B = jnp.zeros((1,), dtype=jnp.float32)
    return {"U_ids": U_ids, "I_ids": I_ids, "R": R, "user_table": user_table,
            "item_table": item_table, "Theta_u": Theta_u, "Psi_i": Psi_i,
            "Pi_u": Pi_u, "Lambda_u": Lambda_u, "Lambda_i": Lambda_i,
            "A": A, "Bu": Bu, "Bi": Bi, "B": B}


def _jsd(P, Q):
    # KLDivLoss(reduction='none', log_target=True)(M.log(), P.log()).sum(-1) == KL(P || M)
    M = 0.5 * (P + Q)
    kl_pm = jnp.sum(P * (jnp.log(P) - jnp.log(M)), axis=-1)
    kl_qm = jnp.sum(Q * (jnp.log(Q) - jnp.log(M)), axis=-1)
    return 0.5 * (kl_pm + kl_qm)


def reference(U_ids, I_ids, R, user_table, item_table, Theta_u, Psi_i, Pi_u,
              Lambda_u, Lambda_i, A, Bu, Bi, B):
    U = jnp.take(user_table, U_ids, axis=0)            # [B, F]
    I = jnp.take(item_table, I_ids, axis=0)            # [B, F]
    Theta_u_b = jnp.take(Theta_u, U_ids, axis=0)       # [B, Asp, T]
    Psi_i_b = jnp.take(Psi_i, I_ids, axis=0)           # [B, Asp, T]
    Pi_u_b = jnp.take(Pi_u, U_ids, axis=0)             # [B]
    Lambda_u_b = jnp.take(Lambda_u, U_ids, axis=0)     # [B, Asp]
    Lambda_i_b = jnp.take(Lambda_i, I_ids, axis=0)     # [B, Asp]
    Bu_b = jnp.take(Bu, U_ids, axis=0)                 # [B]
    Bi_b = jnp.take(Bi, I_ids, axis=0)                 # [B]

    S_UIA = 1.0 - _jsd(Theta_u_b.reshape(-1, N_TOPICS), Psi_i_b.reshape(-1, N_TOPICS))
    S_UIA = S_UIA.reshape(-1, N_ASPECTS)               # [B, Asp]
    P_UIA = Pi_u_b[:, None] * Lambda_u_b + (1.0 - Pi_u_b)[:, None] * Lambda_i_b
    A_ratings_hat = jnp.sum((A[None, :, :] * U[:, None, :]) * (A[None, :, :] * I[:, None, :]), axis=2)
    A_ratings_hat = S_UIA * A_ratings_hat
    R_hat = jnp.sum(P_UIA * A_ratings_hat, axis=1) + Bu_b + Bi_b + B

    loss = 0.5 * jnp.sum((R - R_hat) ** 2)
    loss = loss + 0.5 * LAMBDA_U * jnp.sum(U ** 2)
    loss = loss + 0.5 * LAMBDA_I * jnp.sum(I ** 2)
    loss = loss + 0.5 * LAMBDA_A * jnp.sum(jnp.abs(A))
    loss = loss + 0.5 * LAMBDA_B * (jnp.sum(Bu_b ** 2) + jnp.sum(Bi_b ** 2))
    return (R_hat, A_ratings_hat, loss)

if __name__ == "__main__":
    import jax
    _d = setup_inputs()
    print(jax.jit(kernel)(*tuple(_d.values())))

</pallas_src>

<mosaic_0001>
#map = affine_map<(d0, d1) -> (0)>
#map1 = affine_map<(d0, d1) -> (0, 0)>
module attributes {stable_mosaic.version = 14 : i64} {
  func.func @_gather_wide_body(%arg0: i32, %arg1: i32, %arg2: memref<16384xi32, #tpu.memory_space<hbm>>, %arg3: memref<100000x256xf32, #tpu.memory_space<hbm>>, %arg4: memref<16384x256xf32, #tpu.memory_space<hbm>>, %arg5: memref<512xi32, #tpu.memory_space<vmem>>, %arg6: memref<2x64x256xf32, #tpu.memory_space<vmem>>, %arg7: memref<!tpu.dma_semaphore, #tpu.memory_space<semaphore_mem>>, %arg8: memref<!tpu.dma_semaphore, #tpu.memory_space<semaphore_mem>>, %arg9: memref<!tpu.dma_semaphore, #tpu.memory_space<semaphore_mem>>, %arg10: memref<!tpu.dma_semaphore, #tpu.memory_space<semaphore_mem>>) attributes {dimension_semantics = [#tpu.dimension_semantics<core_parallel>, #tpu.dimension_semantics<subcore_parallel>], iteration_bounds = array<i64: 2, 16>, scalar_prefetch = 0 : i64, scratch_operands = 6 : i64, tpu.core_type = #tpu.core_type<sc_vector_subcore>, window_params = [{transform_indices = #map}, {transform_indices = #map1}, {transform_indices = #map1}]} {
    %mul3A = arith.constant 2 : i32
    %mul3A_0 = arith.muli %arg1, %mul3A : i32
    %add3A = arith.addi %mul3A_0, %arg0 : i32
    %mul3A_1 = arith.constant 512 : i32
    %mul3A_2 = arith.muli %add3A, %mul3A_1 : i32
    "tpu.region"() ({
      %run_scoped3A = tpu.sem_alloc : memref<!tpu.dma_semaphore, #tpu.memory_space<semaphore_mem>>
      %dma_start3A_385 = tpu.memref_slice %arg2[%mul3A_2] : memref<16384xi32, #tpu.memory_space<hbm>> -> memref<512xi32, #tpu.memory_space<hbm>>
      %dma_start3A_386 = tpu.memref_slice %arg2[%mul3A_2] : memref<16384xi32, #tpu.memory_space<hbm>> -> memref<512xi32, #tpu.memory_space<hbm>>
      tpu.enqueue_dma source(%dma_start3A_386 : memref<512xi32, #tpu.memory_space<hbm>>) target(%arg5 : memref<512xi32, #tpu.memory_space<vmem>>) target_semaphore(%run_scoped3A : memref<!tpu.dma_semaphore, #tpu.memory_space<semaphore_mem>>)
      %dma_wait3A_387 = tpu.memref_slice %arg2[%mul3A_2] : memref<16384xi32, #tpu.memory_space<hbm>> -> memref<512xi32, #tpu.memory_space<hbm>>
      %dma_wait3A_388 = tpu.memref_slice %arg2[%mul3A_2] : memref<16384xi32, #tpu.memory_space<hbm>> -> memref<512xi32, #tpu.memory_space<hbm>>
      tpu.wait_dma2 semaphore(%run_scoped3A : memref<!tpu.dma_semaphore, #tpu.memory_space<semaphore_mem>>) src(%dma_wait3A_388 : memref<512xi32, #tpu.memory_space<hbm>>) dst(%arg5 : memref<512xi32, #tpu.memory_space<vmem>>)
      tpu.yield
    }) : () -> ()
    %dma_start3A = arith.constant 0 : i32
    %dma_start3A_3 = arith.constant 0 : i32
    %dma_start3A_4 = arith.constant 0 : i32
    %dma_start3A_5 = tpu.memref_slice %arg6[%dma_start3A, %dma_start3A_3, %dma_start3A_4] : memref<2x64x256xf32, #tpu.memory_space<vmem>> -> memref<1x64x256xf32, #tpu.memory_space<vmem>>
    %dma_start3A_6 = tpu.memref_squeeze %dma_start3A_5 : memref<1x64x256xf32, #tpu.memory_space<vmem>> -> memref<64x256xf32, #tpu.memory_space<vmem>>
    %dma_start3A_7 = arith.constant 0 : i32
    %dma_start3A_8 = tpu.memref_slice %arg5[%dma_start3A_7] : memref<512xi32, #tpu.memory_space<vmem>> -> memref<64xi32, #tpu.memory_space<vmem>>
    %dma_start3A_9 = arith.constant 0 : i32
    %dma_start3A_10 = arith.constant 0 : i32
    %dma_start3A_11 = tpu.memref_slice %arg3[%dma_start3A_9, %dma_start3A_10] : memref<100000x256xf32, #tpu.memory_space<hbm>> -> memref<100000x256xf32, #tpu.memory_space<hbm>>
    tpu.enqueue_indirect_dma source(%dma_start3A_11 : memref<100000x256xf32, #tpu.memory_space<hbm>>) target(%dma_start3A_6 : memref<64x256xf32, #tpu.memory_space<vmem>>) offsets(%dma_start3A_8 : memref<64xi32, #tpu.memory_space<vmem>>) semaphore(%arg7 : memref<!tpu.dma_semaphore, #tpu.memory_space<semaphore_mem>>)
    %dma_start3A_12 = arith.constant 1 : i32
    %dma_start3A_13 = arith.constant 0 : i32
    %dma_start3A_14 = arith.constant 0 : i32
    %dma_start3A_15 = tpu.memref_slice %arg6[%dma_start3A_12, %dma_start3A_13, %dma_start3A_14] : memref<2x64x256xf32, #tpu.memory_space<vmem>> -> memref<1x64x256xf32, #tpu.memory_space<vmem>>
    %dma_start3A_16 = tpu.memref_squeeze %dma_start3A_15 : memref<1x64x256xf32, #tpu.memory_space<vmem>> -> memref<64x256xf32, #tpu.memory_space<vmem>>
    %dma_start3A_17 = arith.constant 64 : i32
    %dma_start3A_18 = tpu.memref_slice %arg5[%dma_start3A_17] : memref<512xi32, #tpu.memory_space<vmem>> -> memref<64xi32, #tpu.memory_space<vmem>>
    %dma_start3A_19 = arith.constant 0 : i32
    %dma_start3A_20 = arith.constant 0 : i32
    %dma_start3A_21 = tpu.memref_slice %arg3[%dma_start3A_19, %dma_start3A_20] : memref<100000x256xf32, #tpu.memory_space<hbm>> -> memref<100000x256xf32, #tpu.memory_space<hbm>>
    tpu.enqueue_indirect_dma source(%dma_start3A_21 : memref<100000x256xf32, #tpu.memory_space<hbm>>) target(%dma_start3A_16 : memref<64x256xf32, #tpu.memory_space<vmem>>) offsets(%dma_start3A_18 : memref<64xi32, #tpu.memory_space<vmem>>) semaphore(%arg8 : memref<!tpu.dma_semaphore, #tpu.memory_space<semaphore_mem>>)
    %dma_wait3A = arith.constant 0 : i32
    %dma_wait3A_22 = arith.constant 0 : i32
    %dma_wait3A_23 = arith.constant 0 : i32
    %dma_wait3A_24 = tpu.memref_slice %arg6[%dma_wait3A, %dma_wait3A_22, %dma_wait3A_23] : memref<2x64x256xf32, #tpu.memory_space<vmem>> -> memref<1x64x256xf32, #tpu.memory_space<vmem>>
    %dma_wait3A_25 = tpu.memref_squeeze %dma_wait3A_24 : memref<1x64x256xf32, #tpu.memory_space<vmem>> -> memref<64x256xf32, #tpu.memory_space<vmem>>
    %dma_wait3A_26 = arith.constant 0 : i32
    %dma_wait3A_27 = tpu.memref_slice %arg5[%dma_wait3A_26] : memref<512xi32, #tpu.memory_space<vmem>> -> memref<64xi32, #tpu.memory_space<vmem>>
    %dma_wait3A_28 = arith.constant 0 : i32
    %dma_wait3A_29 = arith.constant 0 : i32
    %dma_wait3A_30 = tpu.memref_slice %arg3[%dma_wait3A_28, %dma_wait3A_29] : memref<100000x256xf32, #tpu.memory_space<hbm>> -> memref<100000x256xf32, #tpu.memory_space<hbm>>
    tpu.wait_indirect_dma semaphore(%arg7 : memref<!tpu.dma_semaphore, #tpu.memory_space<semaphore_mem>>) src(%dma_wait3A_30 : memref<100000x256xf32, #tpu.memory_space<hbm>>) dst(%dma_wait3A_25 : memref<64x256xf32, #tpu.memory_space<vmem>>)
    %add3A_31 = arith.constant 0 : i32
    %add3A_32 = arith.addi %mul3A_2, %add3A_31 : i32
    %dma_start3A_33 = arith.constant 0 : i32
    %dma_start3A_34 = arith.constant 0 : i32
    %dma_start3A_35 = arith.constant 0 : i32
    %dma_start3A_36 = tpu.memref_slice %arg6[%dma_start3A_33, %dma_start3A_34, %dma_start3A_35] : memref<2x64x256xf32, #tpu.memory_space<vmem>> -> memref<1x64x256xf32, #tpu.memory_space<vmem>>
    %dma_start3A_37 = tpu.memref_squeeze %dma_start3A_36 : memref<1x64x256xf32, #tpu.memory_space<vmem>> -> memref<64x256xf32, #tpu.memory_space<vmem>>
    %dma_start3A_38 = arith.constant 0 : i32
    %dma_start3A_39 = tpu.memref_slice %arg4[%add3A_32, %dma_start3A_38] : memref<16384x256xf32, #tpu.memory_space<hbm>> -> memref<64x256xf32, #tpu.memory_space<hbm>>
    %dma_start3A_40 = arith.constant 0 : i32
    %dma_start3A_41 = tpu.memref_slice %arg4[%add3A_32, %dma_start3A_40] : memref<16384x256xf32, #tpu.memory_space<hbm>> -> memref<64x256xf32, #tpu.memory_space<hbm>>
    %dma_start3A_42 = arith.constant 0 : i32
    %dma_start3A_43 = arith.constant 0 : i32
    %dma_start3A_44 = tpu.memref_slice %arg6[%dma_start3A_33, %dma_start3A_42, %dma_start3A_43] : memref<2x64x256xf32, #tpu.memory_space<vmem>> -> memref<1x64x256xf32, #tpu.memory_space<vmem>>
    %dma_start3A_45 = tpu.memref_squeeze %dma_start3A_44 : memref<1x64x256xf32, #tpu.memory_space<vmem>> -> memref<64x256xf32, #tpu.memory_space<vmem>>
    tpu.enqueue_dma source(%dma_start3A_45 : memref<64x256xf32, #tpu.memory_space<vmem>>) target(%dma_start3A_41 : memref<64x256xf32, #tpu.memory_space<hbm>>) target_semaphore(%arg9 : memref<!tpu.dma_semaphore, #tpu.memory_space<semaphore_mem>>)
    %dma_wait3A_46 = arith.constant 0 : i32
    %dma_wait3A_47 = arith.constant 0 : i32
    %dma_wait3A_48 = arith.constant 0 : i32
    %dma_wait3A_49 = tpu.memref_slice %arg6[%dma_wait3A_46, %dma_wait3A_47, %dma_wait3A_48] : memref<2x64x256xf32, #tpu.memory_space<vmem>> -> memref<1x64x256xf32, #tpu.memory_space<vmem>>
    %dma_wait3A_50 = tpu.memref_squeeze %dma_wait3A_49 : memref<1x64x256xf32, #tpu.memory_space<vmem>> -> memref<64x256xf32, #tpu.memory_space<vmem>>
    %dma_wait3A_51 = arith.constant 0 : i32
    %dma_wait3A_52 = tpu.memref_slice %arg4[%add3A_32, %dma_wait3A_51] : memref<16384x256xf32, #tpu.memory_space<hbm>> -> memref<64x256xf32, #tpu.memory_space<hbm>>
    %dma_wait3A_53 = arith.constant 0 : i32
    %dma_wait3A_54 = tpu.memref_slice %arg4[%add3A_32, %dma_wait3A_53] : memref<16384x256xf32, #tpu.memory_space<hbm>> -> memref<64x256xf32, #tpu.memory_space<hbm>>
    %dma_wait3A_55 = arith.constant 0 : i32
    %dma_wait3A_56 = arith.constant 0 : i32
    %dma_wait3A_57 = tpu.memref_slice %arg6[%dma_wait3A_46, %dma_wait3A_55, %dma_wait3A_56] : memref<2x64x256xf32, #tpu.memory_space<vmem>> -> memref<1x64x256xf32, #tpu.memory_space<vmem>>
    %dma_wait3A_58 = tpu.memref_squeeze %dma_wait3A_57 : memref<1x64x256xf32, #tpu.memory_space<vmem>> -> memref<64x256xf32, #tpu.memory_space<vmem>>
    tpu.wait_dma2 semaphore(%arg9 : memref<!tpu.dma_semaphore, #tpu.memory_space<semaphore_mem>>) src(%dma_wait3A_58 : memref<64x256xf32, #tpu.memory_space<vmem>>) dst(%dma_wait3A_54 : memref<64x256xf32, #tpu.memory_space<hbm>>)
    %dma_start3A_59 = arith.constant 0 : i32
    %dma_start3A_60 = arith.constant 0 : i32
    %dma_start3A_61 = arith.constant 0 : i32
    %dma_start3A_62 = tpu.memref_slice %arg6[%dma_start3A_59, %dma_start3A_60, %dma_start3A_61] : memref<2x64x256xf32, #tpu.memory_space<vmem>> -> memref<1x64x256xf32, #tpu.memory_space<vmem>>
    %dma_start3A_63 = tpu.memref_squeeze %dma_start3A_62 : memref<1x64x256xf32, #tpu.memory_space<vmem>> -> memref<64x256xf32, #tpu.memory_space<vmem>>
    %dma_start3A_64 = arith.constant 128 : i32
    %dma_start3A_65 = tpu.memref_slice %arg5[%dma_start3A_64] : memref<512xi32, #tpu.memory_space<vmem>> -> memref<64xi32, #tpu.memory_space<vmem>>
    %dma_start3A_66 = arith.constant 0 : i32
    %dma_start3A_67 = arith.constant 0 : i32
    %dma_start3A_68 = tpu.memref_slice %arg3[%dma_start3A_66, %dma_start3A_67] : memref<100000x256xf32, #tpu.memory_space<hbm>> -> memref<100000x256xf32, #tpu.memory_space<hbm>>
    tpu.enqueue_indirect_dma source(%dma_start3A_68 : memref<100000x256xf32, #tpu.memory_space<hbm>>) target(%dma_start3A_63 : memref<64x256xf32, #tpu.memory_space<vmem>>) offsets(%dma_start3A_65 : memref<64xi32, #tpu.memory_space<vmem>>) semaphore(%arg7 : memref<!tpu.dma_semaphore, #tpu.memory_space<semaphore_mem>>)
    %dma_wait3A_69 = arith.constant 1 : i32
    %dma_wait3A_70 = arith.constant 0 : i32
    %dma_wait3A_71 = arith.constant 0 : i32
    %dma_wait3A_72 = tpu.memref_slice %arg6[%dma_wait3A_69, %dma_wait3A_70, %dma_wait3A_71] : memref<2x64x256xf32, #tpu.memory_space<vmem>> -> memref<1x64x256xf32, #tpu.memory_space<vmem>>
    %dma_wait3A_73 = tpu.memref_squeeze %dma_wait3A_72 : memref<1x64x256xf32, #tpu.memory_space<vmem>> -> memref<64x256xf32, #tpu.memory_space<vmem>>
    %dma_wait3A_74 = arith.constant 64 : i32
    %dma_wait3A_75 = tpu.memref_slice %arg5[%dma_wait3A_74] : memref<512xi32, #tpu.memory_space<vmem>> -> memref<64xi32, #tpu.memory_space<vmem>>
    %dma_wait3A_76 = arith.constant 0 : i32
    %dma_wait3A_77 = arith.constant 0 : i32
    %dma_wait3A_78 = tpu.memref_slice %arg3[%dma_wait3A_76, %dma_wait3A_77] : memref<100000x256xf32, #tpu.memory_space<hbm>> -> memref<100000x256xf32, #tpu.memory_space<hbm>>
    tpu.wait_indirect_dma semaphore(%arg8 : memref<!tpu.dma_semaphore, #tpu.memory_space<semaphore_mem>>) src(%dma_wait3A_78 : memref<100000x256xf32, #tpu.memory_space<hbm>>) dst(%dma_wait3A_73 : memref<64x256xf32, #tpu.memory_space<vmem>>)
    %add3A_79 = arith.constant 64 : i32
    %add3A_80 = arith.addi %mul3A_2, %add3A_79 : i32
    %dma_start3A_81 = arith.constant 1 : i32
    %dma_start3A_82 = arith.constant 0 : i32
    %dma_start3A_83 = arith.constant 0 : i32
    %dma_start3A_84 = tpu.memref_slice %arg6[%dma_start3A_81, %dma_start3A_82, %dma_start3A_83] : memref<2x64x256xf32, #tpu.memory_space<vmem>> -> memref<1x64x256xf32, #tpu.memory_space<vmem>>
    %dma_start3A_85 = tpu.memref_squeeze %dma_start3A_84 : memref<1x64x256xf32, #tpu.memory_space<vmem>> -> memref<64x256xf32, #tpu.memory_space<vmem>>
    %dma_start3A_86 = arith.constant 0 : i32
    %dma_start3A_87 = tpu.memref_slice %arg4[%add3A_80, %dma_start3A_86] : memref<16384x256xf32, #tpu.memory_space<hbm>> -> memref<64x256xf32, #tpu.memory_space<hbm>>
    %dma_start3A_88 = arith.constant 0 : i32
    %dma_start3A_89 = tpu.memref_slice %arg4[%add3A_80, %dma_start3A_88] : memref<16384x256xf32, #tpu.memory_space<hbm>> -> memref<64x256xf32, #tpu.memory_space<hbm>>
    %dma_start3A_90 = arith.constant 0 : i32
    %dma_start3A_91 = arith.constant 0 : i32
    %dma_start3A_92 = tpu.memref_slice %arg6[%dma_start3A_81, %dma_start3A_90, %dma_start3A_91] : memref<2x64x256xf32, #tpu.memory_space<vmem>> -> memref<1x64x256xf32, #tpu.memory_space<vmem>>
    %dma_start3A_93 = tpu.memref_squeeze %dma_start3A_92 : memref<1x64x256xf32, #tpu.memory_space<vmem>> -> memref<64x256xf32, #tpu.memory_space<vmem>>
    tpu.enqueue_dma source(%dma_start3A_93 : memref<64x256xf32, #tpu.memory_space<vmem>>) target(%dma_start3A_89 : memref<64x256xf32, #tpu.memory_space<hbm>>) target_semaphore(%arg10 : memref<!tpu.dma_semaphore, #tpu.memory_space<semaphore_mem>>)
    %dma_wait3A_94 = arith.constant 1 : i32
    %dma_wait3A_95 = arith.constant 0 : i32
    %dma_wait3A_96 = arith.constant 0 : i32
    %dma_wait3A_97 = tpu.memref_slice %arg6[%dma_wait3A_94, %dma_wait3A_95, %dma_wait3A_96] : memref<2x64x256xf32, #tpu.memory_space<vmem>> -> memref<1x64x256xf32, #tpu.memory_space<vmem>>
    %dma_wait3A_98 = tpu.memref_squeeze %dma_wait3A_97 : memref<1x64x256xf32, #tpu.memory_space<vmem>> -> memref<64x256xf32, #tpu.memory_space<vmem>>
    %dma_wait3A_99 = arith.constant 0 : i32
    %dma_wait3A_100 = tpu.memref_slice %arg4[%add3A_80, %dma_wait3A_99] : memref<16384x256xf32, #tpu.memory_space<hbm>> -> memref<64x256xf32, #tpu.memory_space<hbm>>
    %dma_wait3A_101 = arith.constant 0 : i32
    %dma_wait3A_102 = tpu.memref_slice %arg4[%add3A_80, %dma_wait3A_101] : memref<16384x256xf32, #tpu.memory_space<hbm>> -> memref<64x256xf32, #tpu.memory_space<hbm>>
    %dma_wait3A_103 = arith.constant 0 : i32
    %dma_wait3A_104 = arith.constant 0 : i32
    %dma_wait3A_105 = tpu.memref_slice %arg6[%dma_wait3A_94, %dma_wait3A_103, %dma_wait3A_104] : memref<2x64x256xf32, #tpu.memory_space<vmem>> -> memref<1x64x256xf32, #tpu.memory_space<vmem>>
    %dma_wait3A_106 = tpu.memref_squeeze %dma_wait3A_105 : memref<1x64x256xf32, #tpu.memory_space<vmem>> -> memref<64x256xf32, #tpu.memory_space<vmem>>
    tpu.wait_dma2 semaphore(%arg10 : memref<!tpu.dma_semaphore, #tpu.memory_space<semaphore_mem>>) src(%dma_wait3A_106 : memref<64x256xf32, #tpu.memory_space<vmem>>) dst(%dma_wait3A_102 : memref<64x256xf32, #tpu.memory_space<hbm>>)
    %dma_start3A_107 = arith.constant 1 : i32
    %dma_start3A_108 = arith.constant 0 : i32
    %dma_start3A_109 = arith.constant 0 : i32
    %dma_start3A_110 = tpu.memref_slice %arg6[%dma_start3A_107, %dma_start3A_108, %dma_start3A_109] : memref<2x64x256xf32, #tpu.memory_space<vmem>> -> memref<1x64x256xf32, #tpu.memory_space<vmem>>
    %dma_start3A_111 = tpu.memref_squeeze %dma_start3A_110 : memref<1x64x256xf32, #tpu.memory_space<vmem>> -> memref<64x256xf32, #tpu.memory_space<vmem>>
    %dma_start3A_112 = arith.constant 192 : i32
    %dma_start3A_113 = tpu.memref_slice %arg5[%dma_start3A_112] : memref<512xi32, #tpu.memory_space<vmem>> -> memref<64xi32, #tpu.memory_space<vmem>>
    %dma_start3A_114 = arith.constant 0 : i32
    %dma_start3A_115 = arith.constant 0 : i32
    %dma_start3A_116 = tpu.memref_slice %arg3[%dma_start3A_114, %dma_start3A_115] : memref<100000x256xf32, #tpu.memory_space<hbm>> -> memref<100000x256xf32, #tpu.memory_space<hbm>>
    tpu.enqueue_indirect_dma source(%dma_start3A_116 : memref<100000x256xf32, #tpu.memory_space<hbm>>) target(%dma_start3A_111 : memref<64x256xf32, #tpu.memory_space<vmem>>) offsets(%dma_start3A_113 : memref<64xi32, #tpu.memory_space<vmem>>) semaphore(%arg8 : memref<!tpu.dma_semaphore, #tpu.memory_space<semaphore_mem>>)
    %dma_wait3A_117 = arith.constant 0 : i32
    %dma_wait3A_118 = arith.constant 0 : i32
    %dma_wait3A_119 = arith.constant 0 : i32
    %dma_wait3A_120 = tpu.memref_slice %arg6[%dma_wait3A_117, %dma_wait3A_118, %dma_wait3A_119] : memref<2x64x256xf32, #tpu.memory_space<vmem>> -> memref<1x64x256xf32, #tpu.memory_space<vmem>>
    %dma_wait3A_121 = tpu.memref_squeeze %dma_wait3A_120 : memref<1x64x256xf32, #tpu.memory_space<vmem>> -> memref<64x256xf32, #tpu.memory_space<vmem>>
    %dma_wait3A_122 = arith.constant 128 : i32
    %dma_wait3A_123 = tpu.memref_slice %arg5[%dma_wait3A_122] : memref<512xi32, #tpu.memory_space<vmem>> -> memref<64xi32, #tpu.memory_space<vmem>>
    %dma_wait3A_124 = arith.constant 0 : i32
    %dma_wait3A_125 = arith.constant 0 : i32
    %dma_wait3A_126 = tpu.memref_slice %arg3[%dma_wait3A_124, %dma_wait3A_125] : memref<100000x256xf32, #tpu.memory_space<hbm>> -> memref<100000x256xf32, #tpu.memory_space<hbm>>
    tpu.wait_indirect_dma semaphore(%arg7 : memref<!tpu.dma_semaphore, #tpu.memory_space<semaphore_mem>>) src(%dma_wait3A_126 : memref<100000x256xf32, #tpu.memory_space<hbm>>) dst(%dma_wait3A_121 : memref<64x256xf32, #tpu.memory_space<vmem>>)
    %add3A_127 = arith.constant 128 : i32
    %add3A_128 = arith.addi %mul3A_2, %add3A_127 : i32
    %dma_start3A_129 = arith.constant 0 : i32
    %dma_start3A_130 = arith.constant 0 : i32
    %dma_start3A_131 = arith.constant 0 : i32
    %dma_start3A_132 = tpu.memref_slice %arg6[%dma_start3A_129, %dma_start3A_130, %dma_start3A_131] : memref<2x64x256xf32, #tpu.memory_space<vmem>> -> memref<1x64x256xf32, #tpu.memory_space<vmem>>
    %dma_start3A_133 = tpu.memref_squeeze %dma_start3A_132 : memref<1x64x256xf32, #tpu.memory_space<vmem>> -> memref<64x256xf32, #tpu.memory_space<vmem>>
    %dma_start3A_134 = arith.constant 0 : i32
    %dma_start3A_135 = tpu.memref_slice %arg4[%add3A_128, %dma_start3A_134] : memref<16384x256xf32, #tpu.memory_space<hbm>> -> memref<64x256xf32, #tpu.memory_space<hbm>>
    %dma_start3A_136 = arith.constant 0 : i32
    %dma_start3A_137 = tpu.memref_slice %arg4[%add3A_128, %dma_start3A_136] : memref<16384x256xf32, #tpu.memory_space<hbm>> -> memref<64x256xf32, #tpu.memory_space<hbm>>
    %dma_start3A_138 = arith.constant 0 : i32
    %dma_start3A_139 = arith.constant 0 : i32
    %dma_start3A_140 = tpu.memref_slice %arg6[%dma_start3A_129, %dma_start3A_138, %dma_start3A_139] : memref<2x64x256xf32, #tpu.memory_space<vmem>> -> memref<1x64x256xf32, #tpu.memory_space<vmem>>
    %dma_start3A_141 = tpu.memref_squeeze %dma_start3A_140 : memref<1x64x256xf32, #tpu.memory_space<vmem>> -> memref<64x256xf32, #tpu.memory_space<vmem>>
    tpu.enqueue_dma source(%dma_start3A_141 : memref<64x256xf32, #tpu.memory_space<vmem>>) target(%dma_start3A_137 : memref<64x256xf32, #tpu.memory_space<hbm>>) target_semaphore(%arg9 : memref<!tpu.dma_semaphore, #tpu.memory_space<semaphore_mem>>)
    %dma_wait3A_142 = arith.constant 0 : i32
    %dma_wait3A_143 = arith.constant 0 : i32
    %dma_wait3A_144 = arith.constant 0 : i32
    %dma_wait3A_145 = tpu.memref_slice %arg6[%dma_wait3A_142, %dma_wait3A_143, %dma_wait3A_144] : memref<2x64x256xf32, #tpu.memory_space<vmem>> -> memref<1x64x256xf32, #tpu.memory_space<vmem>>
    %dma_wait3A_146 = tpu.memref_squeeze %dma_wait3A_145 : memref<1x64x256xf32, #tpu.memory_space<vmem>> -> memref<64x256xf32, #tpu.memory_space<vmem>>
    %dma_wait3A_147 = arith.constant 0 : i32
    %dma_wait3A_148 = tpu.memref_slice %arg4[%add3A_128, %dma_wait3A_147] : memref<16384x256xf32, #tpu.memory_space<hbm>> -> memref<64x256xf32, #tpu.memory_space<hbm>>
    %dma_wait3A_149 = arith.constant 0 : i32
    %dma_wait3A_150 = tpu.memref_slice %arg4[%add3A_128, %dma_wait3A_149] : memref<16384x256xf32, #tpu.memory_space<hbm>> -> memref<64x256xf32, #tpu.memory_space<hbm>>
    %dma_wait3A_151 = arith.constant 0 : i32
    %dma_wait3A_152 = arith.constant 0 : i32
    %dma_wait3A_153 = tpu.memref_slice %arg6[%dma_wait3A_142, %dma_wait3A_151, %dma_wait3A_152] : memref<2x64x256xf32, #tpu.memory_space<vmem>> -> memref<1x64x256xf32, #tpu.memory_space<vmem>>
    %dma_wait3A_154 = tpu.memref_squeeze %dma_wait3A_153 : memref<1x64x256xf32, #tpu.memory_space<vmem>> -> memref<64x256xf32, #tpu.memory_space<vmem>>
    tpu.wait_dma2 semaphore(%arg9 : memref<!tpu.dma_semaphore, #tpu.memory_space<semaphore_mem>>) src(%dma_wait3A_154 : memref<64x256xf32, #tpu.memory_space<vmem>>) dst(%dma_wait3A_150 : memref<64x256xf32, #tpu.memory_space<hbm>>)
    %dma_start3A_155 = arith.constant 0 : i32
    %dma_start3A_156 = arith.constant 0 : i32
    %dma_start3A_157 = arith.constant 0 : i32
    %dma_start3A_158 = tpu.memref_slice %arg6[%dma_start3A_155, %dma_start3A_156, %dma_start3A_157] : memref<2x64x256xf32, #tpu.memory_space<vmem>> -> memref<1x64x256xf32, #tpu.memory_space<vmem>>
    %dma_start3A_159 = tpu.memref_squeeze %dma_start3A_158 : memref<1x64x256xf32, #tpu.memory_space<vmem>> -> memref<64x256xf32, #tpu.memory_space<vmem>>
    %dma_start3A_160 = arith.constant 256 : i32
    %dma_start3A_161 = tpu.memref_slice %arg5[%dma_start3A_160] : memref<512xi32, #tpu.memory_space<vmem>> -> memref<64xi32, #tpu.memory_space<vmem>>
    %dma_start3A_162 = arith.constant 0 : i32
    %dma_start3A_163 = arith.constant 0 : i32
    %dma_start3A_164 = tpu.memref_slice %arg3[%dma_start3A_162, %dma_start3A_163] : memref<100000x256xf32, #tpu.memory_space<hbm>> -> memref<100000x256xf32, #tpu.memory_space<hbm>>
    tpu.enqueue_indirect_dma source(%dma_start3A_164 : memref<100000x256xf32, #tpu.memory_space<hbm>>) target(%dma_start3A_159 : memref<64x256xf32, #tpu.memory_space<vmem>>) offsets(%dma_start3A_161 : memref<64xi32, #tpu.memory_space<vmem>>) semaphore(%arg7 : memref<!tpu.dma_semaphore, #tpu.memory_space<semaphore_mem>>)
    %dma_wait3A_165 = arith.constant 1 : i32
    %dma_wait3A_166 = arith.constant 0 : i32
    %dma_wait3A_167 = arith.constant 0 : i32
    %dma_wait3A_168 = tpu.memref_slice %arg6[%dma_wait3A_165, %dma_wait3A_166, %dma_wait3A_167] : memref<2x64x256xf32, #tpu.memory_space<vmem>> -> memref<1x64x256xf32, #tpu.memory_space<vmem>>
    %dma_wait3A_169 = tpu.memref_squeeze %dma_wait3A_168 : memref<1x64x256xf32, #tpu.memory_space<vmem>> -> memref<64x256xf32, #tpu.memory_space<vmem>>
    %dma_wait3A_170 = arith.constant 192 : i32
    %dma_wait3A_171 = tpu.memref_slice %arg5[%dma_wait3A_170] : memref<512xi32, #tpu.memory_space<vmem>> -> memref<64xi32, #tpu.memory_space<vmem>>
    %dma_wait3A_172 = arith.constant 0 : i32
    %dma_wait3A_173 = arith.constant 0 : i32
    %dma_wait3A_174 = tpu.memref_slice %arg3[%dma_wait3A_172, %dma_wait3A_173] : memref<100000x256xf32, #tpu.memory_space<hbm>> -> memref<100000x256xf32, #tpu.memory_space<hbm>>
    tpu.wait_indirect_dma semaphore(%arg8 : memref<!tpu.dma_semaphore, #tpu.memory_space<semaphore_mem>>) src(%dma_wait3A_174 : memref<100000x256xf32, #tpu.memory_space<hbm>>) dst(%dma_wait3A_169 : memref<64x256xf32, #tpu.memory_space<vmem>>)
    %add3A_175 = arith.constant 192 : i32
    %add3A_176 = arith.addi %mul3A_2, %add3A_175 : i32
    %dma_start3A_177 = arith.constant 1 : i32
    %dma_start3A_178 = arith.constant 0 : i32
    %dma_start3A_179 = arith.constant 0 : i32
    %dma_start3A_180 = tpu.memref_slice %arg6[%dma_start3A_177, %dma_start3A_178, %dma_start3A_179] : memref<2x64x256xf32, #tpu.memory_space<vmem>> -> memref<1x64x256xf32, #tpu.memory_space<vmem>>
    %dma_start3A_181 = tpu.memref_squeeze %dma_start3A_180 : memref<1x64x256xf32, #tpu.memory_space<vmem>> -> memref<64x256xf32, #tpu.memory_space<vmem>>
    %dma_start3A_182 = arith.constant 0 : i32
    %dma_start3A_183 = tpu.memref_slice %arg4[%add3A_176, %dma_start3A_182] : memref<16384x256xf32, #tpu.memory_space<hbm>> -> memref<64x256xf32, #tpu.memory_space<hbm>>
    %dma_start3A_184 = arith.constant 0 : i32
    %dma_start3A_185 = tpu.memref_slice %arg4[%add3A_176, %dma_start3A_184] : memref<16384x256xf32, #tpu.memory_space<hbm>> -> memref<64x256xf32, #tpu.memory_space<hbm>>
    %dma_start3A_186 = arith.constant 0 : i32
    %dma_start3A_187 = arith.constant 0 : i32
    %dma_start3A_188 = tpu.memref_slice %arg6[%dma_start3A_177, %dma_start3A_186, %dma_start3A_187] : memref<2x64x256xf32, #tpu.memory_space<vmem>> -> memref<1x64x256xf32, #tpu.memory_space<vmem>>
    %dma_start3A_189 = tpu.memref_squeeze %dma_start3A_188 : memref<1x64x256xf32, #tpu.memory_space<vmem>> -> memref<64x256xf32, #tpu.memory_space<vmem>>
    tpu.enqueue_dma source(%dma_start3A_189 : memref<64x256xf32, #tpu.memory_space<vmem>>) target(%dma_start3A_185 : memref<64x256xf32, #tpu.memory_space<hbm>>) target_semaphore(%arg10 : memref<!tpu.dma_semaphore, #tpu.memory_space<semaphore_mem>>)
    %dma_wait3A_190 = arith.constant 1 : i32
    %dma_wait3A_191 = arith.constant 0 : i32
    %dma_wait3A_192 = arith.constant 0 : i32
    %dma_wait3A_193 = tpu.memref_slice %arg6[%dma_wait3A_190, %dma_wait3A_191, %dma_wait3A_192] : memref<2x64x256xf32, #tpu.memory_space<vmem>> -> memref<1x64x256xf32, #tpu.memory_space<vmem>>
    %dma_wait3A_194 = tpu.memref_squeeze %dma_wait3A_193 : memref<1x64x256xf32, #tpu.memory_space<vmem>> -> memref<64x256xf32, #tpu.memory_space<vmem>>
    %dma_wait3A_195 = arith.constant 0 : i32
    %dma_wait3A_196 = tpu.memref_slice %arg4[%add3A_176, %dma_wait3A_195] : memref<16384x256xf32, #tpu.memory_space<hbm>> -> memref<64x256xf32, #tpu.memory_space<hbm>>
    %dma_wait3A_197 = arith.constant 0 : i32
    %dma_wait3A_198 = tpu.memref_slice %arg4[%add3A_176, %dma_wait3A_197] : memref<16384x256xf32, #tpu.memory_space<hbm>> -> memref<64x256xf32, #tpu.memory_space<hbm>>
    %dma_wait3A_199 = arith.constant 0 : i32
    %dma_wait3A_200 = arith.constant 0 : i32
    %dma_wait3A_201 = tpu.memref_slice %arg6[%dma_wait3A_190, %dma_wait3A_199, %dma_wait3A_200] : memref<2x64x256xf32, #tpu.memory_space<vmem>> -> memref<1x64x256xf32, #tpu.memory_space<vmem>>
    %dma_wait3A_202 = tpu.memref_squeeze %dma_wait3A_201 : memref<1x64x256xf32, #tpu.memory_space<vmem>> -> memref<64x256xf32, #tpu.memory_space<vmem>>
    tpu.wait_dma2 semaphore(%arg10 : memref<!tpu.dma_semaphore, #tpu.memory_space<semaphore_mem>>) src(%dma_wait3A_202 : memref<64x256xf32, #tpu.memory_space<vmem>>) dst(%dma_wait3A_198 : memref<64x256xf32, #tpu.memory_space<hbm>>)
    %dma_start3A_203 = arith.constant 1 : i32
    %dma_start3A_204 = arith.constant 0 : i32
    %dma_start3A_205 = arith.constant 0 : i32
    %dma_start3A_206 = tpu.memref_slice %arg6[%dma_start3A_203, %dma_start3A_204, %dma_start3A_205] : memref<2x64x256xf32, #tpu.memory_space<vmem>> -> memref<1x64x256xf32, #tpu.memory_space<vmem>>
    %dma_start3A_207 = tpu.memref_squeeze %dma_start3A_206 : memref<1x64x256xf32, #tpu.memory_space<vmem>> -> memref<64x256xf32, #tpu.memory_space<vmem>>
    %dma_start3A_208 = arith.constant 320 : i32
    %dma_start3A_209 = tpu.memref_slice %arg5[%dma_start3A_208] : memref<512xi32, #tpu.memory_space<vmem>> -> memref<64xi32, #tpu.memory_space<vmem>>
    %dma_start3A_210 = arith.constant 0 : i32
    %dma_start3A_211 = arith.constant 0 : i32
    %dma_start3A_212 = tpu.memref_slice %arg3[%dma_start3A_210, %dma_start3A_211] : memref<100000x256xf32, #tpu.memory_space<hbm>> -> memref<100000x256xf32, #tpu.memory_space<hbm>>
    tpu.enqueue_indirect_dma source(%dma_start3A_212 : memref<100000x256xf32, #tpu.memory_space<hbm>>) target(%dma_start3A_207 : memref<64x256xf32, #tpu.memory_space<vmem>>) offsets(%dma_start3A_209 : memref<64xi32, #tpu.memory_space<vmem>>) semaphore(%arg8 : memref<!tpu.dma_semaphore, #tpu.memory_space<semaphore_mem>>)
    %dma_wait3A_213 = arith.constant 0 : i32
    %dma_wait3A_214 = arith.constant 0 : i32
    %dma_wait3A_215 = arith.constant 0 : i32
    %dma_wait3A_216 = tpu.memref_slice %arg6[%dma_wait3A_213, %dma_wait3A_214, %dma_wait3A_215] : memref<2x64x256xf32, #tpu.memory_space<vmem>> -> memref<1x64x256xf32, #tpu.memory_space<vmem>>
    %dma_wait3A_217 = tpu.memref_squeeze %dma_wait3A_216 : memref<1x64x256xf32, #tpu.memory_space<vmem>> -> memref<64x256xf32, #tpu.memory_space<vmem>>
    %dma_wait3A_218 = arith.constant 256 : i32
    %dma_wait3A_219 = tpu.memref_slice %arg5[%dma_wait3A_218] : memref<512xi32, #tpu.memory_space<vmem>> -> memref<64xi32, #tpu.memory_space<vmem>>
    %dma_wait3A_220 = arith.constant 0 : i32
    %dma_wait3A_221 = arith.constant 0 : i32
    %dma_wait3A_222 = tpu.memref_slice %arg3[%dma_wait3A_220, %dma_wait3A_221] : memref<100000x256xf32, #tpu.memory_space<hbm>> -> memref<100000x256xf32, #tpu.memory_space<hbm>>
    tpu.wait_indirect_dma semaphore(%arg7 : memref<!tpu.dma_semaphore, #tpu.memory_space<semaphore_mem>>) src(%dma_wait3A_222 : memref<100000x256xf32, #tpu.memory_space<hbm>>) dst(%dma_wait3A_217 : memref<64x256xf32, #tpu.memory_space<vmem>>)
    %add3A_223 = arith.constant 256 : i32
    %add3A_224 = arith.addi %mul3A_2, %add3A_223 : i32
    %dma_start3A_225 = arith.constant 0 : i32
    %dma_start3A_226 = arith.constant 0 : i32
    %dma_start3A_227 = arith.constant 0 : i32
    %dma_start3A_228 = tpu.memref_slice %arg6[%dma_start3A_225, %dma_start3A_226, %dma_start3A_227] : memref<2x64x256xf32, #tpu.memory_space<vmem>> -> memref<1x64x256xf32, #tpu.memory_space<vmem>>
    %dma_start3A_229 = tpu.memref_squeeze %dma_start3A_228 : memref<1x64x256xf32, #tpu.memory_space<vmem>> -> memref<64x256xf32, #tpu.memory_space<vmem>>
    %dma_start3A_230 = arith.constant 0 : i32
    %dma_start3A_231 = tpu.memref_slice %arg4[%add3A_224, %dma_start3A_230] : memref<16384x256xf32, #tpu.memory_space<hbm>> -> memref<64x256xf32, #tpu.memory_space<hbm>>
    %dma_start3A_232 = arith.constant 0 : i32
    %dma_start3A_233 = tpu.memref_slice %arg4[%add3A_224, %dma_start3A_232] : memref<16384x256xf32, #tpu.memory_space<hbm>> -> memref<64x256xf32, #tpu.memory_space<hbm>>
    %dma_start3A_234 = arith.constant 0 : i32
    %dma_start3A_235 = arith.constant 0 : i32
    %dma_start3A_236 = tpu.memref_slice %arg6[%dma_start3A_225, %dma_start3A_234, %dma_start3A_235] : memref<2x64x256xf32, #tpu.memory_space<vmem>> -> memref<1x64x256xf32, #tpu.memory_space<vmem>>
    %dma_start3A_237 = tpu.memref_squeeze %dma_start3A_236 : memref<1x64x256xf32, #tpu.memory_space<vmem>> -> memref<64x256xf32, #tpu.memory_space<vmem>>
    tpu.enqueue_dma source(%dma_start3A_237 : memref<64x256xf32, #tpu.memory_space<vmem>>) target(%dma_start3A_233 : memref<64x256xf32, #tpu.memory_space<hbm>>) target_semaphore(%arg9 : memref<!tpu.dma_semaphore, #tpu.memory_space<semaphore_mem>>)
    %dma_wait3A_238 = arith.constant 0 : i32
    %dma_wait3A_239 = arith.constant 0 : i32
    %dma_wait3A_240 = arith.constant 0 : i32
    %dma_wait3A_241 = tpu.memref_slice %arg6[%dma_wait3A_238, %dma_wait3A_239, %dma_wait3A_240] : memref<2x64x256xf32, #tpu.memory_space<vmem>> -> memref<1x64x256xf32, #tpu.memory_space<vmem>>
    %dma_wait3A_242 = tpu.memref_squeeze %dma_wait3A_241 : memref<1x64x256xf32, #tpu.memory_space<vmem>> -> memref<64x256xf32, #tpu.memory_space<vmem>>
    %dma_wait3A_243 = arith.constant 0 : i32
    %dma_wait3A_244 = tpu.memref_slice %arg4[%add3A_224, %dma_wait3A_243] : memref<16384x256xf32, #tpu.memory_space<hbm>> -> memref<64x256xf32, #tpu.memory_space<hbm>>
    %dma_wait3A_245 = arith.constant 0 : i32
    %dma_wait3A_246 = tpu.memref_slice %arg4[%add3A_224, %dma_wait3A_245] : memref<16384x256xf32, #tpu.memory_space<hbm>> -> memref<64x256xf32, #tpu.memory_space<hbm>>
    %dma_wait3A_247 = arith.constant 0 : i32
    %dma_wait3A_248 = arith.constant 0 : i32
    %dma_wait3A_249 = tpu.memref_slice %arg6[%dma_wait3A_238, %dma_wait3A_247, %dma_wait3A_248] : memref<2x64x256xf32, #tpu.memory_space<vmem>> -> memref<1x64x256xf32, #tpu.memory_space<vmem>>
    %dma_wait3A_250 = tpu.memref_squeeze %dma_wait3A_249 : memref<1x64x256xf32, #tpu.memory_space<vmem>> -> memref<64x256xf32, #tpu.memory_space<vmem>>
    tpu.wait_dma2 semaphore(%arg9 : memref<!tpu.dma_semaphore, #tpu.memory_space<semaphore_mem>>) src(%dma_wait3A_250 : memref<64x256xf32, #tpu.memory_space<vmem>>) dst(%dma_wait3A_246 : memref<64x256xf32, #tpu.memory_space<hbm>>)
    %dma_start3A_251 = arith.constant 0 : i32
    %dma_start3A_252 = arith.constant 0 : i32
    %dma_start3A_253 = arith.constant 0 : i32
    %dma_start3A_254 = tpu.memref_slice %arg6[%dma_start3A_251, %dma_start3A_252, %dma_start3A_253] : memref<2x64x256xf32, #tpu.memory_space<vmem>> -> memref<1x64x256xf32, #tpu.memory_space<vmem>>
    %dma_start3A_255 = tpu.memref_squeeze %dma_start3A_254 : memref<1x64x256xf32, #tpu.memory_space<vmem>> -> memref<64x256xf32, #tpu.memory_space<vmem>>
    %dma_start3A_256 = arith.constant 384 : i32
    %dma_start3A_257 = tpu.memref_slice %arg5[%dma_start3A_256] : memref<512xi32, #tpu.memory_space<vmem>> -> memref<64xi32, #tpu.memory_space<vmem>>
    %dma_start3A_258 = arith.constant 0 : i32
    %dma_start3A_259 = arith.constant 0 : i32
    %dma_start3A_260 = tpu.memref_slice %arg3[%dma_start3A_258, %dma_start3A_259] : memref<100000x256xf32, #tpu.memory_space<hbm>> -> memref<100000x256xf32, #tpu.memory_space<hbm>>
    tpu.enqueue_indirect_dma source(%dma_start3A_260 : memref<100000x256xf32, #tpu.memory_space<hbm>>) target(%dma_start3A_255 : memref<64x256xf32, #tpu.memory_space<vmem>>) offsets(%dma_start3A_257 : memref<64xi32, #tpu.memory_space<vmem>>) semaphore(%arg7 : memref<!tpu.dma_semaphore, #tpu.memory_space<semaphore_mem>>)
    %dma_wait3A_261 = arith.constant 1 : i32
    %dma_wait3A_262 = arith.constant 0 : i32
    %dma_wait3A_263 = arith.constant 0 : i32
    %dma_wait3A_264 = tpu.memref_slice %arg6[%dma_wait3A_261, %dma_wait3A_262, %dma_wait3A_263] : memref<2x64x256xf32, #tpu.memory_space<vmem>> -> memref<1x64x256xf32, #tpu.memory_space<vmem>>
    %dma_wait3A_265 = tpu.memref_squeeze %dma_wait3A_264 : memref<1x64x256xf32, #tpu.memory_space<vmem>> -> memref<64x256xf32, #tpu.memory_space<vmem>>
    %dma_wait3A_266 = arith.constant 320 : i32
    %dma_wait3A_267 = tpu.memref_slice %arg5[%dma_wait3A_266] : memref<512xi32, #tpu.memory_space<vmem>> -> memref<64xi32, #tpu.memory_space<vmem>>
    %dma_wait3A_268 = arith.constant 0 : i32
    %dma_wait3A_269 = arith.constant 0 : i32
    %dma_wait3A_270 = tpu.memref_slice %arg3[%dma_wait3A_268, %dma_wait3A_269] : memref<100000x256xf32, #tpu.memory_space<hbm>> -> memref<100000x256xf32, #tpu.memory_space<hbm>>
    tpu.wait_indirect_dma semaphore(%arg8 : memref<!tpu.dma_semaphore, #tpu.memory_space<semaphore_mem>>) src(%dma_wait3A_270 : memref<100000x256xf32, #tpu.memory_space<hbm>>) dst(%dma_wait3A_265 : memref<64x256xf32, #tpu.memory_space<vmem>>)
    %add3A_271 = arith.constant 320 : i32
    %add3A_272 = arith.addi %mul3A_2, %add3A_271 : i32
    %dma_start3A_273 = arith.constant 1 : i32
    %dma_start3A_274 = arith.constant 0 : i32
    %dma_start3A_275 = arith.constant 0 : i32
    %dma_start3A_276 = tpu.memref_slice %arg6[%dma_start3A_273, %dma_start3A_274, %dma_start3A_275] : memref<2x64x256xf32, #tpu.memory_space<vmem>> -> memref<1x64x256xf32, #tpu.memory_space<vmem>>
    %dma_start3A_277 = tpu.memref_squeeze %dma_start3A_276 : memref<1x64x256xf32, #tpu.memory_space<vmem>> -> memref<64x256xf32, #tpu.memory_space<vmem>>
    %dma_start3A_278 = arith.constant 0 : i32
    %dma_start3A_279 = tpu.memref_slice %arg4[%add3A_272, %dma_start3A_278] : memref<16384x256xf32, #tpu.memory_space<hbm>> -> memref<64x256xf32, #tpu.memory_space<hbm>>
    %dma_start3A_280 = arith.constant 0 : i32
    %dma_start3A_281 = tpu.memref_slice %arg4[%add3A_272, %dma_start3A_280] : memref<16384x256xf32, #tpu.memory_space<hbm>> -> memref<64x256xf32, #tpu.memory_space<hbm>>
    %dma_start3A_282 = arith.constant 0 : i32
    %dma_start3A_283 = arith.constant 0 : i32
    %dma_start3A_284 = tpu.memref_slice %arg6[%dma_start3A_273, %dma_start3A_282, %dma_start3A_283] : memref<2x64x256xf32, #tpu.memory_space<vmem>> -> memref<1x64x256xf32, #tpu.memory_space<vmem>>
    %dma_start3A_285 = tpu.memref_squeeze %dma_start3A_284 : memref<1x64x256xf32, #tpu.memory_space<vmem>> -> memref<64x256xf32, #tpu.memory_space<vmem>>
    tpu.enqueue_dma source(%dma_start3A_285 : memref<64x256xf32, #tpu.memory_space<vmem>>) target(%dma_start3A_281 : memref<64x256xf32, #tpu.memory_space<hbm>>) target_semaphore(%arg10 : memref<!tpu.dma_semaphore, #tpu.memory_space<semaphore_mem>>)
    %dma_wait3A_286 = arith.constant 1 : i32
    %dma_wait3A_287 = arith.constant 0 : i32
    %dma_wait3A_288 = arith.constant 0 : i32
    %dma_wait3A_289 = tpu.memref_slice %arg6[%dma_wait3A_286, %dma_wait3A_287, %dma_wait3A_288] : memref<2x64x256xf32, #tpu.memory_space<vmem>> -> memref<1x64x256xf32, #tpu.memory_space<vmem>>
    %dma_wait3A_290 = tpu.memref_squeeze %dma_wait3A_289 : memref<1x64x256xf32, #tpu.memory_space<vmem>> -> memref<64x256xf32, #tpu.memory_space<vmem>>
    %dma_wait3A_291 = arith.constant 0 : i32
    %dma_wait3A_292 = tpu.memref_slice %arg4[%add3A_272, %dma_wait3A_291] : memref<16384x256xf32, #tpu.memory_space<hbm>> -> memref<64x256xf32, #tpu.memory_space<hbm>>
    %dma_wait3A_293 = arith.constant 0 : i32
    %dma_wait3A_294 = tpu.memref_slice %arg4[%add3A_272, %dma_wait3A_293] : memref<16384x256xf32, #tpu.memory_space<hbm>> -> memref<64x256xf32, #tpu.memory_space<hbm>>
    %dma_wait3A_295 = arith.constant 0 : i32
    %dma_wait3A_296 = arith.constant 0 : i32
    %dma_wait3A_297 = tpu.memref_slice %arg6[%dma_wait3A_286, %dma_wait3A_295, %dma_wait3A_296] : memref<2x64x256xf32, #tpu.memory_space<vmem>> -> memref<1x64x256xf32, #tpu.memory_space<vmem>>
    %dma_wait3A_298 = tpu.memref_squeeze %dma_wait3A_297 : memref<1x64x256xf32, #tpu.memory_space<vmem>> -> memref<64x256xf32, #tpu.memory_space<vmem>>
    tpu.wait_dma2 semaphore(%arg10 : memref<!tpu.dma_semaphore, #tpu.memory_space<semaphore_mem>>) src(%dma_wait3A_298 : memref<64x256xf32, #tpu.memory_space<vmem>>) dst(%dma_wait3A_294 : memref<64x256xf32, #tpu.memory_space<hbm>>)
    %dma_start3A_299 = arith.constant 1 : i32
    %dma_start3A_300 = arith.constant 0 : i32
    %dma_start3A_301 = arith.constant 0 : i32
    %dma_start3A_302 = tpu.memref_slice %arg6[%dma_start3A_299, %dma_start3A_300, %dma_start3A_301] : memref<2x64x256xf32, #tpu.memory_space<vmem>> -> memref<1x64x256xf32, #tpu.memory_space<vmem>>
    %dma_start3A_303 = tpu.memref_squeeze %dma_start3A_302 : memref<1x64x256xf32, #tpu.memory_space<vmem>> -> memref<64x256xf32, #tpu.memory_space<vmem>>
    %dma_start3A_304 = arith.constant 448 : i32
    %dma_start3A_305 = tpu.memref_slice %arg5[%dma_start3A_304] : memref<512xi32, #tpu.memory_space<vmem>> -> memref<64xi32, #tpu.memory_space<vmem>>
    %dma_start3A_306 = arith.constant 0 : i32
    %dma_start3A_307 = arith.constant 0 : i32
    %dma_start3A_308 = tpu.memref_slice %arg3[%dma_start3A_306, %dma_start3A_307] : memref<100000x256xf32, #tpu.memory_space<hbm>> -> memref<100000x256xf32, #tpu.memory_space<hbm>>
    tpu.enqueue_indirect_dma source(%dma_start3A_308 : memref<100000x256xf32, #tpu.memory_space<hbm>>) target(%dma_start3A_303 : memref<64x256xf32, #tpu.memory_space<vmem>>) offsets(%dma_start3A_305 : memref<64xi32, #tpu.memory_space<vmem>>) semaphore(%arg8 : memref<!tpu.dma_semaphore, #tpu.memory_space<semaphore_mem>>)
    %dma_wait3A_309 = arith.constant 0 : i32
    %dma_wait3A_310 = arith.constant 0 : i32
    %dma_wait3A_311 = arith.constant 0 : i32
    %dma_wait3A_312 = tpu.memref_slice %arg6[%dma_wait3A_309, %dma_wait3A_310, %dma_wait3A_311] : memref<2x64x256xf32, #tpu.memory_space<vmem>> -> memref<1x64x256xf32, #tpu.memory_space<vmem>>
    %dma_wait3A_313 = tpu.memref_squeeze %dma_wait3A_312 : memref<1x64x256xf32, #tpu.memory_space<vmem>> -> memref<64x256xf32, #tpu.memory_space<vmem>>
    %dma_wait3A_314 = arith.constant 384 : i32
    %dma_wait3A_315 = tpu.memref_slice %arg5[%dma_wait3A_314] : memref<512xi32, #tpu.memory_space<vmem>> -> memref<64xi32, #tpu.memory_space<vmem>>
    %dma_wait3A_316 = arith.constant 0 : i32
    %dma_wait3A_317 = arith.constant 0 : i32
    %dma_wait3A_318 = tpu.memref_slice %arg3[%dma_wait3A_316, %dma_wait3A_317] : memref<100000x256xf32, #tpu.memory_space<hbm>> -> memref<100000x256xf32, #tpu.memory_space<hbm>>
    tpu.wait_indirect_dma semaphore(%arg7 : memref<!tpu.dma_semaphore, #tpu.memory_space<semaphore_mem>>) src(%dma_wait3A_318 : memref<100000x256xf32, #tpu.memory_space<hbm>>) dst(%dma_wait3A_313 : memref<64x256xf32, #tpu.memory_space<vmem>>)
    %add3A_319 = arith.constant 384 : i32
    %add3A_320 = arith.addi %mul3A_2, %add3A_319 : i32
    %dma_start3A_321 = arith.constant 0 : i32
    %dma_start3A_322 = arith.constant 0 : i32
    %dma_start3A_323 = arith.constant 0 : i32
    %dma_start3A_324 = tpu.memref_slice %arg6[%dma_start3A_321, %dma_start3A_322, %dma_start3A_323] : memref<2x64x256xf32, #tpu.memory_space<vmem>> -> memref<1x64x256xf32, #tpu.memory_space<vmem>>
    %dma_start3A_325 = tpu.memref_squeeze %dma_start3A_324 : memref<1x64x256xf32, #tpu.memory_space<vmem>> -> memref<64x256xf32, #tpu.memory_space<vmem>>
    %dma_start3A_326 = arith.constant 0 : i32
    %dma_start3A_327 = tpu.memref_slice %arg4[%add3A_320, %dma_start3A_326] : memref<16384x256xf32, #tpu.memory_space<hbm>> -> memref<64x256xf32, #tpu.memory_space<hbm>>
    %dma_start3A_328 = arith.constant 0 : i32
    %dma_start3A_329 = tpu.memref_slice %arg4[%add3A_320, %dma_start3A_328] : memref<16384x256xf32, #tpu.memory_space<hbm>> -> memref<64x256xf32, #tpu.memory_space<hbm>>
    %dma_start3A_330 = arith.constant 0 : i32
    %dma_start3A_331 = arith.constant 0 : i32
    %dma_start3A_332 = tpu.memref_slice %arg6[%dma_start3A_321, %dma_start3A_330, %dma_start3A_331] : memref<2x64x256xf32, #tpu.memory_space<vmem>> -> memref<1x64x256xf32, #tpu.memory_space<vmem>>
    %dma_start3A_333 = tpu.memref_squeeze %dma_start3A_332 : memref<1x64x256xf32, #tpu.memory_space<vmem>> -> memref<64x256xf32, #tpu.memory_space<vmem>>
    tpu.enqueue_dma source(%dma_start3A_333 : memref<64x256xf32, #tpu.memory_space<vmem>>) target(%dma_start3A_329 : memref<64x256xf32, #tpu.memory_space<hbm>>) target_semaphore(%arg9 : memref<!tpu.dma_semaphore, #tpu.memory_space<semaphore_mem>>)
    %dma_wait3A_334 = arith.constant 1 : i32
    %dma_wait3A_335 = arith.constant 0 : i32
    %dma_wait3A_336 = arith.constant 0 : i32
    %dma_wait3A_337 = tpu.memref_slice %arg6[%dma_wait3A_334, %dma_wait3A_335, %dma_wait3A_336] : memref<2x64x256xf32, #tpu.memory_space<vmem>> -> memref<1x64x256xf32, #tpu.memory_space<vmem>>
    %dma_wait3A_338 = tpu.memref_squeeze %dma_wait3A_337 : memref<1x64x256xf32, #tpu.memory_space<vmem>> -> memref<64x256xf32, #tpu.memory_space<vmem>>
    %dma_wait3A_339 = arith.constant 448 : i32
    %dma_wait3A_340 = tpu.memref_slice %arg5[%dma_wait3A_339] : memref<512xi32, #tpu.memory_space<vmem>> -> memref<64xi32, #tpu.memory_space<vmem>>
    %dma_wait3A_341 = arith.constant 0 : i32
    %dma_wait3A_342 = arith.constant 0 : i32
    %dma_wait3A_343 = tpu.memref_slice %arg3[%dma_wait3A_341, %dma_wait3A_342] : memref<100000x256xf32, #tpu.memory_space<hbm>> -> memref<100000x256xf32, #tpu.memory_space<hbm>>
    tpu.wait_indirect_dma semaphore(%arg8 : memref<!tpu.dma_semaphore, #tpu.memory_space<semaphore_mem>>) src(%dma_wait3A_343 : memref<100000x256xf32, #tpu.memory_space<hbm>>) dst(%dma_wait3A_338 : memref<64x256xf32, #tpu.memory_space<vmem>>)
    %add3A_344 = arith.constant 448 : i32
    %add3A_345 = arith.addi %mul3A_2, %add3A_344 : i32
    %dma_start3A_346 = arith.constant 1 : i32
    %dma_start3A_347 = arith.constant 0 : i32
    %dma_start3A_348 = arith.constant 0 : i32
    %dma_start3A_349 = tpu.memref_slice %arg6[%dma_start3A_346, %dma_start3A_347, %dma_start3A_348] : memref<2x64x256xf32, #tpu.memory_space<vmem>> -> memref<1x64x256xf32, #tpu.memory_space<vmem>>
    %dma_start3A_350 = tpu.memref_squeeze %dma_start3A_349 : memref<1x64x256xf32, #tpu.memory_space<vmem>> -> memref<64x256xf32, #tpu.memory_space<vmem>>
    %dma_start3A_351 = arith.constant 0 : i32
    %dma_start3A_352 = tpu.memref_slice %arg4[%add3A_345, %dma_start3A_351] : memref<16384x256xf32, #tpu.memory_space<hbm>> -> memref<64x256xf32, #tpu.memory_space<hbm>>
    %dma_start3A_353 = arith.constant 0 : i32
    %dma_start3A_354 = tpu.memref_slice %arg4[%add3A_345, %dma_start3A_353] : memref<16384x256xf32, #tpu.memory_space<hbm>> -> memref<64x256xf32, #tpu.memory_space<hbm>>
    %dma_start3A_355 = arith.constant 0 : i32
    %dma_start3A_356 = arith.constant 0 : i32
    %dma_start3A_357 = tpu.memref_slice %arg6[%dma_start3A_346, %dma_start3A_355, %dma_start3A_356] : memref<2x64x256xf32, #tpu.memory_space<vmem>> -> memref<1x64x256xf32, #tpu.memory_space<vmem>>
    %dma_start3A_358 = tpu.memref_squeeze %dma_start3A_357 : memref<1x64x256xf32, #tpu.memory_space<vmem>> -> memref<64x256xf32, #tpu.memory_space<vmem>>
    tpu.enqueue_dma source(%dma_start3A_358 : memref<64x256xf32, #tpu.memory_space<vmem>>) target(%dma_start3A_354 : memref<64x256xf32, #tpu.memory_space<hbm>>) target_semaphore(%arg10 : memref<!tpu.dma_semaphore, #tpu.memory_space<semaphore_mem>>)
    %dma_wait3A_359 = arith.constant 0 : i32
    %dma_wait3A_360 = arith.constant 0 : i32
    %dma_wait3A_361 = arith.constant 0 : i32
    %dma_wait3A_362 = tpu.memref_slice %arg6[%dma_wait3A_359, %dma_wait3A_360, %dma_wait3A_361] : memref<2x64x256xf32, #tpu.memory_space<vmem>> -> memref<1x64x256xf32, #tpu.memory_space<vmem>>
    %dma_wait3A_363 = tpu.memref_squeeze %dma_wait3A_362 : memref<1x64x256xf32, #tpu.memory_space<vmem>> -> memref<64x256xf32, #tpu.memory_space<vmem>>
    %dma_wait3A_364 = arith.constant 0 : i32
    %dma_wait3A_365 = tpu.memref_slice %arg4[%add3A_320, %dma_wait3A_364] : memref<16384x256xf32, #tpu.memory_space<hbm>> -> memref<64x256xf32, #tpu.memory_space<hbm>>
    %dma_wait3A_366 = arith.constant 0 : i32
    %dma_wait3A_367 = tpu.memref_slice %arg4[%add3A_320, %dma_wait3A_366] : memref<16384x256xf32, #tpu.memory_space<hbm>> -> memref<64x256xf32, #tpu.memory_space<hbm>>
    %dma_wait3A_368 = arith.constant 0 : i32
    %dma_wait3A_369 = arith.constant 0 : i32
    %dma_wait3A_370 = tpu.memref_slice %arg6[%dma_wait3A_359, %dma_wait3A_368, %dma_wait3A_369] : memref<2x64x256xf32, #tpu.memory_space<vmem>> -> memref<1x64x256xf32, #tpu.memory_space<vmem>>
    %dma_wait3A_371 = tpu.memref_squeeze %dma_wait3A_370 : memref<1x64x256xf32, #tpu.memory_space<vmem>> -> memref<64x256xf32, #tpu.memory_space<vmem>>
    tpu.wait_dma2 semaphore(%arg9 : memref<!tpu.dma_semaphore, #tpu.memory_space<semaphore_mem>>) src(%dma_wait3A_371 : memref<64x256xf32, #tpu.memory_space<vmem>>) dst(%dma_wait3A_367 : memref<64x256xf32, #tpu.memory_space<hbm>>)
    %dma_wait3A_372 = arith.constant 1 : i32
    %dma_wait3A_373 = arith.constant 0 : i32
    %dma_wait3A_374 = arith.constant 0 : i32
    %dma_wait3A_375 = tpu.memref_slice %arg6[%dma_wait3A_372, %dma_wait3A_373, %dma_wait3A_374] : memref<2x64x256xf32, #tpu.memory_space<vmem>> -> memref<1x64x256xf32, #tpu.memory_space<vmem>>
    %dma_wait3A_376 = tpu.memref_squeeze %dma_wait3A_375 : memref<1x64x256xf32, #tpu.memory_space<vmem>> -> memref<64x256xf32, #tpu.memory_space<vmem>>
    %dma_wait3A_377 = arith.constant 0 : i32
    %dma_wait3A_378 = tpu.memref_slice %arg4[%add3A_345, %dma_wait3A_377] : memref<16384x256xf32, #tpu.memory_space<hbm>> -> memref<64x256xf32, #tpu.memory_space<hbm>>
    %dma_wait3A_379 = arith.constant 0 : i32
    %dma_wait3A_380 = tpu.memref_slice %arg4[%add3A_345, %dma_wait3A_379] : memref<16384x256xf32, #tpu.memory_space<hbm>> -> memref<64x256xf32, #tpu.memory_space<hbm>>
    %dma_wait3A_381 = arith.constant 0 : i32
    %dma_wait3A_382 = arith.constant 0 : i32
    %dma_wait3A_383 = tpu.memref_slice %arg6[%dma_wait3A_372, %dma_wait3A_381, %dma_wait3A_382] : memref<2x64x256xf32, #tpu.memory_space<vmem>> -> memref<1x64x256xf32, #tpu.memory_space<vmem>>
    %dma_wait3A_384 = tpu.memref_squeeze %dma_wait3A_383 : memref<1x64x256xf32, #tpu.memory_space<vmem>> -> memref<64x256xf32, #tpu.memory_space<vmem>>
    tpu.wait_dma2 semaphore(%arg10 : memref<!tpu.dma_semaphore, #tpu.memory_space<semaphore_mem>>) src(%dma_wait3A_384 : memref<64x256xf32, #tpu.memory_space<vmem>>) dst(%dma_wait3A_380 : memref<64x256xf32, #tpu.memory_space<hbm>>)
    return
  }
}

#map = affine_map<(d0, d1) -> (0)>
#map1 = affine_map<(d0, d1) -> (0, 0)>
module attributes {stable_mosaic.version = 14 : i64} {
  func.func @_sc_small_body(%arg0: i32, %arg1: i32, %arg2: memref<16384xi32, #tpu.memory_space<hbm>>, %arg3: memref<16384xi32, #tpu.memory_space<hbm>>, %arg4: memref<100000x32xf32, #tpu.memory_space<hbm>>, %arg5: memref<100000x32xf32, #tpu.memory_space<hbm>>, %arg6: memref<16384x32xf32, #tpu.memory_space<hbm>>, %arg7: memref<16384x32xf32, #tpu.memory_space<hbm>>, %arg8: memref<512xi32, #tpu.memory_space<vmem>>, %arg9: memref<512xi32, #tpu.memory_space<vmem>>, %arg10: memref<512x32xf32, #tpu.memory_space<vmem>>, %arg11: memref<512x32xf32, #tpu.memory_space<vmem>>, %arg12: memref<!tpu.dma_semaphore, #tpu.memory_space<semaphore_mem>>) attributes {dimension_semantics = [#tpu.dimension_semantics<core_parallel>, #tpu.dimension_semantics<subcore_parallel>], iteration_bounds = array<i64: 2, 16>, scalar_prefetch = 0 : i64, scratch_operands = 5 : i64, tpu.core_type = #tpu.core_type<sc_vector_subcore>, window_params = [{transform_indices = #map}, {transform_indices = #map}, {transform_indices = #map1}, {transform_indices = #map1}, {transform_indices = #map1}, {transform_indices = #map1}]} {
    %mul3A = arith.constant 2 : i32
    %mul3A_0 = arith.muli %arg1, %mul3A : i32
    %add3A = arith.addi %mul3A_0, %arg0 : i32
    %mul3A_1 = arith.constant 512 : i32
    %mul3A_2 = arith.muli %add3A, %mul3A_1 : i32
    "tpu.region"() ({
      %run_scoped3A = tpu.sem_alloc : memref<!tpu.dma_semaphore, #tpu.memory_space<semaphore_mem>>
      %dma_start3A_13 = tpu.memref_slice %arg2[%mul3A_2] : memref<16384xi32, #tpu.memory_space<hbm>> -> memref<512xi32, #tpu.memory_space<hbm>>
      %dma_start3A_14 = tpu.memref_slice %arg2[%mul3A_2] : memref<16384xi32, #tpu.memory_space<hbm>> -> memref<512xi32, #tpu.memory_space<hbm>>
      tpu.enqueue_dma source(%dma_start3A_14 : memref<512xi32, #tpu.memory_space<hbm>>) target(%arg8 : memref<512xi32, #tpu.memory_space<vmem>>) target_semaphore(%run_scoped3A : memref<!tpu.dma_semaphore, #tpu.memory_space<semaphore_mem>>)
      %dma_wait3A_15 = tpu.memref_slice %arg2[%mul3A_2] : memref<16384xi32, #tpu.memory_space<hbm>> -> memref<512xi32, #tpu.memory_space<hbm>>
      %dma_wait3A_16 = tpu.memref_slice %arg2[%mul3A_2] : memref<16384xi32, #tpu.memory_space<hbm>> -> memref<512xi32, #tpu.memory_space<hbm>>
      tpu.wait_dma2 semaphore(%run_scoped3A : memref<!tpu.dma_semaphore, #tpu.memory_space<semaphore_mem>>) src(%dma_wait3A_16 : memref<512xi32, #tpu.memory_space<hbm>>) dst(%arg8 : memref<512xi32, #tpu.memory_space<vmem>>)
      tpu.yield
    }) : () -> ()
    "tpu.region"() ({
      %run_scoped3A = tpu.sem_alloc : memref<!tpu.dma_semaphore, #tpu.memory_space<semaphore_mem>>
      %dma_start3A_13 = tpu.memref_slice %arg3[%mul3A_2] : memref<16384xi32, #tpu.memory_space<hbm>> -> memref<512xi32, #tpu.memory_space<hbm>>
      %dma_start3A_14 = tpu.memref_slice %arg3[%mul3A_2] : memref<16384xi32, #tpu.memory_space<hbm>> -> memref<512xi32, #tpu.memory_space<hbm>>
      tpu.enqueue_dma source(%dma_start3A_14 : memref<512xi32, #tpu.memory_space<hbm>>) target(%arg9 : memref<512xi32, #tpu.memory_space<vmem>>) target_semaphore(%run_scoped3A : memref<!tpu.dma_semaphore, #tpu.memory_space<semaphore_mem>>)
      %dma_wait3A_15 = tpu.memref_slice %arg3[%mul3A_2] : memref<16384xi32, #tpu.memory_space<hbm>> -> memref<512xi32, #tpu.memory_space<hbm>>
      %dma_wait3A_16 = tpu.memref_slice %arg3[%mul3A_2] : memref<16384xi32, #tpu.memory_space<hbm>> -> memref<512xi32, #tpu.memory_space<hbm>>
      tpu.wait_dma2 semaphore(%run_scoped3A : memref<!tpu.dma_semaphore, #tpu.memory_space<semaphore_mem>>) src(%dma_wait3A_16 : memref<512xi32, #tpu.memory_space<hbm>>) dst(%arg9 : memref<512xi32, #tpu.memory_space<vmem>>)
      tpu.yield
    }) : () -> ()
    %dma_start3A = arith.constant 0 : i32
    %dma_start3A_3 = arith.constant 0 : i32
    %dma_start3A_4 = tpu.memref_slice %arg4[%dma_start3A, %dma_start3A_3] : memref<100000x32xf32, #tpu.memory_space<hbm>> -> memref<100000x32xf32, #tpu.memory_space<hbm>>
    tpu.enqueue_indirect_dma source(%dma_start3A_4 : memref<100000x32xf32, #tpu.memory_space<hbm>>) target(%arg10 : memref<512x32xf32, #tpu.memory_space<vmem>>) offsets(%arg8 : memref<512xi32, #tpu.memory_space<vmem>>) semaphore(%arg12 : memref<!tpu.dma_semaphore, #tpu.memory_space<semaphore_mem>>)
    %dma_start3A_5 = arith.constant 0 : i32
    %dma_start3A_6 = arith.constant 0 : i32
    %dma_start3A_7 = tpu.memref_slice %arg5[%dma_start3A_5, %dma_start3A_6] : memref<100000x32xf32, #tpu.memory_space<hbm>> -> memref<100000x32xf32, #tpu.memory_space<hbm>>
    tpu.enqueue_indirect_dma source(%dma_start3A_7 : memref<100000x32xf32, #tpu.memory_space<hbm>>) target(%arg11 : memref<512x32xf32, #tpu.memory_space<vmem>>) offsets(%arg9 : memref<512xi32, #tpu.memory_space<vmem>>) semaphore(%arg12 : memref<!tpu.dma_semaphore, #tpu.memory_space<semaphore_mem>>)
    %dma_wait3A = arith.constant 0 : i32
    %dma_wait3A_8 = arith.constant 0 : i32
    %dma_wait3A_9 = tpu.memref_slice %arg4[%dma_wait3A, %dma_wait3A_8] : memref<100000x32xf32, #tpu.memory_space<hbm>> -> memref<100000x32xf32, #tpu.memory_space<hbm>>
    tpu.wait_indirect_dma semaphore(%arg12 : memref<!tpu.dma_semaphore, #tpu.memory_space<semaphore_mem>>) src(%dma_wait3A_9 : memref<100000x32xf32, #tpu.memory_space<hbm>>) dst(%arg10 : memref<512x32xf32, #tpu.memory_space<vmem>>)
    %dma_wait3A_10 = arith.constant 0 : i32
    %dma_wait3A_11 = arith.constant 0 : i32
    %dma_wait3A_12 = tpu.memref_slice %arg5[%dma_wait3A_10, %dma_wait3A_11] : memref<100000x32xf32, #tpu.memory_space<hbm>> -> memref<100000x32xf32, #tpu.memory_space<hbm>>
    tpu.wait_indirect_dma semaphore(%arg12 : memref<!tpu.dma_semaphore, #tpu.memory_space<semaphore_mem>>) src(%dma_wait3A_12 : memref<100000x32xf32, #tpu.memory_space<hbm>>) dst(%arg11 : memref<512x32xf32, #tpu.memory_space<vmem>>)
    "tpu.region"() ({
      %run_scoped3A = tpu.sem_alloc : memref<!tpu.dma_semaphore, #tpu.memory_space<semaphore_mem>>
      %dma_start3A_13 = arith.constant 0 : i32
      %dma_start3A_14 = tpu.memref_slice %arg6[%mul3A_2, %dma_start3A_13] : memref<16384x32xf32, #tpu.memory_space<hbm>> -> memref<512x32xf32, #tpu.memory_space<hbm>>
      %dma_start3A_15 = arith.constant 0 : i32
      %dma_start3A_16 = tpu.memref_slice %arg6[%mul3A_2, %dma_start3A_15] : memref<16384x32xf32, #tpu.memory_space<hbm>> -> memref<512x32xf32, #tpu.memory_space<hbm>>
      tpu.enqueue_dma source(%arg10 : memref<512x32xf32, #tpu.memory_space<vmem>>) target(%dma_start3A_16 : memref<512x32xf32, #tpu.memory_space<hbm>>) target_semaphore(%run_scoped3A : memref<!tpu.dma_semaphore, #tpu.memory_space<semaphore_mem>>)
      %dma_wait3A_17 = arith.constant 0 : i32
      %dma_wait3A_18 = tpu.memref_slice %arg6[%mul3A_2, %dma_wait3A_17] : memref<16384x32xf32, #tpu.memory_space<hbm>> -> memref<512x32xf32, #tpu.memory_space<hbm>>
      %dma_wait3A_19 = arith.constant 0 : i32
      %dma_wait3A_20 = tpu.memref_slice %arg6[%mul3A_2, %dma_wait3A_19] : memref<16384x32xf32, #tpu.memory_space<hbm>> -> memref<512x32xf32, #tpu.memory_space<hbm>>
      tpu.wait_dma2 semaphore(%run_scoped3A : memref<!tpu.dma_semaphore, #tpu.memory_space<semaphore_mem>>) src(%arg10 : memref<512x32xf32, #tpu.memory_space<vmem>>) dst(%dma_wait3A_20 : memref<512x32xf32, #tpu.memory_space<hbm>>)
      tpu.yield
    }) : () -> ()
    "tpu.region"() ({
      %run_scoped3A = tpu.sem_alloc : memref<!tpu.dma_semaphore, #tpu.memory_space<semaphore_mem>>
      %dma_start3A_13 = arith.constant 0 : i32
      %dma_start3A_14 = tpu.memref_slice %arg7[%mul3A_2, %dma_start3A_13] : memref<16384x32xf32, #tpu.memory_space<hbm>> -> memref<512x32xf32, #tpu.memory_space<hbm>>
      %dma_start3A_15 = arith.constant 0 : i32
      %dma_start3A_16 = tpu.memref_slice %arg7[%mul3A_2, %dma_start3A_15] : memref<16384x32xf32, #tpu.memory_space<hbm>> -> memref<512x32xf32, #tpu.memory_space<hbm>>
      tpu.enqueue_dma source(%arg11 : memref<512x32xf32, #tpu.memory_space<vmem>>) target(%dma_start3A_16 : memref<512x32xf32, #tpu.memory_space<hbm>>) target_semaphore(%run_scoped3A : memref<!tpu.dma_semaphore, #tpu.memory_space<semaphore_mem>>)
      %dma_wait3A_17 = arith.constant 0 : i32
      %dma_wait3A_18 = tpu.memref_slice %arg7[%mul3A_2, %dma_wait3A_17] : memref<16384x32xf32, #tpu.memory_space<hbm>> -> memref<512x32xf32, #tpu.memory_space<hbm>>
      %dma_wait3A_19 = arith.constant 0 : i32
      %dma_wait3A_20 = tpu.memref_slice %arg7[%mul3A_2, %dma_wait3A_19] : memref<16384x32xf32, #tpu.memory_space<hbm>> -> memref<512x32xf32, #tpu.memory_space<hbm>>
      tpu.wait_dma2 semaphore(%run_scoped3A : memref<!tpu.dma_semaphore, #tpu.memory_space<semaphore_mem>>) src(%arg11 : memref<512x32xf32, #tpu.memory_space<vmem>>) dst(%dma_wait3A_20 : memref<512x32xf32, #tpu.memory_space<hbm>>)
      tpu.yield
    }) : () -> ()
    return
  }
}

#map = affine_map<(d0, d1) -> (0)>
#map1 = affine_map<(d0, d1) -> (0, 0)>
module attributes {stable_mosaic.version = 14 : i64} {
  func.func @_gather_wide_body(%arg0: i32, %arg1: i32, %arg2: memref<16384xi32, #tpu.memory_space<hbm>>, %arg3: memref<100000x256xf32, #tpu.memory_space<hbm>>, %arg4: memref<16384x256xf32, #tpu.memory_space<hbm>>, %arg5: memref<512xi32, #tpu.memory_space<vmem>>, %arg6: memref<2x64x256xf32, #tpu.memory_space<vmem>>, %arg7: memref<!tpu.dma_semaphore, #tpu.memory_space<semaphore_mem>>, %arg8: memref<!tpu.dma_semaphore, #tpu.memory_space<semaphore_mem>>, %arg9: memref<!tpu.dma_semaphore, #tpu.memory_space<semaphore_mem>>, %arg10: memref<!tpu.dma_semaphore, #tpu.memory_space<semaphore_mem>>) attributes {dimension_semantics = [#tpu.dimension_semantics<core_parallel>, #tpu.dimension_semantics<subcore_parallel>], iteration_bounds = array<i64: 2, 16>, scalar_prefetch = 0 : i64, scratch_operands = 6 : i64, tpu.core_type = #tpu.core_type<sc_vector_subcore>, window_params = [{transform_indices = #map}, {transform_indices = #map1}, {transform_indices = #map1}]} {
    %mul3A = arith.constant 2 : i32
    %mul3A_0 = arith.muli %arg1, %mul3A : i32
    %add3A = arith.addi %mul3A_0, %arg0 : i32
    %mul3A_1 = arith.constant 512 : i32
    %mul3A_2 = arith.muli %add3A, %mul3A_1 : i32
    "tpu.region"() ({
      %run_scoped3A = tpu.sem_alloc : memref<!tpu.dma_semaphore, #tpu.memory_space<semaphore_mem>>
      %dma_start3A_385 = tpu.memref_slice %arg2[%mul3A_2] : memref<16384xi32, #tpu.memory_space<hbm>> -> memref<512xi32, #tpu.memory_space<hbm>>
      %dma_start3A_386 = tpu.memref_slice %arg2[%mul3A_2] : memref<16384xi32, #tpu.memory_space<hbm>> -> memref<512xi32, #tpu.memory_space<hbm>>
      tpu.enqueue_dma source(%dma_start3A_386 : memref<512xi32, #tpu.memory_space<hbm>>) target(%arg5 : memref<512xi32, #tpu.memory_space<vmem>>) target_semaphore(%run_scoped3A : memref<!tpu.dma_semaphore, #tpu.memory_space<semaphore_mem>>)
      %dma_wait3A_387 = tpu.memref_slice %arg2[%mul3A_2] : memref<16384xi32, #tpu.memory_space<hbm>> -> memref<512xi32, #tpu.memory_space<hbm>>
      %dma_wait3A_388 = tpu.memref_slice %arg2[%mul3A_2] : memref<16384xi32, #tpu.memory_space<hbm>> -> memref<512xi32, #tpu.memory_space<hbm>>
      tpu.wait_dma2 semaphore(%run_scoped3A : memref<!tpu.dma_semaphore, #tpu.memory_space<semaphore_mem>>) src(%dma_wait3A_388 : memref<512xi32, #tpu.memory_space<hbm>>) dst(%arg5 : memref<512xi32, #tpu.memory_space<vmem>>)
      tpu.yield
    }) : () -> ()
    %dma_start3A = arith.constant 0 : i32
    %dma_start3A_3 = arith.constant 0 : i32
    %dma_start3A_4 = arith.constant 0 : i32
    %dma_start3A_5 = tpu.memref_slice %arg6[%dma_start3A, %dma_start3A_3, %dma_start3A_4] : memref<2x64x256xf32, #tpu.memory_space<vmem>> -> memref<1x64x256xf32, #tpu.memory_space<vmem>>
    %dma_start3A_6 = tpu.memref_squeeze %dma_start3A_5 : memref<1x64x256xf32, #tpu.memory_space<vmem>> -> memref<64x256xf32, #tpu.memory_space<vmem>>
    %dma_start3A_7 = arith.constant 0 : i32
    %dma_start3A_8 = tpu.memref_slice %arg5[%dma_start3A_7] : memref<512xi32, #tpu.memory_space<vmem>> -> memref<64xi32, #tpu.memory_space<vmem>>
    %dma_start3A_9 = arith.constant 0 : i32
    %dma_start3A_10 = arith.constant 0 : i32
    %dma_start3A_11 = tpu.memref_slice %arg3[%dma_start3A_9, %dma_start3A_10] : memref<100000x256xf32, #tpu.memory_space<hbm>> -> memref<100000x256xf32, #tpu.memory_space<hbm>>
    tpu.enqueue_indirect_dma source(%dma_start3A_11 : memref<100000x256xf32, #tpu.memory_space<hbm>>) target(%dma_start3A_6 : memref<64x256xf32, #tpu.memory_space<vmem>>) offsets(%dma_start3A_8 : memref<64xi32, #tpu.memory_space<vmem>>) semaphore(%arg7 : memref<!tpu.dma_semaphore, #tpu.memory_space<semaphore_mem>>)
    %dma_start3A_12 = arith.constant 1 : i32
    %dma_start3A_13 = arith.constant 0 : i32
    %dma_start3A_14 = arith.constant 0 : i32
    %dma_start3A_15 = tpu.memref_slice %arg6[%dma_start3A_12, %dma_start3A_13, %dma_start3A_14] : memref<2x64x256xf32, #tpu.memory_space<vmem>> -> memref<1x64x256xf32, #tpu.memory_space<vmem>>
    %dma_start3A_16 = tpu.memref_squeeze %dma_start3A_15 : memref<1x64x256xf32, #tpu.memory_space<vmem>> -> memref<64x256xf32, #tpu.memory_space<vmem>>
    %dma_start3A_17 = arith.constant 64 : i32
    %dma_start3A_18 = tpu.memref_slice %arg5[%dma_start3A_17] : memref<512xi32, #tpu.memory_space<vmem>> -> memref<64xi32, #tpu.memory_space<vmem>>
    %dma_start3A_19 = arith.constant 0 : i32
    %dma_start3A_20 = arith.constant 0 : i32
    %dma_start3A_21 = tpu.memref_slice %arg3[%dma_start3A_19, %dma_start3A_20] : memref<100000x256xf32, #tpu.memory_space<hbm>> -> memref<100000x256xf32, #tpu.memory_space<hbm>>
    tpu.enqueue_indirect_dma source(%dma_start3A_21 : memref<100000x256xf32, #tpu.memory_space<hbm>>) target(%dma_start3A_16 : memref<64x256xf32, #tpu.memory_space<vmem>>) offsets(%dma_start3A_18 : memref<64xi32, #tpu.memory_space<vmem>>) semaphore(%arg8 : memref<!tpu.dma_semaphore, #tpu.memory_space<semaphore_mem>>)
    %dma_wait3A = arith.constant 0 : i32
    %dma_wait3A_22 = arith.constant 0 : i32
    %dma_wait3A_23 = arith.constant 0 : i32
    %dma_wait3A_24 = tpu.memref_slice %arg6[%dma_wait3A, %dma_wait3A_22, %dma_wait3A_23] : memref<2x64x256xf32, #tpu.memory_space<vmem>> -> memref<1x64x256xf32, #tpu.memory_space<vmem>>
    %dma_wait3A_25 = tpu.memref_squeeze %dma_wait3A_24 : memref<1x64x256xf32, #tpu.memory_space<vmem>> -> memref<64x256xf32, #tpu.memory_space<vmem>>
    %dma_wait3A_26 = arith.constant 0 : i32
    %dma_wait3A_27 = tpu.memref_slice %arg5[%dma_wait3A_26] : memref<512xi32, #tpu.memory_space<vmem>> -> memref<64xi32, #tpu.memory_space<vmem>>
    %dma_wait3A_28 = arith.constant 0 : i32
    %dma_wait3A_29 = arith.constant 0 : i32
    %dma_wait3A_30 = tpu.memref_slice %arg3[%dma_wait3A_28, %dma_wait3A_29] : memref<100000x256xf32, #tpu.memory_space<hbm>> -> memref<100000x256xf32, #tpu.memory_space<hbm>>
    tpu.wait_indirect_dma semaphore(%arg7 : memref<!tpu.dma_semaphore, #tpu.memory_space<semaphore_mem>>) src(%dma_wait3A_30 : memref<100000x256xf32, #tpu.memory_space<hbm>>) dst(%dma_wait3A_25 : memref<64x256xf32, #tpu.memory_space<vmem>>)
    %add3A_31 = arith.constant 0 : i32
    %add3A_32 = arith.addi %mul3A_2, %add3A_31 : i32
    %dma_start3A_33 = arith.constant 0 : i32
    %dma_start3A_34 = arith.constant 0 : i32
    %dma_start3A_35 = arith.constant 0 : i32
    %dma_start3A_36 = tpu.memref_slice %arg6[%dma_start3A_33, %dma_start3A_34, %dma_start3A_35] : memref<2x64x256xf32, #tpu.memory_space<vmem>> -> memref<1x64x256xf32, #tpu.memory_space<vmem>>
    %dma_start3A_37 = tpu.memref_squeeze %dma_start3A_36 : memref<1x64x256xf32, #tpu.memory_space<vmem>> -> memref<64x256xf32, #tpu.memory_space<vmem>>
    %dma_start3A_38 = arith.constant 0 : i32
    %dma_start3A_39 = tpu.memref_slice %arg4[%add3A_32, %dma_start3A_38] : memref<16384x256xf32, #tpu.memory_space<hbm>> -> memref<64x256xf32, #tpu.memory_space<hbm>>
    %dma_start3A_40 = arith.constant 0 : i32
    %dma_start3A_41 = tpu.memref_slice %arg4[%add3A_32, %dma_start3A_40] : memref<16384x256xf32, #tpu.memory_space<hbm>> -> memref<64x256xf32, #tpu.memory_space<hbm>>
    %dma_start3A_42 = arith.constant 0 : i32
    %dma_start3A_43 = arith.constant 0 : i32
    %dma_start3A_44 = tpu.memref_slice %arg6[%dma_start3A_33, %dma_start3A_42, %dma_start3A_43] : memref<2x64x256xf32, #tpu.memory_space<vmem>> -> memref<1x64x256xf32, #tpu.memory_space<vmem>>
    %dma_start3A_45 = tpu.memref_squeeze %dma_start3A_44 : memref<1x64x256xf32, #tpu.memory_space<vmem>> -> memref<64x256xf32, #tpu.memory_space<vmem>>
    tpu.enqueue_dma source(%dma_start3A_45 : memref<64x256xf32, #tpu.memory_space<vmem>>) target(%dma_start3A_41 : memref<64x256xf32, #tpu.memory_space<hbm>>) target_semaphore(%arg9 : memref<!tpu.dma_semaphore, #tpu.memory_space<semaphore_mem>>)
    %dma_wait3A_46 = arith.constant 0 : i32
    %dma_wait3A_47 = arith.constant 0 : i32
    %dma_wait3A_48 = arith.constant 0 : i32
    %dma_wait3A_49 = tpu.memref_slice %arg6[%dma_wait3A_46, %dma_wait3A_47, %dma_wait3A_48] : memref<2x64x256xf32, #tpu.memory_space<vmem>> -> memref<1x64x256xf32, #tpu.memory_space<vmem>>
    %dma_wait3A_50 = tpu.memref_squeeze %dma_wait3A_49 : memref<1x64x256xf32, #tpu.memory_space<vmem>> -> memref<64x256xf32, #tpu.memory_space<vmem>>
    %dma_wait3A_51 = arith.constant 0 : i32
    %dma_wait3A_52 = tpu.memref_slice %arg4[%add3A_32, %dma_wait3A_51] : memref<16384x256xf32, #tpu.memory_space<hbm>> -> memref<64x256xf32, #tpu.memory_space<hbm>>
    %dma_wait3A_53 = arith.constant 0 : i32
    %dma_wait3A_54 = tpu.memref_slice %arg4[%add3A_32, %dma_wait3A_53] : memref<16384x256xf32, #tpu.memory_space<hbm>> -> memref<64x256xf32, #tpu.memory_space<hbm>>
    %dma_wait3A_55 = arith.constant 0 : i32
    %dma_wait3A_56 = arith.constant 0 : i32
    %dma_wait3A_57 = tpu.memref_slice %arg6[%dma_wait3A_46, %dma_wait3A_55, %dma_wait3A_56] : memref<2x64x256xf32, #tpu.memory_space<vmem>> -> memref<1x64x256xf32, #tpu.memory_space<vmem>>
    %dma_wait3A_58 = tpu.memref_squeeze %dma_wait3A_57 : memref<1x64x256xf32, #tpu.memory_space<vmem>> -> memref<64x256xf32, #tpu.memory_space<vmem>>
    tpu.wait_dma2 semaphore(%arg9 : memref<!tpu.dma_semaphore, #tpu.memory_space<semaphore_mem>>) src(%dma_wait3A_58 : memref<64x256xf32, #tpu.memory_space<vmem>>) dst(%dma_wait3A_54 : memref<64x256xf32, #tpu.memory_space<hbm>>)
    %dma_start3A_59 = arith.constant 0 : i32
    %dma_start3A_60 = arith.constant 0 : i32
    %dma_start3A_61 = arith.constant 0 : i32
    %dma_start3A_62 = tpu.memref_slice %arg6[%dma_start3A_59, %dma_start3A_60, %dma_start3A_61] : memref<2x64x256xf32, #tpu.memory_space<vmem>> -> memref<1x64x256xf32, #tpu.memory_space<vmem>>
    %dma_start3A_63 = tpu.memref_squeeze %dma_start3A_62 : memref<1x64x256xf32, #tpu.memory_space<vmem>> -> memref<64x256xf32, #tpu.memory_space<vmem>>
    %dma_start3A_64 = arith.constant 128 : i32
    %dma_start3A_65 = tpu.memref_slice %arg5[%dma_start3A_64] : memref<512xi32, #tpu.memory_space<vmem>> -> memref<64xi32, #tpu.memory_space<vmem>>
    %dma_start3A_66 = arith.constant 0 : i32
    %dma_start3A_67 = arith.constant 0 : i32
    %dma_start3A_68 = tpu.memref_slice %arg3[%dma_start3A_66, %dma_start3A_67] : memref<100000x256xf32, #tpu.memory_space<hbm>> -> memref<100000x256xf32, #tpu.memory_space<hbm>>
    tpu.enqueue_indirect_dma source(%dma_start3A_68 : memref<100000x256xf32, #tpu.memory_space<hbm>>) target(%dma_start3A_63 : memref<64x256xf32, #tpu.memory_space<vmem>>) offsets(%dma_start3A_65 : memref<64xi32, #tpu.memory_space<vmem>>) semaphore(%arg7 : memref<!tpu.dma_semaphore, #tpu.memory_space<semaphore_mem>>)
    %dma_wait3A_69 = arith.constant 1 : i32
    %dma_wait3A_70 = arith.constant 0 : i32
    %dma_wait3A_71 = arith.constant 0 : i32
    %dma_wait3A_72 = tpu.memref_slice %arg6[%dma_wait3A_69, %dma_wait3A_70, %dma_wait3A_71] : memref<2x64x256xf32, #tpu.memory_space<vmem>> -> memref<1x64x256xf32, #tpu.memory_space<vmem>>
    %dma_wait3A_73 = tpu.memref_squeeze %dma_wait3A_72 : memref<1x64x256xf32, #tpu.memory_space<vmem>> -> memref<64x256xf32, #tpu.memory_space<vmem>>
    %dma_wait3A_74 = arith.constant 64 : i32
    %dma_wait3A_75 = tpu.memref_slice %arg5[%dma_wait3A_74] : memref<512xi32, #tpu.memory_space<vmem>> -> memref<64xi32, #tpu.memory_space<vmem>>
    %dma_wait3A_76 = arith.constant 0 : i32
    %dma_wait3A_77 = arith.constant 0 : i32
    %dma_wait3A_78 = tpu.memref_slice %arg3[%dma_wait3A_76, %dma_wait3A_77] : memref<100000x256xf32, #tpu.memory_space<hbm>> -> memref<100000x256xf32, #tpu.memory_space<hbm>>
    tpu.wait_indirect_dma semaphore(%arg8 : memref<!tpu.dma_semaphore, #tpu.memory_space<semaphore_mem>>) src(%dma_wait3A_78 : memref<100000x256xf32, #tpu.memory_space<hbm>>) dst(%dma_wait3A_73 : memref<64x256xf32, #tpu.memory_space<vmem>>)
    %add3A_79 = arith.constant 64 : i32
    %add3A_80 = arith.addi %mul3A_2, %add3A_79 : i32
    %dma_start3A_81 = arith.constant 1 : i32
    %dma_start3A_82 = arith.constant 0 : i32
    %dma_start3A_83 = arith.constant 0 : i32
    %dma_start3A_84 = tpu.memref_slice %arg6[%dma_start3A_81, %dma_start3A_82, %dma_start3A_83] : memref<2x64x256xf32, #tpu.memory_space<vmem>> -> memref<1x64x256xf32, #tpu.memory_space<vmem>>
    %dma_start3A_85 = tpu.memref_squeeze %dma_start3A_84 : memref<1x64x256xf32, #tpu.memory_space<vmem>> -> memref<64x256xf32, #tpu.memory_space<vmem>>
    %dma_start3A_86 = arith.constant 0 : i32
    %dma_start3A_87 = tpu.memref_slice %arg4[%add3A_80, %dma_start3A_86] : memref<16384x256xf32, #tpu.memory_space<hbm>> -> memref<64x256xf32, #tpu.memory_space<hbm>>
    %dma_start3A_88 = arith.constant 0 : i32
    %dma_start3A_89 = tpu.memref_slice %arg4[%add3A_80, %dma_start3A_88] : memref<16384x256xf32, #tpu.memory_space<hbm>> -> memref<64x256xf32, #tpu.memory_space<hbm>>
    %dma_start3A_90 = arith.constant 0 : i32
    %dma_start3A_91 = arith.constant 0 : i32
    %dma_start3A_92 = tpu.memref_slice %arg6[%dma_start3A_81, %dma_start3A_90, %dma_start3A_91] : memref<2x64x256xf32, #tpu.memory_space<vmem>> -> memref<1x64x256xf32, #tpu.memory_space<vmem>>
    %dma_start3A_93 = tpu.memref_squeeze %dma_start3A_92 : memref<1x64x256xf32, #tpu.memory_space<vmem>> -> memref<64x256xf32, #tpu.memory_space<vmem>>
    tpu.enqueue_dma source(%dma_start3A_93 : memref<64x256xf32, #tpu.memory_space<vmem>>) target(%dma_start3A_89 : memref<64x256xf32, #tpu.memory_space<hbm>>) target_semaphore(%arg10 : memref<!tpu.dma_semaphore, #tpu.memory_space<semaphore_mem>>)
    %dma_wait3A_94 = arith.constant 1 : i32
    %dma_wait3A_95 = arith.constant 0 : i32
    %dma_wait3A_96 = arith.constant 0 : i32
    %dma_wait3A_97 = tpu.memref_slice %arg6[%dma_wait3A_94, %dma_wait3A_95, %dma_wait3A_96] : memref<2x64x256xf32, #tpu.memory_space<vmem>> -> memref<1x64x256xf32, #tpu.memory_space<vmem>>
    %dma_wait3A_98 = tpu.memref_squeeze %dma_wait3A_97 : memref<1x64x256xf32, #tpu.memory_space<vmem>> -> memref<64x256xf32, #tpu.memory_space<vmem>>
    %dma_wait3A_99 = arith.constant 0 : i32
    %dma_wait3A_100 = tpu.memref_slice %arg4[%add3A_80, %dma_wait3A_99] : memref<16384x256xf32, #tpu.memory_space<hbm>> -> memref<64x256xf32, #tpu.memory_space<hbm>>
    %dma_wait3A_101 = arith.constant 0 : i32
    %dma_wait3A_102 = tpu.memref_slice %arg4[%add3A_80, %dma_wait3A_101] : memref<16384x256xf32, #tpu.memory_space<hbm>> -> memref<64x256xf32, #tpu.memory_space<hbm>>
    %dma_wait3A_103 = arith.constant 0 : i32
    %dma_wait3A_104 = arith.constant 0 : i32
    %dma_wait3A_105 = tpu.memref_slice %arg6[%dma_wait3A_94, %dma_wait3A_103, %dma_wait3A_104] : memref<2x64x256xf32, #tpu.memory_space<vmem>> -> memref<1x64x256xf32, #tpu.memory_space<vmem>>
    %dma_wait3A_106 = tpu.memref_squeeze %dma_wait3A_105 : memref<1x64x256xf32, #tpu.memory_space<vmem>> -> memref<64x256xf32, #tpu.memory_space<vmem>>
    tpu.wait_dma2 semaphore(%arg10 : memref<!tpu.dma_semaphore, #tpu.memory_space<semaphore_mem>>) src(%dma_wait3A_106 : memref<64x256xf32, #tpu.memory_space<vmem>>) dst(%dma_wait3A_102 : memref<64x256xf32, #tpu.memory_space<hbm>>)
    %dma_start3A_107 = arith.constant 1 : i32
    %dma_start3A_108 = arith.constant 0 : i32
    %dma_start3A_109 = arith.constant 0 : i32
    %dma_start3A_110 = tpu.memref_slice %arg6[%dma_start3A_107, %dma_start3A_108, %dma_start3A_109] : memref<2x64x256xf32, #tpu.memory_space<vmem>> -> memref<1x64x256xf32, #tpu.memory_space<vmem>>
    %dma_start3A_111 = tpu.memref_squeeze %dma_start3A_110 : memref<1x64x256xf32, #tpu.memory_space<vmem>> -> memref<64x256xf32, #tpu.memory_space<vmem>>
    %dma_start3A_112 = arith.constant 192 : i32
    %dma_start3A_113 = tpu.memref_slice %arg5[%dma_start3A_112] : memref<512xi32, #tpu.memory_space<vmem>> -> memref<64xi32, #tpu.memory_space<vmem>>
    %dma_start3A_114 = arith.constant 0 : i32
    %dma_start3A_115 = arith.constant 0 : i32
    %dma_start3A_116 = tpu.memref_slice %arg3[%dma_start3A_114, %dma_start3A_115] : memref<100000x256xf32, #tpu.memory_space<hbm>> -> memref<100000x256xf32, #tpu.memory_space<hbm>>
    tpu.enqueue_indirect_dma source(%dma_start3A_116 : memref<100000x256xf32, #tpu.memory_space<hbm>>) target(%dma_start3A_111 : memref<64x256xf32, #tpu.memory_space<vmem>>) offsets(%dma_start3A_113 : memref<64xi32, #tpu.memory_space<vmem>>) semaphore(%arg8 : memref<!tpu.dma_semaphore, #tpu.memory_space<semaphore_mem>>)
    %dma_wait3A_117 = arith.constant 0 : i32
    %dma_wait3A_118 = arith.constant 0 : i32
    %dma_wait3A_119 = arith.constant 0 : i32
    %dma_wait3A_120 = tpu.memref_slice %arg6[%dma_wait3A_117, %dma_wait3A_118, %dma_wait3A_119] : memref<2x64x256xf32, #tpu.memory_space<vmem>> -> memref<1x64x256xf32, #tpu.memory_space<vmem>>
    %dma_wait3A_121 = tpu.memref_squeeze %dma_wait3A_120 : memref<1x64x256xf32, #tpu.memory_space<vmem>> -> memref<64x256xf32, #tpu.memory_space<vmem>>
    %dma_wait3A_122 = arith.constant 128 : i32
    %dma_wait3A_123 = tpu.memref_slice %arg5[%dma_wait3A_122] : memref<512xi32, #tpu.memory_space<vmem>> -> memref<64xi32, #tpu.memory_space<vmem>>
    %dma_wait3A_124 = arith.constant 0 : i32
    %dma_wait3A_125 = arith.constant 0 : i32
    %dma_wait3A_126 = tpu.memref_slice %arg3[%dma_wait3A_124, %dma_wait3A_125] : memref<100000x256xf32, #tpu.memory_space<hbm>> -> memref<100000x256xf32, #tpu.memory_space<hbm>>
    tpu.wait_indirect_dma semaphore(%arg7 : memref<!tpu.dma_semaphore, #tpu.memory_space<semaphore_mem>>) src(%dma_wait3A_126 : memref<100000x256xf32, #tpu.memory_space<hbm>>) dst(%dma_wait3A_121 : memref<64x256xf32, #tpu.memory_space<vmem>>)
    %add3A_127 = arith.constant 128 : i32
    %add3A_128 = arith.addi %mul3A_2, %add3A_127 : i32
    %dma_start3A_129 = arith.constant 0 : i32
    %dma_start3A_130 = arith.constant 0 : i32
    %dma_start3A_131 = arith.constant 0 : i32
    %dma_start3A_132 = tpu.memref_slice %arg6[%dma_start3A_129, %dma_start3A_130, %dma_start3A_131] : memref<2x64x256xf32, #tpu.memory_space<vmem>> -> memref<1x64x256xf32, #tpu.memory_space<vmem>>
    %dma_start3A_133 = tpu.memref_squeeze %dma_start3A_132 : memref<1x64x256xf32, #tpu.memory_space<vmem>> -> memref<64x256xf32, #tpu.memory_space<vmem>>
    %dma_start3A_134 = arith.constant 0 : i32
    %dma_start3A_135 = tpu.memref_slice %arg4[%add3A_128, %dma_start3A_134] : memref<16384x256xf32, #tpu.memory_space<hbm>> -> memref<64x256xf32, #tpu.memory_space<hbm>>
    %dma_start3A_136 = arith.constant 0 : i32
    %dma_start3A_137 = tpu.memref_slice %arg4[%add3A_128, %dma_start3A_136] : memref<16384x256xf32, #tpu.memory_space<hbm>> -> memref<64x256xf32, #tpu.memory_space<hbm>>
    %dma_start3A_138 = arith.constant 0 : i32
    %dma_start3A_139 = arith.constant 0 : i32
    %dma_start3A_140 = tpu.memref_slice %arg6[%dma_start3A_129, %dma_start3A_138, %dma_start3A_139] : memref<2x64x256xf32, #tpu.memory_space<vmem>> -> memref<1x64x256xf32, #tpu.memory_space<vmem>>
    %dma_start3A_141 = tpu.memref_squeeze %dma_start3A_140 : memref<1x64x256xf32, #tpu.memory_space<vmem>> -> memref<64x256xf32, #tpu.memory_space<vmem>>
    tpu.enqueue_dma source(%dma_start3A_141 : memref<64x256xf32, #tpu.memory_space<vmem>>) target(%dma_start3A_137 : memref<64x256xf32, #tpu.memory_space<hbm>>) target_semaphore(%arg9 : memref<!tpu.dma_semaphore, #tpu.memory_space<semaphore_mem>>)
    %dma_wait3A_142 = arith.constant 0 : i32
    %dma_wait3A_143 = arith.constant 0 : i32
    %dma_wait3A_144 = arith.constant 0 : i32
    %dma_wait3A_145 = tpu.memref_slice %arg6[%dma_wait3A_142, %dma_wait3A_143, %dma_wait3A_144] : memref<2x64x256xf32, #tpu.memory_space<vmem>> -> memref<1x64x256xf32, #tpu.memory_space<vmem>>
    %dma_wait3A_146 = tpu.memref_squeeze %dma_wait3A_145 : memref<1x64x256xf32, #tpu.memory_space<vmem>> -> memref<64x256xf32, #tpu.memory_space<vmem>>
    %dma_wait3A_147 = arith.constant 0 : i32
    %dma_wait3A_148 = tpu.memref_slice %arg4[%add3A_128, %dma_wait3A_147] : memref<16384x256xf32, #tpu.memory_space<hbm>> -> memref<64x256xf32, #tpu.memory_space<hbm>>
    %dma_wait3A_149 = arith.constant 0 : i32
    %dma_wait3A_150 = tpu.memref_slice %arg4[%add3A_128, %dma_wait3A_149] : memref<16384x256xf32, #tpu.memory_space<hbm>> -> memref<64x256xf32, #tpu.memory_space<hbm>>
    %dma_wait3A_151 = arith.constant 0 : i32
    %dma_wait3A_152 = arith.constant 0 : i32
    %dma_wait3A_153 = tpu.memref_slice %arg6[%dma_wait3A_142, %dma_wait3A_151, %dma_wait3A_152] : memref<2x64x256xf32, #tpu.memory_space<vmem>> -> memref<1x64x256xf32, #tpu.memory_space<vmem>>
    %dma_wait3A_154 = tpu.memref_squeeze %dma_wait3A_153 : memref<1x64x256xf32, #tpu.memory_space<vmem>> -> memref<64x256xf32, #tpu.memory_space<vmem>>
    tpu.wait_dma2 semaphore(%arg9 : memref<!tpu.dma_semaphore, #tpu.memory_space<semaphore_mem>>) src(%dma_wait3A_154 : memref<64x256xf32, #tpu.memory_space<vmem>>) dst(%dma_wait3A_150 : memref<64x256xf32, #tpu.memory_space<hbm>>)
    %dma_start3A_155 = arith.constant 0 : i32
    %dma_start3A_156 = arith.constant 0 : i32
    %dma_start3A_157 = arith.constant 0 : i32
    %dma_start3A_158 = tpu.memref_slice %arg6[%dma_start3A_155, %dma_start3A_156, %dma_start3A_157] : memref<2x64x256xf32, #tpu.memory_space<vmem>> -> memref<1x64x256xf32, #tpu.memory_space<vmem>>
    %dma_start3A_159 = tpu.memref_squeeze %dma_start3A_158 : memref<1x64x256xf32, #tpu.memory_space<vmem>> -> memref<64x256xf32, #tpu.memory_space<vmem>>
    %dma_start3A_160 = arith.constant 256 : i32
    %dma_start3A_161 = tpu.memref_slice %arg5[%dma_start3A_160] : memref<512xi32, #tpu.memory_space<vmem>> -> memref<64xi32, #tpu.memory_space<vmem>>
    %dma_start3A_162 = arith.constant 0 : i32
    %dma_start3A_163 = arith.constant 0 : i32
    %dma_start3A_164 = tpu.memref_slice %arg3[%dma_start3A_162, %dma_start3A_163] : memref<100000x256xf32, #tpu.memory_space<hbm>> -> memref<100000x256xf32, #tpu.memory_space<hbm>>
    tpu.enqueue_indirect_dma source(%dma_start3A_164 : memref<100000x256xf32, #tpu.memory_space<hbm>>) target(%dma_start3A_159 : memref<64x256xf32, #tpu.memory_space<vmem>>) offsets(%dma_start3A_161 : memref<64xi32, #tpu.memory_space<vmem>>) semaphore(%arg7 : memref<!tpu.dma_semaphore, #tpu.memory_space<semaphore_mem>>)
    %dma_wait3A_165 = arith.constant 1 : i32
    %dma_wait3A_166 = arith.constant 0 : i32
    %dma_wait3A_167 = arith.constant 0 : i32
    %dma_wait3A_168 = tpu.memref_slice %arg6[%dma_wait3A_165, %dma_wait3A_166, %dma_wait3A_167] : memref<2x64x256xf32, #tpu.memory_space<vmem>> -> memref<1x64x256xf32, #tpu.memory_space<vmem>>
    %dma_wait3A_169 = tpu.memref_squeeze %dma_wait3A_168 : memref<1x64x256xf32, #tpu.memory_space<vmem>> -> memref<64x256xf32, #tpu.memory_space<vmem>>
    %dma_wait3A_170 = arith.constant 192 : i32
    %dma_wait3A_171 = tpu.memref_slice %arg5[%dma_wait3A_170] : memref<512xi32, #tpu.memory_space<vmem>> -> memref<64xi32, #tpu.memory_space<vmem>>
    %dma_wait3A_172 = arith.constant 0 : i32
    %dma_wait3A_173 = arith.constant 0 : i32
    %dma_wait3A_174 = tpu.memref_slice %arg3[%dma_wait3A_172, %dma_wait3A_173] : memref<100000x256xf32, #tpu.memory_space<hbm>> -> memref<100000x256xf32, #tpu.memory_space<hbm>>
    tpu.wait_indirect_dma semaphore(%arg8 : memref<!tpu.dma_semaphore, #tpu.memory_space<semaphore_mem>>) src(%dma_wait3A_174 : memref<100000x256xf32, #tpu.memory_space<hbm>>) dst(%dma_wait3A_169 : memref<64x256xf32, #tpu.memory_space<vmem>>)
    %add3A_175 = arith.constant 192 : i32
    %add3A_176 = arith.addi %mul3A_2, %add3A_175 : i32
    %dma_start3A_177 = arith.constant 1 : i32
    %dma_start3A_178 = arith.constant 0 : i32
    %dma_start3A_179 = arith.constant 0 : i32
    %dma_start3A_180 = tpu.memref_slice %arg6[%dma_start3A_177, %dma_start3A_178, %dma_start3A_179] : memref<2x64x256xf32, #tpu.memory_space<vmem>> -> memref<1x64x256xf32, #tpu.memory_space<vmem>>
    %dma_start3A_181 = tpu.memref_squeeze %dma_start3A_180 : memref<1x64x256xf32, #tpu.memory_space<vmem>> -> memref<64x256xf32, #tpu.memory_space<vmem>>
    %dma_start3A_182 = arith.constant 0 : i32
    %dma_start3A_183 = tpu.memref_slice %arg4[%add3A_176, %dma_start3A_182] : memref<16384x256xf32, #tpu.memory_space<hbm>> -> memref<64x256xf32, #tpu.memory_space<hbm>>
    %dma_start3A_184 = arith.constant 0 : i32
    %dma_start3A_185 = tpu.memref_slice %arg4[%add3A_176, %dma_start3A_184] : memref<16384x256xf32, #tpu.memory_space<hbm>> -> memref<64x256xf32, #tpu.memory_space<hbm>>
    %dma_start3A_186 = arith.constant 0 : i32
    %dma_start3A_187 = arith.constant 0 : i32
    %dma_start3A_188 = tpu.memref_slice %arg6[%dma_start3A_177, %dma_start3A_186, %dma_start3A_187] : memref<2x64x256xf32, #tpu.memory_space<vmem>> -> memref<1x64x256xf32, #tpu.memory_space<vmem>>
    %dma_start3A_189 = tpu.memref_squeeze %dma_start3A_188 : memref<1x64x256xf32, #tpu.memory_space<vmem>> -> memref<64x256xf32, #tpu.memory_space<vmem>>
    tpu.enqueue_dma source(%dma_start3A_189 : memref<64x256xf32, #tpu.memory_space<vmem>>) target(%dma_start3A_185 : memref<64x256xf32, #tpu.memory_space<hbm>>) target_semaphore(%arg10 : memref<!tpu.dma_semaphore, #tpu.memory_space<semaphore_mem>>)
    %dma_wait3A_190 = arith.constant 1 : i32
    %dma_wait3A_191 = arith.constant 0 : i32
    %dma_wait3A_192 = arith.constant 0 : i32
    %dma_wait3A_193 = tpu.memref_slice %arg6[%dma_wait3A_190, %dma_wait3A_191, %dma_wait3A_192] : memref<2x64x256xf32, #tpu.memory_space<vmem>> -> memref<1x64x256xf32, #tpu.memory_space<vmem>>
    %dma_wait3A_194 = tpu.memref_squeeze %dma_wait3A_193 : memref<1x64x256xf32, #tpu.memory_space<vmem>> -> memref<64x256xf32, #tpu.memory_space<vmem>>
    %dma_wait3A_195 = arith.constant 0 : i32
    %dma_wait3A_196 = tpu.memref_slice %arg4[%add3A_176, %dma_wait3A_195] : memref<16384x256xf32, #tpu.memory_space<hbm>> -> memref<64x256xf32, #tpu.memory_space<hbm>>
    %dma_wait3A_197 = arith.constant 0 : i32
    %dma_wait3A_198 = tpu.memref_slice %arg4[%add3A_176, %dma_wait3A_197] : memref<16384x256xf32, #tpu.memory_space<hbm>> -> memref<64x256xf32, #tpu.memory_space<hbm>>
    %dma_wait3A_199 = arith.constant 0 : i32
    %dma_wait3A_200 = arith.constant 0 : i32
    %dma_wait3A_201 = tpu.memref_slice %arg6[%dma_wait3A_190, %dma_wait3A_199, %dma_wait3A_200] : memref<2x64x256xf32, #tpu.memory_space<vmem>> -> memref<1x64x256xf32, #tpu.memory_space<vmem>>
    %dma_wait3A_202 = tpu.memref_squeeze %dma_wait3A_201 : memref<1x64x256xf32, #tpu.memory_space<vmem>> -> memref<64x256xf32, #tpu.memory_space<vmem>>
    tpu.wait_dma2 semaphore(%arg10 : memref<!tpu.dma_semaphore, #tpu.memory_space<semaphore_mem>>) src(%dma_wait3A_202 : memref<64x256xf32, #tpu.memory_space<vmem>>) dst(%dma_wait3A_198 : memref<64x256xf32, #tpu.memory_space<hbm>>)
    %dma_start3A_203 = arith.constant 1 : i32
    %dma_start3A_204 = arith.constant 0 : i32
    %dma_start3A_205 = arith.constant 0 : i32
    %dma_start3A_206 = tpu.memref_slice %arg6[%dma_start3A_203, %dma_start3A_204, %dma_start3A_205] : memref<2x64x256xf32, #tpu.memory_space<vmem>> -> memref<1x64x256xf32, #tpu.memory_space<vmem>>
    %dma_start3A_207 = tpu.memref_squeeze %dma_start3A_206 : memref<1x64x256xf32, #tpu.memory_space<vmem>> -> memref<64x256xf32, #tpu.memory_space<vmem>>
    %dma_start3A_208 = arith.constant 320 : i32
    %dma_start3A_209 = tpu.memref_slice %arg5[%dma_start3A_208] : memref<512xi32, #tpu.memory_space<vmem>> -> memref<64xi32, #tpu.memory_space<vmem>>
    %dma_start3A_210 = arith.constant 0 : i32
    %dma_start3A_211 = arith.constant 0 : i32
    %dma_start3A_212 = tpu.memref_slice %arg3[%dma_start3A_210, %dma_start3A_211] : memref<100000x256xf32, #tpu.memory_space<hbm>> -> memref<100000x256xf32, #tpu.memory_space<hbm>>
    tpu.enqueue_indirect_dma source(%dma_start3A_212 : memref<100000x256xf32, #tpu.memory_space<hbm>>) target(%dma_start3A_207 : memref<64x256xf32, #tpu.memory_space<vmem>>) offsets(%dma_start3A_209 : memref<64xi32, #tpu.memory_space<vmem>>) semaphore(%arg8 : memref<!tpu.dma_semaphore, #tpu.memory_space<semaphore_mem>>)
    %dma_wait3A_213 = arith.constant 0 : i32
    %dma_wait3A_214 = arith.constant 0 : i32
    %dma_wait3A_215 = arith.constant 0 : i32
    %dma_wait3A_216 = tpu.memref_slice %arg6[%dma_wait3A_213, %dma_wait3A_214, %dma_wait3A_215] : memref<2x64x256xf32, #tpu.memory_space<vmem>> -> memref<1x64x256xf32, #tpu.memory_space<vmem>>
    %dma_wait3A_217 = tpu.memref_squeeze %dma_wait3A_216 : memref<1x64x256xf32, #tpu.memory_space<vmem>> -> memref<64x256xf32, #tpu.memory_space<vmem>>
    %dma_wait3A_218 = arith.constant 256 : i32
    %dma_wait3A_219 = tpu.memref_slice %arg5[%dma_wait3A_218] : memref<512xi32, #tpu.memory_space<vmem>> -> memref<64xi32, #tpu.memory_space<vmem>>
    %dma_wait3A_220 = arith.constant 0 : i32
    %dma_wait3A_221 = arith.constant 0 : i32
    %dma_wait3A_222 = tpu.memref_slice %arg3[%dma_wait3A_220, %dma_wait3A_221] : memref<100000x256xf32, #tpu.memory_space<hbm>> -> memref<100000x256xf32, #tpu.memory_space<hbm>>
    tpu.wait_indirect_dma semaphore(%arg7 : memref<!tpu.dma_semaphore, #tpu.memory_space<semaphore_mem>>) src(%dma_wait3A_222 : memref<100000x256xf32, #tpu.memory_space<hbm>>) dst(%dma_wait3A_217 : memref<64x256xf32, #tpu.memory_space<vmem>>)
    %add3A_223 = arith.constant 256 : i32
    %add3A_224 = arith.addi %mul3A_2, %add3A_223 : i32
    %dma_start3A_225 = arith.constant 0 : i32
    %dma_start3A_226 = arith.constant 0 : i32
    %dma_start3A_227 = arith.constant 0 : i32
    %dma_start3A_228 = tpu.memref_slice %arg6[%dma_start3A_225, %dma_start3A_226, %dma_start3A_227] : memref<2x64x256xf32, #tpu.memory_space<vmem>> -> memref<1x64x256xf32, #tpu.memory_space<vmem>>
    %dma_start3A_229 = tpu.memref_squeeze %dma_start3A_228 : memref<1x64x256xf32, #tpu.memory_space<vmem>> -> memref<64x256xf32, #tpu.memory_space<vmem>>
    %dma_start3A_230 = arith.constant 0 : i32
    %dma_start3A_231 = tpu.memref_slice %arg4[%add3A_224, %dma_start3A_230] : memref<16384x256xf32, #tpu.memory_space<hbm>> -> memref<64x256xf32, #tpu.memory_space<hbm>>
    %dma_start3A_232 = arith.constant 0 : i32
    %dma_start3A_233 = tpu.memref_slice %arg4[%add3A_224, %dma_start3A_232] : memref<16384x256xf32, #tpu.memory_space<hbm>> -> memref<64x256xf32, #tpu.memory_space<hbm>>
    %dma_start3A_234 = arith.constant 0 : i32
    %dma_start3A_235 = arith.constant 0 : i32
    %dma_start3A_236 = tpu.memref_slice %arg6[%dma_start3A_225, %dma_start3A_234, %dma_start3A_235] : memref<2x64x256xf32, #tpu.memory_space<vmem>> -> memref<1x64x256xf32, #tpu.memory_space<vmem>>
    %dma_start3A_237 = tpu.memref_squeeze %dma_start3A_236 : memref<1x64x256xf32, #tpu.memory_space<vmem>> -> memref<64x256xf32, #tpu.memory_space<vmem>>
    tpu.enqueue_dma source(%dma_start3A_237 : memref<64x256xf32, #tpu.memory_space<vmem>>) target(%dma_start3A_233 : memref<64x256xf32, #tpu.memory_space<hbm>>) target_semaphore(%arg9 : memref<!tpu.dma_semaphore, #tpu.memory_space<semaphore_mem>>)
    %dma_wait3A_238 = arith.constant 0 : i32
    %dma_wait3A_239 = arith.constant 0 : i32
    %dma_wait3A_240 = arith.constant 0 : i32
    %dma_wait3A_241 = tpu.memref_slice %arg6[%dma_wait3A_238, %dma_wait3A_239, %dma_wait3A_240] : memref<2x64x256xf32, #tpu.memory_space<vmem>> -> memref<1x64x256xf32, #tpu.memory_space<vmem>>
    %dma_wait3A_242 = tpu.memref_squeeze %dma_wait3A_241 : memref<1x64x256xf32, #tpu.memory_space<vmem>> -> memref<64x256xf32, #tpu.memory_space<vmem>>
    %dma_wait3A_243 = arith.constant 0 : i32
    %dma_wait3A_244 = tpu.memref_slice %arg4[%add3A_224, %dma_wait3A_243] : memref<16384x256xf32, #tpu.memory_space<hbm>> -> memref<64x256xf32, #tpu.memory_space<hbm>>
    %dma_wait3A_245 = arith.constant 0 : i32
    %dma_wait3A_246 = tpu.memref_slice %arg4[%add3A_224, %dma_wait3A_245] : memref<16384x256xf32, #tpu.memory_space<hbm>> -> memref<64x256xf32, #tpu.memory_space<hbm>>
    %dma_wait3A_247 = arith.constant 0 : i32
    %dma_wait3A_248 = arith.constant 0 : i32
    %dma_wait3A_249 = tpu.memref_slice %arg6[%dma_wait3A_238, %dma_wait3A_247, %dma_wait3A_248] : memref<2x64x256xf32, #tpu.memory_space<vmem>> -> memref<1x64x256xf32, #tpu.memory_space<vmem>>
    %dma_wait3A_250 = tpu.memref_squeeze %dma_wait3A_249 : memref<1x64x256xf32, #tpu.memory_space<vmem>> -> memref<64x256xf32, #tpu.memory_space<vmem>>
    tpu.wait_dma2 semaphore(%arg9 : memref<!tpu.dma_semaphore, #tpu.memory_space<semaphore_mem>>) src(%dma_wait3A_250 : memref<64x256xf32, #tpu.memory_space<vmem>>) dst(%dma_wait3A_246 : memref<64x256xf32, #tpu.memory_space<hbm>>)
    %dma_start3A_251 = arith.constant 0 : i32
    %dma_start3A_252 = arith.constant 0 : i32
    %dma_start3A_253 = arith.constant 0 : i32
    %dma_start3A_254 = tpu.memref_slice %arg6[%dma_start3A_251, %dma_start3A_252, %dma_start3A_253] : memref<2x64x256xf32, #tpu.memory_space<vmem>> -> memref<1x64x256xf32, #tpu.memory_space<vmem>>
    %dma_start3A_255 = tpu.memref_squeeze %dma_start3A_254 : memref<1x64x256xf32, #tpu.memory_space<vmem>> -> memref<64x256xf32, #tpu.memory_space<vmem>>
    %dma_start3A_256 = arith.constant 384 : i32
    %dma_start3A_257 = tpu.memref_slice %arg5[%dma_start3A_256] : memref<512xi32, #tpu.memory_space<vmem>> -> memref<64xi32, #tpu.memory_space<vmem>>
    %dma_start3A_258 = arith.constant 0 : i32
    %dma_start3A_259 = arith.constant 0 : i32
    %dma_start3A_260 = tpu.memref_slice %arg3[%dma_start3A_258, %dma_start3A_259] : memref<100000x256xf32, #tpu.memory_space<hbm>> -> memref<100000x256xf32, #tpu.memory_space<hbm>>
    tpu.enqueue_indirect_dma source(%dma_start3A_260 : memref<100000x256xf32, #tpu.memory_space<hbm>>) target(%dma_start3A_255 : memref<64x256xf32, #tpu.memory_space<vmem>>) offsets(%dma_start3A_257 : memref<64xi32, #tpu.memory_space<vmem>>) semaphore(%arg7 : memref<!tpu.dma_semaphore, #tpu.memory_space<semaphore_mem>>)
    %dma_wait3A_261 = arith.constant 1 : i32
    %dma_wait3A_262 = arith.constant 0 : i32
    %dma_wait3A_263 = arith.constant 0 : i32
    %dma_wait3A_264 = tpu.memref_slice %arg6[%dma_wait3A_261, %dma_wait3A_262, %dma_wait3A_263] : memref<2x64x256xf32, #tpu.memory_space<vmem>> -> memref<1x64x256xf32, #tpu.memory_space<vmem>>
    %dma_wait3A_265 = tpu.memref_squeeze %dma_wait3A_264 : memref<1x64x256xf32, #tpu.memory_space<vmem>> -> memref<64x256xf32, #tpu.memory_space<vmem>>
    %dma_wait3A_266 = arith.constant 320 : i32
    %dma_wait3A_267 = tpu.memref_slice %arg5[%dma_wait3A_266] : memref<512xi32, #tpu.memory_space<vmem>> -> memref<64xi32, #tpu.memory_space<vmem>>
    %dma_wait3A_268 = arith.constant 0 : i32
    %dma_wait3A_269 = arith.constant 0 : i32
    %dma_wait3A_270 = tpu.memref_slice %arg3[%dma_wait3A_268, %dma_wait3A_269] : memref<100000x256xf32, #tpu.memory_space<hbm>> -> memref<100000x256xf32, #tpu.memory_space<hbm>>
    tpu.wait_indirect_dma semaphore(%arg8 : memref<!tpu.dma_semaphore, #tpu.memory_space<semaphore_mem>>) src(%dma_wait3A_270 : memref<100000x256xf32, #tpu.memory_space<hbm>>) dst(%dma_wait3A_265 : memref<64x256xf32, #tpu.memory_space<vmem>>)
    %add3A_271 = arith.constant 320 : i32
    %add3A_272 = arith.addi %mul3A_2, %add3A_271 : i32
    %dma_start3A_273 = arith.constant 1 : i32
    %dma_start3A_274 = arith.constant 0 : i32
    %dma_start3A_275 = arith.constant 0 : i32
    %dma_start3A_276 = tpu.memref_slice %arg6[%dma_start3A_273, %dma_start3A_274, %dma_start3A_275] : memref<2x64x256xf32, #tpu.memory_space<vmem>> -> memref<1x64x256xf32, #tpu.memory_space<vmem>>
    %dma_start3A_277 = tpu.memref_squeeze %dma_start3A_276 : memref<1x64x256xf32, #tpu.memory_space<vmem>> -> memref<64x256xf32, #tpu.memory_space<vmem>>
    %dma_start3A_278 = arith.constant 0 : i32
    %dma_start3A_279 = tpu.memref_slice %arg4[%add3A_272, %dma_start3A_278] : memref<16384x256xf32, #tpu.memory_space<hbm>> -> memref<64x256xf32, #tpu.memory_space<hbm>>
    %dma_start3A_280 = arith.constant 0 : i32
    %dma_start3A_281 = tpu.memref_slice %arg4[%add3A_272, %dma_start3A_280] : memref<16384x256xf32, #tpu.memory_space<hbm>> -> memref<64x256xf32, #tpu.memory_space<hbm>>
    %dma_start3A_282 = arith.constant 0 : i32
    %dma_start3A_283 = arith.constant 0 : i32
    %dma_start3A_284 = tpu.memref_slice %arg6[%dma_start3A_273, %dma_start3A_282, %dma_start3A_283] : memref<2x64x256xf32, #tpu.memory_space<vmem>> -> memref<1x64x256xf32, #tpu.memory_space<vmem>>
    %dma_start3A_285 = tpu.memref_squeeze %dma_start3A_284 : memref<1x64x256xf32, #tpu.memory_space<vmem>> -> memref<64x256xf32, #tpu.memory_space<vmem>>
    tpu.enqueue_dma source(%dma_start3A_285 : memref<64x256xf32, #tpu.memory_space<vmem>>) target(%dma_start3A_281 : memref<64x256xf32, #tpu.memory_space<hbm>>) target_semaphore(%arg10 : memref<!tpu.dma_semaphore, #tpu.memory_space<semaphore_mem>>)
    %dma_wait3A_286 = arith.constant 1 : i32
    %dma_wait3A_287 = arith.constant 0 : i32
    %dma_wait3A_288 = arith.constant 0 : i32
    %dma_wait3A_289 = tpu.memref_slice %arg6[%dma_wait3A_286, %dma_wait3A_287, %dma_wait3A_288] : memref<2x64x256xf32, #tpu.memory_space<vmem>> -> memref<1x64x256xf32, #tpu.memory_space<vmem>>
    %dma_wait3A_290 = tpu.memref_squeeze %dma_wait3A_289 : memref<1x64x256xf32, #tpu.memory_space<vmem>> -> memref<64x256xf32, #tpu.memory_space<vmem>>
    %dma_wait3A_291 = arith.constant 0 : i32
    %dma_wait3A_292 = tpu.memref_slice %arg4[%add3A_272, %dma_wait3A_291] : memref<16384x256xf32, #tpu.memory_space<hbm>> -> memref<64x256xf32, #tpu.memory_space<hbm>>
    %dma_wait3A_293 = arith.constant 0 : i32
    %dma_wait3A_294 = tpu.memref_slice %arg4[%add3A_272, %dma_wait3A_293] : memref<16384x256xf32, #tpu.memory_space<hbm>> -> memref<64x256xf32, #tpu.memory_space<hbm>>
    %dma_wait3A_295 = arith.constant 0 : i32
    %dma_wait3A_296 = arith.constant 0 : i32
    %dma_wait3A_297 = tpu.memref_slice %arg6[%dma_wait3A_286, %dma_wait3A_295, %dma_wait3A_296] : memref<2x64x256xf32, #tpu.memory_space<vmem>> -> memref<1x64x256xf32, #tpu.memory_space<vmem>>
    %dma_wait3A_298 = tpu.memref_squeeze %dma_wait3A_297 : memref<1x64x256xf32, #tpu.memory_space<vmem>> -> memref<64x256xf32, #tpu.memory_space<vmem>>
    tpu.wait_dma2 semaphore(%arg10 : memref<!tpu.dma_semaphore, #tpu.memory_space<semaphore_mem>>) src(%dma_wait3A_298 : memref<64x256xf32, #tpu.memory_space<vmem>>) dst(%dma_wait3A_294 : memref<64x256xf32, #tpu.memory_space<hbm>>)
    %dma_start3A_299 = arith.constant 1 : i32
    %dma_start3A_300 = arith.constant 0 : i32
    %dma_start3A_301 = arith.constant 0 : i32
    %dma_start3A_302 = tpu.memref_slice %arg6[%dma_start3A_299, %dma_start3A_300, %dma_start3A_301] : memref<2x64x256xf32, #tpu.memory_space<vmem>> -> memref<1x64x256xf32, #tpu.memory_space<vmem>>
    %dma_start3A_303 = tpu.memref_squeeze %dma_start3A_302 : memref<1x64x256xf32, #tpu.memory_space<vmem>> -> memref<64x256xf32, #tpu.memory_space<vmem>>
    %dma_start3A_304 = arith.constant 448 : i32
    %dma_start3A_305 = tpu.memref_slice %arg5[%dma_start3A_304] : memref<512xi32, #tpu.memory_space<vmem>> -> memref<64xi32, #tpu.memory_space<vmem>>
    %dma_start3A_306 = arith.constant 0 : i32
    %dma_start3A_307 = arith.constant 0 : i32
    %dma_start3A_308 = tpu.memref_slice %arg3[%dma_start3A_306, %dma_start3A_307] : memref<100000x256xf32, #tpu.memory_space<hbm>> -> memref<100000x256xf32, #tpu.memory_space<hbm>>
    tpu.enqueue_indirect_dma source(%dma_start3A_308 : memref<100000x256xf32, #tpu.memory_space<hbm>>) target(%dma_start3A_303 : memref<64x256xf32, #tpu.memory_space<vmem>>) offsets(%dma_start3A_305 : memref<64xi32, #tpu.memory_space<vmem>>) semaphore(%arg8 : memref<!tpu.dma_semaphore, #tpu.memory_space<semaphore_mem>>)
    %dma_wait3A_309 = arith.constant 0 : i32
    %dma_wait3A_310 = arith.constant 0 : i32
    %dma_wait3A_311 = arith.constant 0 : i32
    %dma_wait3A_312 = tpu.memref_slice %arg6[%dma_wait3A_309, %dma_wait3A_310, %dma_wait3A_311] : memref<2x64x256xf32, #tpu.memory_space<vmem>> -> memref<1x64x256xf32, #tpu.memory_space<vmem>>
    %dma_wait3A_313 = tpu.memref_squeeze %dma_wait3A_312 : memref<1x64x256xf32, #tpu.memory_space<vmem>> -> memref<64x256xf32, #tpu.memory_space<vmem>>
    %dma_wait3A_314 = arith.constant 384 : i32
    %dma_wait3A_315 = tpu.memref_slice %arg5[%dma_wait3A_314] : memref<512xi32, #tpu.memory_space<vmem>> -> memref<64xi32, #tpu.memory_space<vmem>>
    %dma_wait3A_316 = arith.constant 0 : i32
    %dma_wait3A_317 = arith.constant 0 : i32
    %dma_wait3A_318 = tpu.memref_slice %arg3[%dma_wait3A_316, %dma_wait3A_317] : memref<100000x256xf32, #tpu.memory_space<hbm>> -> memref<100000x256xf32, #tpu.memory_space<hbm>>
    tpu.wait_indirect_dma semaphore(%arg7 : memref<!tpu.dma_semaphore, #tpu.memory_space<semaphore_mem>>) src(%dma_wait3A_318 : memref<100000x256xf32, #tpu.memory_space<hbm>>) dst(%dma_wait3A_313 : memref<64x256xf32, #tpu.memory_space<vmem>>)
    %add3A_319 = arith.constant 384 : i32
    %add3A_320 = arith.addi %mul3A_2, %add3A_319 : i32
    %dma_start3A_321 = arith.constant 0 : i32
    %dma_start3A_322 = arith.constant 0 : i32
    %dma_start3A_323 = arith.constant 0 : i32
    %dma_start3A_324 = tpu.memref_slice %arg6[%dma_start3A_321, %dma_start3A_322, %dma_start3A_323] : memref<2x64x256xf32, #tpu.memory_space<vmem>> -> memref<1x64x256xf32, #tpu.memory_space<vmem>>
    %dma_start3A_325 = tpu.memref_squeeze %dma_start3A_324 : memref<1x64x256xf32, #tpu.memory_space<vmem>> -> memref<64x256xf32, #tpu.memory_space<vmem>>
    %dma_start3A_326 = arith.constant 0 : i32
    %dma_start3A_327 = tpu.memref_slice %arg4[%add3A_320, %dma_start3A_326] : memref<16384x256xf32, #tpu.memory_space<hbm>> -> memref<64x256xf32, #tpu.memory_space<hbm>>
    %dma_start3A_328 = arith.constant 0 : i32
    %dma_start3A_329 = tpu.memref_slice %arg4[%add3A_320, %dma_start3A_328] : memref<16384x256xf32, #tpu.memory_space<hbm>> -> memref<64x256xf32, #tpu.memory_space<hbm>>
    %dma_start3A_330 = arith.constant 0 : i32
    %dma_start3A_331 = arith.constant 0 : i32
    %dma_start3A_332 = tpu.memref_slice %arg6[%dma_start3A_321, %dma_start3A_330, %dma_start3A_331] : memref<2x64x256xf32, #tpu.memory_space<vmem>> -> memref<1x64x256xf32, #tpu.memory_space<vmem>>
    %dma_start3A_333 = tpu.memref_squeeze %dma_start3A_332 : memref<1x64x256xf32, #tpu.memory_space<vmem>> -> memref<64x256xf32, #tpu.memory_space<vmem>>
    tpu.enqueue_dma source(%dma_start3A_333 : memref<64x256xf32, #tpu.memory_space<vmem>>) target(%dma_start3A_329 : memref<64x256xf32, #tpu.memory_space<hbm>>) target_semaphore(%arg9 : memref<!tpu.dma_semaphore, #tpu.memory_space<semaphore_mem>>)
    %dma_wait3A_334 = arith.constant 1 : i32
    %dma_wait3A_335 = arith.constant 0 : i32
    %dma_wait3A_336 = arith.constant 0 : i32
    %dma_wait3A_337 = tpu.memref_slice %arg6[%dma_wait3A_334, %dma_wait3A_335, %dma_wait3A_336] : memref<2x64x256xf32, #tpu.memory_space<vmem>> -> memref<1x64x256xf32, #tpu.memory_space<vmem>>
    %dma_wait3A_338 = tpu.memref_squeeze %dma_wait3A_337 : memref<1x64x256xf32, #tpu.memory_space<vmem>> -> memref<64x256xf32, #tpu.memory_space<vmem>>
    %dma_wait3A_339 = arith.constant 448 : i32
    %dma_wait3A_340 = tpu.memref_slice %arg5[%dma_wait3A_339] : memref<512xi32, #tpu.memory_space<vmem>> -> memref<64xi32, #tpu.memory_space<vmem>>
    %dma_wait3A_341 = arith.constant 0 : i32
    %dma_wait3A_342 = arith.constant 0 : i32
    %dma_wait3A_343 = tpu.memref_slice %arg3[%dma_wait3A_341, %dma_wait3A_342] : memref<100000x256xf32, #tpu.memory_space<hbm>> -> memref<100000x256xf32, #tpu.memory_space<hbm>>
    tpu.wait_indirect_dma semaphore(%arg8 : memref<!tpu.dma_semaphore, #tpu.memory_space<semaphore_mem>>) src(%dma_wait3A_343 : memref<100000x256xf32, #tpu.memory_space<hbm>>) dst(%dma_wait3A_338 : memref<64x256xf32, #tpu.memory_space<vmem>>)
    %add3A_344 = arith.constant 448 : i32
    %add3A_345 = arith.addi %mul3A_2, %add3A_344 : i32
    %dma_start3A_346 = arith.constant 1 : i32
    %dma_start3A_347 = arith.constant 0 : i32
    %dma_start3A_348 = arith.constant 0 : i32
    %dma_start3A_349 = tpu.memref_slice %arg6[%dma_start3A_346, %dma_start3A_347, %dma_start3A_348] : memref<2x64x256xf32, #tpu.memory_space<vmem>> -> memref<1x64x256xf32, #tpu.memory_space<vmem>>
    %dma_start3A_350 = tpu.memref_squeeze %dma_start3A_349 : memref<1x64x256xf32, #tpu.memory_space<vmem>> -> memref<64x256xf32, #tpu.memory_space<vmem>>
    %dma_start3A_351 = arith.constant 0 : i32
    %dma_start3A_352 = tpu.memref_slice %arg4[%add3A_345, %dma_start3A_351] : memref<16384x256xf32, #tpu.memory_space<hbm>> -> memref<64x256xf32, #tpu.memory_space<hbm>>
    %dma_start3A_353 = arith.constant 0 : i32
    %dma_start3A_354 = tpu.memref_slice %arg4[%add3A_345, %dma_start3A_353] : memref<16384x256xf32, #tpu.memory_space<hbm>> -> memref<64x256xf32, #tpu.memory_space<hbm>>
    %dma_start3A_355 = arith.constant 0 : i32
    %dma_start3A_356 = arith.constant 0 : i32
    %dma_start3A_357 = tpu.memref_slice %arg6[%dma_start3A_346, %dma_start3A_355, %dma_start3A_356] : memref<2x64x256xf32, #tpu.memory_space<vmem>> -> memref<1x64x256xf32, #tpu.memory_space<vmem>>
    %dma_start3A_358 = tpu.memref_squeeze %dma_start3A_357 : memref<1x64x256xf32, #tpu.memory_space<vmem>> -> memref<64x256xf32, #tpu.memory_space<vmem>>
    tpu.enqueue_dma source(%dma_start3A_358 : memref<64x256xf32, #tpu.memory_space<vmem>>) target(%dma_start3A_354 : memref<64x256xf32, #tpu.memory_space<hbm>>) target_semaphore(%arg10 : memref<!tpu.dma_semaphore, #tpu.memory_space<semaphore_mem>>)
    %dma_wait3A_359 = arith.constant 0 : i32
    %dma_wait3A_360 = arith.constant 0 : i32
    %dma_wait3A_361 = arith.constant 0 : i32
    %dma_wait3A_362 = tpu.memref_slice %arg6[%dma_wait3A_359, %dma_wait3A_360, %dma_wait3A_361] : memref<2x64x256xf32, #tpu.memory_space<vmem>> -> memref<1x64x256xf32, #tpu.memory_space<vmem>>
    %dma_wait3A_363 = tpu.memref_squeeze %dma_wait3A_362 : memref<1x64x256xf32, #tpu.memory_space<vmem>> -> memref<64x256xf32, #tpu.memory_space<vmem>>
    %dma_wait3A_364 = arith.constant 0 : i32
    %dma_wait3A_365 = tpu.memref_slice %arg4[%add3A_320, %dma_wait3A_364] : memref<16384x256xf32, #tpu.memory_space<hbm>> -> memref<64x256xf32, #tpu.memory_space<hbm>>
    %dma_wait3A_366 = arith.constant 0 : i32
    %dma_wait3A_367 = tpu.memref_slice %arg4[%add3A_320, %dma_wait3A_366] : memref<16384x256xf32, #tpu.memory_space<hbm>> -> memref<64x256xf32, #tpu.memory_space<hbm>>
    %dma_wait3A_368 = arith.constant 0 : i32
    %dma_wait3A_369 = arith.constant 0 : i32
    %dma_wait3A_370 = tpu.memref_slice %arg6[%dma_wait3A_359, %dma_wait3A_368, %dma_wait3A_369] : memref<2x64x256xf32, #tpu.memory_space<vmem>> -> memref<1x64x256xf32, #tpu.memory_space<vmem>>
    %dma_wait3A_371 = tpu.memref_squeeze %dma_wait3A_370 : memref<1x64x256xf32, #tpu.memory_space<vmem>> -> memref<64x256xf32, #tpu.memory_space<vmem>>
    tpu.wait_dma2 semaphore(%arg9 : memref<!tpu.dma_semaphore, #tpu.memory_space<semaphore_mem>>) src(%dma_wait3A_371 : memref<64x256xf32, #tpu.memory_space<vmem>>) dst(%dma_wait3A_367 : memref<64x256xf32, #tpu.memory_space<hbm>>)
    %dma_wait3A_372 = arith.constant 1 : i32
    %dma_wait3A_373 = arith.constant 0 : i32
    %dma_wait3A_374 = arith.constant 0 : i32
    %dma_wait3A_375 = tpu.memref_slice %arg6[%dma_wait3A_372, %dma_wait3A_373, %dma_wait3A_374] : memref<2x64x256xf32, #tpu.memory_space<vmem>> -> memref<1x64x256xf32, #tpu.memory_space<vmem>>
    %dma_wait3A_376 = tpu.memref_squeeze %dma_wait3A_375 : memref<1x64x256xf32, #tpu.memory_space<vmem>> -> memref<64x256xf32, #tpu.memory_space<vmem>>
    %dma_wait3A_377 = arith.constant 0 : i32
    %dma_wait3A_378 = tpu.memref_slice %arg4[%add3A_345, %dma_wait3A_377] : memref<16384x256xf32, #tpu.memory_space<hbm>> -> memref<64x256xf32, #tpu.memory_space<hbm>>
    %dma_wait3A_379 = arith.constant 0 : i32
    %dma_wait3A_380 = tpu.memref_slice %arg4[%add3A_345, %dma_wait3A_379] : memref<16384x256xf32, #tpu.memory_space<hbm>> -> memref<64x256xf32, #tpu.memory_space<hbm>>
    %dma_wait3A_381 = arith.constant 0 : i32
    %dma_wait3A_382 = arith.constant 0 : i32
    %dma_wait3A_383 = tpu.memref_slice %arg6[%dma_wait3A_372, %dma_wait3A_381, %dma_wait3A_382] : memref<2x64x256xf32, #tpu.memory_space<vmem>> -> memref<1x64x256xf32, #tpu.memory_space<vmem>>
    %dma_wait3A_384 = tpu.memref_squeeze %dma_wait3A_383 : memref<1x64x256xf32, #tpu.memory_space<vmem>> -> memref<64x256xf32, #tpu.memory_space<vmem>>
    tpu.wait_dma2 semaphore(%arg10 : memref<!tpu.dma_semaphore, #tpu.memory_space<semaphore_mem>>) src(%dma_wait3A_384 : memref<64x256xf32, #tpu.memory_space<vmem>>) dst(%dma_wait3A_380 : memref<64x256xf32, #tpu.memory_space<hbm>>)
    return
  }
}

module attributes {stable_mosaic.version = 14 : i64} {
  func.func @_tc_math_body(%arg0: i32, %arg1: memref<1024x256xf32, #tpu.memory_space<vmem>>, %arg2: memref<1024x256xf32, #tpu.memory_space<vmem>>, %arg3: memref<1024x32xf32, #tpu.memory_space<vmem>>, %arg4: memref<1024x32xf32, #tpu.memory_space<vmem>>, %arg5: memref<1024xf32, #tpu.memory_space<vmem>>, %arg6: memref<8x16xf32, #tpu.memory_space<vmem>>, %arg7: memref<1xf32, #tpu.memory_space<vmem>>, %arg8: memref<1024xf32, #tpu.memory_space<vmem>>, %arg9: memref<1024x8xf32, #tpu.memory_space<vmem>>, %arg10: memref<1xf32, #tpu.memory_space<smem>>) attributes {dimension_semantics = [#tpu.dimension_semantics<arbitrary>], iteration_bounds = array<i64: 16>, scalar_prefetch = 0 : i64, scratch_operands = 0 : i64, tpu.core_type = #tpu.core_type<tc>, window_params = [{transform_indices = @transform_0, window_bounds = array<i64: 1024, 256>}, {transform_indices = @transform_1, window_bounds = array<i64: 1024, 256>}, {transform_indices = @transform_2, window_bounds = array<i64: 1024, 32>}, {transform_indices = @transform_3, window_bounds = array<i64: 1024, 32>}, {transform_indices = @transform_4, window_bounds = array<i64: 1024>}, {pipeline_mode = #tpu.pipeline_mode<synchronous>, transform_indices = @transform_5, window_bounds = array<i64: 8, 16>}, {pipeline_mode = #tpu.pipeline_mode<synchronous>, transform_indices = @transform_6, window_bounds = array<i64: 1>}, {transform_indices = @transform_7, window_bounds = array<i64: 1024>}, {transform_indices = @transform_8, window_bounds = array<i64: 1024, 8>}, {transform_indices = @transform_9, window_bounds = array<i64: 1>}]} {
    %get3A = arith.constant 0 : index
    %get3A_0 = arith.constant 0 : index
    %get3A_1 = vector.load %arg1[%get3A, %get3A_0] : memref<1024x256xf32, #tpu.memory_space<vmem>>, vector<1024x256xf32>
    %get3A_2 = arith.constant 0 : index
    %get3A_3 = arith.constant 0 : index
    %get3A_4 = vector.load %arg2[%get3A_2, %get3A_3] : memref<1024x256xf32, #tpu.memory_space<vmem>>, vector<1024x256xf32>
    %add3A = arith.addf %get3A_1, %get3A_1 : vector<1024x256xf32>
    %add3A_5 = arith.addf %get3A_1, %get3A_4 : vector<1024x256xf32>
    %div3A = arith.divf %add3A, %add3A_5 : vector<1024x256xf32>
    %log3A = math.log %div3A : vector<1024x256xf32>
    %mul3A = arith.mulf %get3A_1, %log3A : vector<1024x256xf32>
    %sub3A = arith.constant 2.000000e+00 : f32
    %sub3A_6 = vector.broadcast %sub3A : f32 to vector<1024x256xf32>
    %sub3A_7 = arith.subf %sub3A_6, %div3A : vector<1024x256xf32>
    %log3A_8 = math.log %sub3A_7 : vector<1024x256xf32>
    %mul3A_9 = arith.mulf %get3A_4, %log3A_8 : vector<1024x256xf32>
    %add3A_10 = arith.addf %mul3A, %mul3A_9 : vector<1024x256xf32>
    %iota3A = tpu.iota {dimensions = array<i32: 0>} : vector<256x8xi32>
    %jit3A = arith.constant 32 : i32
    %div3A_11 = vector.broadcast %jit3A : i32 to vector<256x8xi32>
    %div3A_12 = arith.divsi %iota3A, %div3A_11 : vector<256x8xi32>
    %sign3A = arith.constant 0 : i32
    %sign3A_13 = vector.broadcast %sign3A : i32 to vector<256x8xi32>
    %sign3A_14 = arith.cmpi sgt, %iota3A, %sign3A_13 : vector<256x8xi32>
    %sign3A_15 = arith.extui %sign3A_14 : vector<256x8xi1> to vector<256x8xi32>
    %sign3A_16 = arith.constant 0 : i32
    %sign3A_17 = vector.broadcast %sign3A_16 : i32 to vector<256x8xi32>
    %sign3A_18 = arith.cmpi slt, %iota3A, %sign3A_17 : vector<256x8xi32>
    %sign3A_19 = arith.extui %sign3A_18 : vector<256x8xi1> to vector<256x8xi32>
    %sign3A_20 = arith.subi %sign3A_15, %sign3A_19 : vector<256x8xi32>
    %sign3A_21 = arith.constant 0 : i32
    %sign3A_22 = arith.cmpi sgt, %jit3A, %sign3A_21 : i32
    %sign3A_23 = arith.extui %sign3A_22 : i1 to i32
    %sign3A_24 = arith.constant 0 : i32
    %sign3A_25 = arith.cmpi slt, %jit3A, %sign3A_24 : i32
    %sign3A_26 = arith.extui %sign3A_25 : i1 to i32
    %sign3A_27 = arith.subi %sign3A_23, %sign3A_26 : i32
    %ne3A = vector.broadcast %sign3A_27 : i32 to vector<256x8xi32>
    %ne3A_28 = arith.cmpi ne, %sign3A_20, %ne3A : vector<256x8xi32>
    %rem3A = vector.broadcast %jit3A : i32 to vector<256x8xi32>
    %rem3A_29 = arith.remsi %iota3A, %rem3A : vector<256x8xi32>
    %ne3A_30 = arith.constant 0 : i32
    %ne3A_31 = vector.broadcast %ne3A_30 : i32 to vector<256x8xi32>
    %ne3A_32 = arith.cmpi ne, %rem3A_29, %ne3A_31 : vector<256x8xi32>
    %and3A = arith.andi %ne3A_28, %ne3A_32 : vector<256x8xi1>
    %sub3A_33 = arith.constant 1 : i32
    %sub3A_34 = vector.broadcast %sub3A_33 : i32 to vector<256x8xi32>
    %sub3A_35 = arith.subi %div3A_12, %sub3A_34 : vector<256x8xi32>
    %select_n3A = arith.select %and3A, %sub3A_35, %div3A_12 : vector<256x8xi1>, vector<256x8xi32>
    %iota3A_36 = tpu.iota {dimensions = array<i32: 1>} : vector<256x8xi32>
    %eq3A = arith.cmpi eq, %select_n3A, %iota3A_36 : vector<256x8xi32>
    %convert_element_type3A = arith.extui %eq3A : vector<256x8xi1> to vector<256x8xi32>
    %convert_element_type3A_37 = arith.sitofp %convert_element_type3A : vector<256x8xi32> to vector<256x8xf32>
    %dot_general3A = arith.constant dense<0.000000e+00> : vector<1024x8xf32>
    %dot_general3A_38 = tpu.matmul %add3A_10, %convert_element_type3A_37, %dot_general3A {dimension_numbers = #tpu.dot_dimension_numbers<[1], [0], [0], [1], [0, 0, 1, 1], [], []>, transpose_lhs_hint = false} : vector<1024x256xf32>, vector<256x8xf32>, vector<1024x8xf32> -> vector<1024x8xf32>
    %mul3A_39 = arith.constant 5.000000e-01 : f32
    %mul3A_40 = vector.broadcast %mul3A_39 : f32 to vector<1024x8xf32>
    %mul3A_41 = arith.mulf %mul3A_40, %dot_general3A_38 : vector<1024x8xf32>
    %sub3A_42 = arith.constant 1.000000e+00 : f32
    %sub3A_43 = vector.broadcast %sub3A_42 : f32 to vector<1024x8xf32>
    %sub3A_44 = arith.subf %sub3A_43, %mul3A_41 : vector<1024x8xf32>
    %get3A_45 = arith.constant 0 : index
    %get3A_46 = arith.constant 0 : index
    %get3A_47 = vector.load %arg3[%get3A_45, %get3A_46] : memref<1024x32xf32, #tpu.memory_space<vmem>>, vector<1024x32xf32>
    %get3A_48 = arith.constant 0 : index
    %get3A_49 = arith.constant 0 : index
    %get3A_50 = vector.load %arg4[%get3A_48, %get3A_49] : memref<1024x32xf32, #tpu.memory_space<vmem>>, vector<1024x32xf32>
    %slice3A = vector.extract_strided_slice %get3A_47 {offsets = [0, 0], sizes = [1024, 16], strides = [1, 1]} : vector<1024x32xf32> to vector<1024x16xf32>
    %slice3A_51 = vector.extract_strided_slice %get3A_50 {offsets = [0, 0], sizes = [1024, 16], strides = [1, 1]} : vector<1024x32xf32> to vector<1024x16xf32>
    %get3A_52 = arith.constant 0 : index
    %get3A_53 = arith.constant 0 : index
    %get3A_54 = vector.load %arg6[%get3A_52, %get3A_53] : memref<8x16xf32, #tpu.memory_space<vmem>>, vector<8x16xf32>
    %mul3A_55 = arith.mulf %slice3A, %slice3A_51 : vector<1024x16xf32>
    %mul3A_56 = arith.mulf %get3A_54, %get3A_54 : vector<8x16xf32>
    %transpose3A = tpu.transpose %mul3A_56, [1, 0] : vector<8x16xf32> -> vector<16x8xf32>
    %dot_general3A_57 = arith.constant dense<0.000000e+00> : vector<1024x8xf32>
    %dot_general3A_58 = tpu.matmul %mul3A_55, %transpose3A, %dot_general3A_57 {dimension_numbers = #tpu.dot_dimension_numbers<[1], [0], [0], [1], [0, 0, 1, 1], [], []>, transpose_lhs_hint = false} : vector<1024x16xf32>, vector<16x8xf32>, vector<1024x8xf32> -> vector<1024x8xf32>
    %mul3A_59 = arith.mulf %sub3A_44, %dot_general3A_58 : vector<1024x8xf32>
    %swap3A = arith.constant 0 : index
    %swap3A_60 = arith.constant 0 : index
    %swap3A_61 = vector.load %arg9[%swap3A, %swap3A_60] : memref<1024x8xf32, #tpu.memory_space<vmem>>, vector<1024x8xf32>
    tpu.vector_store %arg9[%swap3A, %swap3A_60], %mul3A_59 {strides = array<i32>} : memref<1024x8xf32, #tpu.memory_space<vmem>>, vector<1024x8xf32>,
    %slice3A_62 = vector.extract_strided_slice %get3A_47 {offsets = [0, 16], sizes = [1024, 1], strides = [1, 1]} : vector<1024x32xf32> to vector<1024x1xf32>
    %slice3A_63 = vector.extract_strided_slice %get3A_47 {offsets = [0, 17], sizes = [1024, 1], strides = [1, 1]} : vector<1024x32xf32> to vector<1024x1xf32>
    %squeeze3A = vector.shape_cast %slice3A_63 : vector<1024x1xf32> to vector<1024xf32>
    %slice3A_64 = vector.extract_strided_slice %get3A_47 {offsets = [0, 18], sizes = [1024, 8], strides = [1, 1]} : vector<1024x32xf32> to vector<1024x8xf32>
    %slice3A_65 = vector.extract_strided_slice %get3A_50 {offsets = [0, 16], sizes = [1024, 1], strides = [1, 1]} : vector<1024x32xf32> to vector<1024x1xf32>
    %squeeze3A_66 = vector.shape_cast %slice3A_65 : vector<1024x1xf32> to vector<1024xf32>
    %slice3A_67 = vector.extract_strided_slice %get3A_50 {offsets = [0, 17], sizes = [1024, 8], strides = [1, 1]} : vector<1024x32xf32> to vector<1024x8xf32>
    %mul3A_68 = vector.broadcast %slice3A_62 : vector<1024x1xf32> to vector<1024x8xf32>
    %mul3A_69 = arith.mulf %mul3A_68, %slice3A_64 : vector<1024x8xf32>
    %sub3A_70 = arith.constant 1.000000e+00 : f32
    %sub3A_71 = vector.broadcast %sub3A_70 : f32 to vector<1024x1xf32>
    %sub3A_72 = arith.subf %sub3A_71, %slice3A_62 : vector<1024x1xf32>
    %mul3A_73 = vector.broadcast %sub3A_72 : vector<1024x1xf32> to vector<1024x8xf32>
    %mul3A_74 = arith.mulf %mul3A_73, %slice3A_67 : vector<1024x8xf32>
    %add3A_75 = arith.addf %mul3A_69, %mul3A_74 : vector<1024x8xf32>
    %mul3A_76 = arith.mulf %add3A_75, %mul3A_59 : vector<1024x8xf32>
    %reduce_sum3A = arith.constant dense<0.000000e+00> : vector<1024xf32>
    %reduce_sum3A_77 = vector.multi_reduction <add>, %mul3A_76, %reduce_sum3A [1] : vector<1024x8xf32> to vector<1024xf32>
    %add3A_78 = arith.addf %reduce_sum3A_77, %squeeze3A : vector<1024xf32>
    %add3A_79 = arith.addf %add3A_78, %squeeze3A_66 : vector<1024xf32>
    %get3A_80 = arith.constant 0 : index
    %get3A_81 = vector.load %arg7[%get3A_80] : memref<1xf32, #tpu.memory_space<vmem>>, vector<1xf32>
    %get3A_82 = vector.extract %get3A_81[0] : f32 from vector<1xf32>
    %add3A_83 = vector.broadcast %get3A_82 : f32 to vector<1024xf32>
    %add3A_84 = arith.addf %add3A_79, %add3A_83 : vector<1024xf32>
    %swap3A_85 = arith.constant 0 : index
    %swap3A_86 = vector.load %arg8[%swap3A_85] : memref<1024xf32, #tpu.memory_space<vmem>>, vector<1024xf32>
    tpu.vector_store %arg8[%swap3A_85], %add3A_84 {strides = array<i32>} : memref<1024xf32, #tpu.memory_space<vmem>>, vector<1024xf32>,
    %get3A_87 = arith.constant 0 : index
    %get3A_88 = vector.load %arg5[%get3A_87] : memref<1024xf32, #tpu.memory_space<vmem>>, vector<1024xf32>
    %sub3A_89 = arith.subf %get3A_88, %add3A_84 : vector<1024xf32>
    %mul3A_90 = arith.mulf %sub3A_89, %sub3A_89 : vector<1024xf32>
    %reduce_sum3A_91 = vector.shape_cast %mul3A_90 : vector<1024xf32> to vector<1x1024xf32>
    %reduce_sum3A_92 = arith.constant dense<0.000000e+00> : vector<1xf32>
    %reduce_sum3A_93 = vector.multi_reduction <add>, %reduce_sum3A_91, %reduce_sum3A_92 [1] : vector<1x1024xf32> to vector<1xf32>
    %reduce_sum3A_94 = vector.shape_cast %reduce_sum3A_93 : vector<1xf32> to vector<1x1xf32>
    %reduce_sum3A_95 = vector.extract %reduce_sum3A_94[0, 0] : f32 from vector<1x1xf32>
    %mul3A_96 = arith.constant 5.000000e-01 : f32
    %mul3A_97 = arith.mulf %mul3A_96, %reduce_sum3A_95 : f32
    %mul3A_98 = arith.mulf %slice3A, %slice3A : vector<1024x16xf32>
    %reduce_sum3A_99 = vector.shape_cast %mul3A_98 : vector<1024x16xf32> to vector<1x1024x16xf32>
    %reduce_sum3A_100 = arith.constant dense<0.000000e+00> : vector<1xf32>
    %reduce_sum3A_101 = vector.multi_reduction <add>, %reduce_sum3A_99, %reduce_sum3A_100 [1, 2] : vector<1x1024x16xf32> to vector<1xf32>
    %reduce_sum3A_102 = vector.shape_cast %reduce_sum3A_101 : vector<1xf32> to vector<1x1x1xf32>
    %reduce_sum3A_103 = vector.extract %reduce_sum3A_102[0, 0, 0] : f32 from vector<1x1x1xf32>
    %mul3A_104 = arith.constant 5.000000e-03 : f32
    %mul3A_105 = arith.mulf %mul3A_104, %reduce_sum3A_103 : f32
    %add3A_106 = arith.addf %mul3A_97, %mul3A_105 : f32
    %mul3A_107 = arith.mulf %slice3A_51, %slice3A_51 : vector<1024x16xf32>
    %reduce_sum3A_108 = vector.shape_cast %mul3A_107 : vector<1024x16xf32> to vector<1x1024x16xf32>
    %reduce_sum3A_109 = arith.constant dense<0.000000e+00> : vector<1xf32>
    %reduce_sum3A_110 = vector.multi_reduction <add>, %reduce_sum3A_108, %reduce_sum3A_109 [1, 2] : vector<1x1024x16xf32> to vector<1xf32>
    %reduce_sum3A_111 = vector.shape_cast %reduce_sum3A_110 : vector<1xf32> to vector<1x1x1xf32>
    %reduce_sum3A_112 = vector.extract %reduce_sum3A_111[0, 0, 0] : f32 from vector<1x1x1xf32>
    %mul3A_113 = arith.constant 5.000000e-03 : f32
    %mul3A_114 = arith.mulf %mul3A_113, %reduce_sum3A_112 : f32
    %add3A_115 = arith.addf %add3A_106, %mul3A_114 : f32
    %mul3A_116 = arith.mulf %squeeze3A, %squeeze3A : vector<1024xf32>
    %reduce_sum3A_117 = vector.shape_cast %mul3A_116 : vector<1024xf32> to vector<1x1024xf32>
    %reduce_sum3A_118 = arith.constant dense<0.000000e+00> : vector<1xf32>
    %reduce_sum3A_119 = vector.multi_reduction <add>, %reduce_sum3A_117, %reduce_sum3A_118 [1] : vector<1x1024xf32> to vector<1xf32>
    %reduce_sum3A_120 = vector.shape_cast %reduce_sum3A_119 : vector<1xf32> to vector<1x1xf32>
    %reduce_sum3A_121 = vector.extract %reduce_sum3A_120[0, 0] : f32 from vector<1x1xf32>
    %mul3A_122 = arith.mulf %squeeze3A_66, %squeeze3A_66 : vector<1024xf32>
    %reduce_sum3A_123 = vector.shape_cast %mul3A_122 : vector<1024xf32> to vector<1x1024xf32>
    %reduce_sum3A_124 = arith.constant dense<0.000000e+00> : vector<1xf32>
    %reduce_sum3A_125 = vector.multi_reduction <add>, %reduce_sum3A_123, %reduce_sum3A_124 [1] : vector<1x1024xf32> to vector<1xf32>
    %reduce_sum3A_126 = vector.shape_cast %reduce_sum3A_125 : vector<1xf32> to vector<1x1xf32>
    %reduce_sum3A_127 = vector.extract %reduce_sum3A_126[0, 0] : f32 from vector<1x1xf32>
    %add3A_128 = arith.addf %reduce_sum3A_121, %reduce_sum3A_127 : f32
    %mul3A_129 = arith.constant 5.000000e-03 : f32
    %mul3A_130 = arith.mulf %mul3A_129, %add3A_128 : f32
    %add3A_131 = arith.addf %add3A_115, %mul3A_130 : f32
    %eq3A_132 = arith.constant 0 : i32
    %eq3A_133 = arith.cmpi eq, %arg0, %eq3A_132 : i32
    %convert_element_type3A_134 = arith.extui %eq3A_133 : i1 to i32
    %cond3A = arith.constant 0 : i32
    %cond3A_135 = arith.cmpi ne, %convert_element_type3A_134, %cond3A : i32
    scf.if %cond3A_135 {
      %abs3A = math.absf %get3A_54 : vector<8x16xf32>
      %reduce_sum3A_141 = vector.shape_cast %abs3A : vector<8x16xf32> to vector<1x8x16xf32>
      %reduce_sum3A_142 = arith.constant dense<0.000000e+00> : vector<1xf32>
      %reduce_sum3A_143 = vector.multi_reduction <add>, %reduce_sum3A_141, %reduce_sum3A_142 [1, 2] : vector<1x8x16xf32> to vector<1xf32>
      %reduce_sum3A_144 = vector.shape_cast %reduce_sum3A_143 : vector<1xf32> to vector<1x1x1xf32>
      %reduce_sum3A_145 = vector.extract %reduce_sum3A_144[0, 0, 0] : f32 from vector<1x1x1xf32>
      %mul3A_146 = arith.constant 5.000000e-04 : f32
      %mul3A_147 = arith.mulf %mul3A_146, %reduce_sum3A_145 : f32
      %swap3A_148 = arith.constant 0 : index
      %swap3A_149 = memref.load %arg10[%swap3A_148] : memref<1xf32, #tpu.memory_space<smem>>
      memref.store %mul3A_147, %arg10[%swap3A_148] : memref<1xf32, #tpu.memory_space<smem>>
    } else {
    }
    %get3A_136 = arith.constant 0 : index
    %get3A_137 = memref.load %arg10[%get3A_136] : memref<1xf32, #tpu.memory_space<smem>>
    %add3A_138 = arith.addf %get3A_137, %add3A_131 : f32
    %swap3A_139 = arith.constant 0 : index
    %swap3A_140 = memref.load %arg10[%swap3A_139] : memref<1xf32, #tpu.memory_space<smem>>
    memref.store %add3A_138, %arg10[%swap3A_139] : memref<1xf32, #tpu.memory_space<smem>>
    return
  }
  func.func @transform_0(%arg0: i32) -> (i32, i32) {
    %c0_i32 = arith.constant 0 : i32
    %c0_i32_0 = arith.constant 0 : i32
    return %arg0, %c0_i32 : i32, i32
  }
  func.func @transform_1(%arg0: i32) -> (i32, i32) {
    %c0_i32 = arith.constant 0 : i32
    %c0_i32_0 = arith.constant 0 : i32
    return %arg0, %c0_i32 : i32, i32
  }
  func.func @transform_2(%arg0: i32) -> (i32, i32) {
    %c0_i32 = arith.constant 0 : i32
    %c0_i32_0 = arith.constant 0 : i32
    return %arg0, %c0_i32 : i32, i32
  }
  func.func @transform_3(%arg0: i32) -> (i32, i32) {
    %c0_i32 = arith.constant 0 : i32
    %c0_i32_0 = arith.constant 0 : i32
    return %arg0, %c0_i32 : i32, i32
  }
  func.func @transform_4(%arg0: i32) -> i32 {
    %c0_i32 = arith.constant 0 : i32
    return %arg0 : i32
  }
  func.func @transform_5(%arg0: i32) -> (i32, i32) {
    %c0_i32 = arith.constant 0 : i32
    %c0_i32_0 = arith.constant 0 : i32
    %c0_i32_1 = arith.constant 0 : i32
    return %c0_i32, %c0_i32_0 : i32, i32
  }
  func.func @transform_6(%arg0: i32) -> i32 {
    %c0_i32 = arith.constant 0 : i32
    %c0_i32_0 = arith.constant 0 : i32
    return %c0_i32 : i32
  }
  func.func @transform_7(%arg0: i32) -> i32 {
    %c0_i32 = arith.constant 0 : i32
    return %arg0 : i32
  }
  func.func @transform_8(%arg0: i32) -> (i32, i32) {
    %c0_i32 = arith.constant 0 : i32
    %c0_i32_0 = arith.constant 0 : i32
    return %arg0, %c0_i32 : i32, i32
  }
  func.func @transform_9(%arg0: i32) -> i32 {
    %c0_i32 = arith.constant 0 : i32
    %c0_i32_0 = arith.constant 0 : i32
    return %c0_i32 : i32
  }
}

</mosaic_0001>

<sc_bundles>
// kernel: kernel.12.cloned.1.call-start
scs
__scs_entry_jumppad:
0x0: {  	(pc) =	sbr.rel $0x88, $3  }
0x1: {  	(tag) =	ssettag $0x0;
	lr =	simm.s32 $0x1  }
0x2: {  	[smem:$0x3F93] =	sst lr;
	_ =	strace $0xD0000000  }
0x3: {  	_ = 	snop  }
0x4: {  	_ = 	snop  }
0x5: {  	_ = 	snop  }
0x6: {  	_ = 	snop  }
0x7: {  	_ = 	snop  }
__scs_overlays_trampoline_lowered:
0x8: {  	[smem:$0x3FA2] =	sst s0  }
0x9: {  	[smem:$0x3FA3] =	sst s1  }
0xa: {  	[smem:$0x3FA4] =	sst s2  }
0xb: {  	[smem:$0x3FA5] =	sst s3  }
0xc: {  	[smem:$0x3FA6] =	sst s4  }
0xd: {  	[smem:$0x3FA7] =	sst s5  }
0xe: {  	[smem:$0x3FA8] =	sst s6  }
0xf: {  	[smem:$0x3FA9] =	sst s7  }
0x10: {  	[smem:$0x3FAA] =	sst s8  }
0x11: {  	[smem:$0x3FAB] =	sst s9;
	s0 =	simm.s32 @!p0 $0x0  }
0x12: {  	s1 =	sld [smem:$0x3F91];
	s0 =	simm.s32 @p0 $0x1  }
0x13: {  	[smem:$0x3FAC] =	sst s0;
	s0 =	simm.s32 @!p1 $0x0  }
0x14: {  	s2 =	sld [smem:$0x3F90];
	s0 =	simm.s32 @p1 $0x1  }
0x15: {  	[smem:$0x3FAD] =	sst s0;
	s0 =	simm.s32 @!p2 $0x0  }
0x16: {  	s3 =	sld [smem:$0x3FDB];
	s0 =	simm.s32 @p2 $0x1  }
0x17: {  	s4 =	simm.s32 $0x1BF5;
	[smem:$0x3FAF] =	sst s0  }
0x18: {  	s0 =	sld [smem:$0x3F92];
	_ =	swait.ge [sflag:s4], $0x0  }
0x19: {  	s7 =	sld [smem:$0x3F93]  }
0x1a: {  	s8 =	sadd.s32 $0xFFFFE003, lr  }
0x1b: {  	s9 =	sadd.s32 $0xFFFFFEF7, lr;
	s5 =	simm.s32 $0xFFFFFFFF;
	p2 =	slt.u32 s8, $0xFFFFF086  }
0x1c: {  	p1 =	slt.u32 s9, $0xF7A;
	s5 =	simm.s32 @!p2 $0x0  }
0x1d: {  	s5 =	simm.s32 @p1 $0x1;
	p0 =	seq.s32 s7, s2  }
0x1e: {  	s7 =	smul.u32 @!p0 $0xF7A, s2;
	p2 =	seq.s32 @!p0 s5, $0x0  }
0x1f: {  	s9 =	smul.u32 $0xF7A, s1;
	s8 =	simm.s32 @!p0 $0x1BF5;
	p2 =	por !p2, p0  }
0x20: {  	[sflag:s8] =	ssyncset.s32 @!p0 $0xFFFFF086;
	s6 =	sadd.s32 @!p0 s3, s7;
	s7 =	simm.s32 @!p0 $0x108  }
0x21: {  	s3 =	sadd.s32 s3, s9;
	s6 =	sadd.s32 @!p0 $0x88, s6;
	s7 =	simm.s32 @p2 $0x1082  }
0x22: {  	[simem:s7], [sflag:s8] =	dma.local @!p0 [hbm:s6], $0xF7A  }
0x23: {  	s9 =	sor.u32 $0xD0000000, s2;
	s6 =	simm.s32 $0x108;
	_ =	swait.ge @!p0 [sflag:s8], $0x0  }
0x24: {  	s3 =	sadd.s32 $0x88, s3;
	s6 =	simm.s32 @!p1 $0x1082;
	[sflag:s4] =	ssyncset.s32 $0xFFFFF086  }
0x25: {  	[simem:s6], [sflag:s4] =	dma.local [hbm:s3], $0xF7A  }
0x26: {  	[smem:$0x3F93] =	sst s1;
	(tag) =	ssettag s2;
	_ =	strace s9  }
0x27: {  	s1 =	sld [smem:$0x3FA3]  }
0x28: {  	s2 =	sld [smem:$0x3FA4]  }
0x29: {  	s4 =	sld [smem:$0x3FA6]  }
0x2a: {  	p0 =	seq.s32 s5, $0x0;
	s5 =	sld [smem:$0x3FA7]  }
0x2b: {  	s6 =	sld [smem:$0x3FA8]  }
0x2c: {  	s7 =	sld [smem:$0x3FA9]  }
0x2d: {  	s3 =	simm.s32 $0x108;
	s8 =	sld [smem:$0x3FAA]  }
0x2e: {  	s3 =	simm.s32 @!p0 $0x1082;
	s9 =	sld [smem:$0x3FAB]  }
0x2f: {  	lr =	sadd.s32 s0, s3;
	s0 =	sld [smem:$0x3FA2]  }
0x30: {  	s3 =	sld [smem:$0x3FA5]  }
0x31: {  	[smem:$0x3FAE] =	sst s10  }
0x32: {  	s10 =	sld [smem:$0x3FAC];
	_ =	sdelay $0x3  }
0x33: {  	p0 =	seq.s32 s10, $0x1;
	s10 =	sld [smem:$0x3FAE];
	_ =	sdelay $0x3  }
0x34: {  	[smem:$0x3FAE] =	sst s10  }
0x35: {  	s10 =	sld [smem:$0x3FAD];
	_ =	sdelay $0x3  }
0x36: {  	p1 =	seq.s32 s10, $0x1;
	s10 =	sld [smem:$0x3FAE];
	_ =	sdelay $0x3  }
0x37: {  	[smem:$0x3FAE] =	sst s10  }
0x38: {  	s10 =	sld [smem:$0x3FAF]  }
0x39: {  	_ = 	snop;
	(pc) =	sbr.ind lr, $3  }
0x3a: {  	_ = 	snop  }
0x3b: {  	_ = 	snop  }
0x3c: {  	p2 =	seq.s32 s10, $0x1;
	s10 =	sld [smem:$0x3FAE]  }
0x3d: {  	_ =	shalt  }
0x3e: {  	_ =	shalt  }
0x3f: {  	_ =	shalt  }
0x40: {  	_ =	shalt  }
0x41: {  	_ =	shalt  }
0x42: {  	_ =	shalt  }
0x43: {  	_ =	shalt  }
0x44: {  	_ =	shalt  }
0x45: {  	_ =	shalt  }
0x46: {  	_ =	shalt  }
0x47: {  	_ =	shalt  }
0x48: {  	_ =	shalt  }
0x49: {  	_ =	shalt  }
0x4a: {  	_ =	shalt  }
0x4b: {  	_ =	shalt  }
0x4c: {  	_ =	shalt  }
0x4d: {  	_ =	shalt  }
0x4e: {  	_ =	shalt  }
0x4f: {  	_ =	shalt  }
0x50: {  	_ =	shalt  }
0x51: {  	_ =	shalt  }
0x52: {  	_ =	shalt  }
0x53: {  	_ =	shalt  }
0x54: {  	_ =	shalt  }
0x55: {  	_ =	shalt  }
0x56: {  	_ =	shalt  }
0x57: {  	_ =	shalt  }
0x58: {  	_ =	shalt  }
0x59: {  	_ =	shalt  }
0x5a: {  	_ =	shalt  }
0x5b: {  	_ =	shalt  }
0x5c: {  	_ =	shalt  }
0x5d: {  	_ =	shalt  }
0x5e: {  	_ =	shalt  }
0x5f: {  	_ =	shalt  }
0x60: {  	_ =	shalt  }
0x61: {  	_ =	shalt  }
0x62: {  	_ =	shalt  }
0x63: {  	_ =	shalt  }
0x64: {  	_ =	shalt  }
0x65: {  	_ =	shalt  }
0x66: {  	_ =	shalt  }
0x67: {  	_ =	shalt  }
0x68: {  	_ =	shalt  }
0x69: {  	_ =	shalt  }
0x6a: {  	_ =	shalt  }
0x6b: {  	_ =	shalt  }
0x6c: {  	_ =	shalt  }
0x6d: {  	_ =	shalt  }
0x6e: {  	_ =	shalt  }
0x6f: {  	_ =	shalt  }
0x70: {  	_ =	shalt  }
0x71: {  	_ =	shalt  }
0x72: {  	_ =	shalt  }
0x73: {  	_ =	shalt  }
0x74: {  	_ =	shalt  }
0x75: {  	_ =	shalt  }
0x76: {  	_ =	shalt  }
0x77: {  	_ =	shalt  }
0x78: {  	_ =	shalt  }
0x79: {  	_ =	shalt  }
0x7a: {  	_ =	shalt  }
0x7b: {  	_ =	shalt  }
0x7c: {  	_ =	shalt  }
0x7d: {  	_ =	shalt  }
0x7e: {  	_ =	shalt  }
0x7f: {  	_ =	shalt  }
0x80: {  	_ =	shalt  }
0x81: {  	_ =	shalt  }
0x82: {  	_ =	shalt  }
0x83: {  	_ =	shalt  }
0x84: {  	_ =	shalt  }
0x85: {  	_ =	shalt  }
0x86: {  	_ =	shalt  }
0x87: {  	_ =	shalt  }
.Lfunc_end0:
.L_simem_size_0:
called_computation.2_lowered:
.L_overlay_start_0:
0x88: {  	s2 =	sld [smem:$0x3FD9]  }
0x89: {  	s3 =	sld [smem:$0x3FFE];
	_ =	sdelay $0x1  }
0x8a: {  	s1 =	srdreg.scid  }
0x8b: {  	s0 =	sand.u32 $0x1, s1  }
0x8c: {  	s17 =	sshll.u32 s0, $0xA;
	s2 =	sadd.s32 s3, s2  }
0x8d: {  	s2 =	sadd.s32 s2, s17  }
0x8e: {  	[smem:$0x3FBA] =	sst s2  }
0x8f: {  	_ = 	snop  }
0x90: {  	s18 =	sld [smem:$0x3FC9];
	(tm) =	ssettm $0x1  }
0x91: {  	s19 =	sld [smem:$0x3FFB];
	_ =	sdelay $0x3  }
0x92: {  	_ =	strace s19  }
0x93: {  	s2 =	sld [smem:$0x3FFC];
	_ =	sdelay $0x3  }
0x94: {  	_ =	strace s2  }
0x95: {  	s2 =	sld [smem:$0x3FFD];
	_ =	sdelay $0x3  }
0x96: {  	_ =	strace s2  }
0x97: {  	_ =	strace $0x8FFFFFFF  }
0x98: {  	s20 =	sld [smem:$0x3FDB];
	_ =	sdelay $0x1  }
0x99: {  	s4 =	simm.s32 $_scs_section_size  }
0x9a: {  	s5 =	simm.s32 $_size__tile_overlayer_lowered;
	s6 =	simm.s32 $_tile_overlayer_lowered  }
0x9b: {  	s7 =	simm.s32 $0x1BFF;
	s21 =	sshll.u32 s6, $0x1;
	s4 =	sadd.s32 s4, s20  }
0x9c: {  	s22 =	simm.s32 $0x0;
	s5 =	sshll.u32 s5, $0x1;
	s6 =	sadd.s32 s21, s4  }
0x9d: {  	[timem:s22], [sflag:s7] =	dma.local [hbm:s6], s5  }
0x9e: {  	_ =	swait.ge [sflag:s7], s5  }
0x9f: {  	s5 =	ssub.s32 $0x0, s5;
	[sflag:s7] =	ssyncset.done $0x0  }
0xa0: {  	[sflag:s7] =	ssyncadd.s32 s5;
	_ =	sdelay $0x1  }
0xa1: {  	s23 =	simm.s32 $0x1B8B  }
0xa2: {  	_ =	swait.ge [sflag:s23], $0x1  }
0xa3: {  	[sflag:s23] =	ssyncset.done $0x0  }
0xa4: {  	[sflag:s23] =	ssyncadd.s32 $0xFFFFFFFF  }
0xa5: {  	s5 =	sld [smem:$0x0]  }
0xa6: {  	s6 =	sand.u32 $0xFFFFFFFE, s1  }
0xa7: {  	p0 =	sne.s32 s1, s6  }
0xa8: {  	s6 =	sshll.u32 @p0 s6, $0xE  }
0xa9: {  	s6 =	sadd.s32 @p0 $0x11B8D, s6;
	s7 =	sshll.u32 @p0 s5, $0x11  }
0xaa: {  	s6 =	sor.u32 @p0 s7, s6  }
0xab: {  	[sflag:s6] =	ssyncadd.remote.s32 @p0 $0x1;
	_ =	sdelay $0x1  }
0xac: {  	s6 =	simm.s32 @p0 $0x1B8D  }
0xad: {  	_ =	swait.eq @p0 [sflag:s6], $0x1  }
0xae: {  	[sflag:s6] =	ssyncadd.s32 @p0 $0xFFFFFFFF  }
0xaf: {  	s7 =	sshll.u32 @!p0 s1, $0xE  }
0xb0: {  	s7 =	sor.u32 @!p0 $0x4000, s7;
	s6 =	simm.s32 @!p0 $0x1B8D  }
0xb1: {  	s5 =	sshll.u32 @!p0 s5, $0x11;
	s7 =	sadd.s32 @!p0 $0x11B8D, s7;
	_ =	swait.eq @!p0 [sflag:s6], $0x1  }
0xb2: {  	s5 =	sor.u32 @!p0 s5, s7;
	[sflag:s6] =	ssyncadd.s32 @!p0 $0xFFFFFFFF  }
0xb3: {  	s25 =	simm.s32 $0x1B8E;
	s24 =	sld [smem:$0x3FFE];
	[sflag:s5] =	ssyncadd.remote.s32 @!p0 $0x1  }
0xb4: {  	s26 =	simm.s32 $execute0_lowered;
	[smem:$0x3FD2] =	sst s25  }
0xb5: {  	s6 =	sshll.u32 s26, $0x1;
	_ =	strace $0x80000049;
	[dreg:$0x1] =	wrdreg $0xFFFFFFFF  }
0xb6: {  	s28 =	simm.s32 $_size_execute0_lowered;
	s4 =	sadd.s32 s4, s6;
	[dreg:$0x0] =	wrdreg $0x0  }
0xb7: {  	s6 =	sshll.u32 s28, $0x1;
	[dreg:$0x2] =	wrdreg s4  }
0xb8: {  	[dreg:$0x3] =	wrdreg s6  }
0xb9: {  	[dreg:$0x4] =	wrdreg $0xC0  }
0xba: {  	_ =	task [dreg:s22], $0x5FFFF  }
0xbb: {  	[dreg:$0x1] =	wrdreg $0xFFFFFFFF  }
0xbc: {  	[dreg:$0x0] =	wrdreg $0x60  }
0xbd: {  	[dreg:$0x2] =	wrdreg s18  }
0xbe: {  	[dreg:$0x3] =	wrdreg s24  }
0xbf: {  	[dreg:$0x4] =	wrdreg $0xB  }
0xc0: {  	_ =	task.clear_ibuf [dreg:s22], $0x5FFFF;
	_ =	strace $0x90000049  }
0xc1: {  	s29 =	simm.s32 $0xB;
	_ =	strace $0x8000004B  }
0xc2: {  	_ =	swait.ge [sflag:s29], $0x1  }
0xc3: {  	[sflag:s29] =	ssyncadd.s32 $0xFFFFFFFF  }
0xc4: {  	_ =	strace $0x9000004B  }
0xc5: {  	_ =	sfence  }
0xc6: {  	s30 =	sld [smem:$0x0];
	_ =	sdelay $0x2  }
0xc7: {  	s31 =	sshll.u32 s1, $0xD;
	s1 =	sshrl.u32 s1, $0x2  }
0xc8: {  	s4 =	sand.u32 $0x4000, s31;
	s1 =	sadd.s32 s1, s30  }
0xc9: {  	s0 =	sor.u32 s4, s0;
	s1 =	sshll.u32 s1, $0x11  }
0xca: {  	s0 =	sor.u32 s1, s0  }
0xcb: {  	s0 =	sadd.s32 $0x8F2B, s0  }
0xcc: {  	[sflag:s0] =	ssyncadd.remote.s32 $0x1  }
0xcd: {  	_ =	sfence.sel $0xFFFF  }
0xce: {  	[dreg:$0x0] =	wrdreg $0xFFFFFFFF;
	(pc) =	sbr.abs _section_cstart, $3  }
0xcf: {  	[dreg:$0x1] =	wrdreg $0xFFFFFFFF  }
0xd0: {  	_ =	task.clear_ibuf [dreg:s22], $0x2FFFF;
	_ =	strace $0x9FFFFFFF  }
0xd1: {  	(tm) =	ssettm $0x7FFFFFFF  }
tec
execute0_lowered:
.L_overlay_start_1:
0x0: {  	(tag) =	ssettag $0x1  }
0x1: {  	s0 =	rddreg [dreg:$0x0]  }
0x2: {  	s4 =	rddreg [dreg:$0x1]  }
0x3: {  	s2 =	srdreg.scid;
	s1 =	stileid.u32  }
0x4: {  	s11 =	simm.s32 $0x5;
	s12 =	simm.s32 $0x200;
	s13 =	simm.s32 $0xA00  }
0x5: {  	s14 =	simm.s32 $0x1200;
	s15 =	simm.s32 $0x1A00;
	s16 =	simm.s32 $0x2200  }
0x6: {  	s17 =	simm.s32 $0x2A00;
	s18 =	simm.s32 $0x3200;
	s19 =	simm.s32 $0x3A00  }
0x7: {  	s20 =	simm.s32 $0x4200;
	s21 =	simm.s32 $0x4A00;
	s22 =	simm.s32 $0x5200  }
0x8: {  	s23 =	simm.s32 $0x5A00;
	s28 =	simm.s32 $0x7A00;
	s29 =	simm.s32 $0x1  }
0x9: {  	s30 =	simm.s32 $0x3;
	s31 =	simm.s32 $0x2;
	s5 =	sand.u32 $0x1, s2  }
0xa: {  	s2 =	simm.s32 $0x0;
	s3 =	sshll.u32 s1, $0xA;
	s6 =	sshll.u32 s5, $0x9  }
0xb: {  	[smem:$0x7FF] =	sst s2;
	s24 =	ssub.s32 $0x2, s5;
	s3 =	sor.u32 s6, s3  }
0xc: {  	_ =	strace $0x8000004A;
	s5 =	sshrl.u32 s24, $0x1;
	s6 =	sshll.u32 s3, $0x5  }
0xd: {  	s7 =	sshrl.u32 s3, $0x3;
	s3 =	sadd.s32 $0x24C400, s4;
	s10 =	ssub.s32 s24, s5  }
0xe: {  	s24 =	simm.s32 $0x6200;
	s9 =	sadd.s32 s6, s4;
	s0 =	sadd.s32 s0, s7  }
0xf: {  	s10 =	smax.u32 s10, $0x1;
	[dreg:$0x3] =	wrdreg s0;
	s25 =	sadd.s32 $0x22200, s9  }
0x10: {  	s26 =	sadd.s32 $0x22A00, s9;
	s4 =	sadd.s32 $0x23200, s9;
	s5 =	sadd.s32 $0x23A00, s9  }
0x11: {  	v2 =	vlaneseq.u32;
	s6 =	sadd.s32 $0x24200, s9;
	s7 =	sadd.s32 $0x24A00, s9;
	s8 =	sadd.s32 $0x25200, s9  }
0x12: {  	vm0 =	vmmov $0xffff;
	v1 =	vshrl.u32 v2, $0x3;
	s9 =	sadd.s32 $0x25A00, s9;
	s0 =	simm.s32 $0x4;
	[dreg:$0x4] =	wrdreg s25  }
0x13: {  	v0 =	vand.u32 $0x7, v2;
	v2 =	vor.u32 $0x8, v2;
	v1 =	vmul.u32 $0x8, v1;
	[dreg:$0x5] =	wrdreg s26;
	s25 =	simm.s32 $0x6A00;
	s26 =	simm.s32 $0x7200  }
.LBB2_1:
0x14: {  	s1 =	rddreg [dreg:$0x3]  }
0x15: {  	[tilespmem:s2], [sflag:$0x5] =	stream.linear.gather [hbm4b:s1+s2], $0x200, $0x38;
	[tilespmem:$0x8200] =	vst v63  }
0x16: {  	_ =	swait.ge [sflag:s11], $0x200  }
0x17: {  	[sflag:s11] =	ssyncset.done $0x0  }
0x18: {  	[sflag:s11] =	ssyncadd.s32 $0xFFFFFE00  }
0x19: {  	v3 =	vld [tilespmem:$0x0];
	_ =	sdelay $0x4  }
0x1a: {  	v4 =	vshll.u32 v3, $0x1  }
0x1b: {  	v3 =	vand.u32 $0x7, v3;
	v4 =	vand.u32 $0xFFFFFFF0, v4  }
0x1c: {  	v3 =	vor.u32 v3, v4  }
0x1d: {  	v4 =	vperm.xlane v3, v0;
	_ =	sdelay $0x1  }
0x1e: {  	v3 =	vperm.xlane v3, v2;
	v4 =	vadd.s32 v1, v4;
	_ =	sdelay $0x1  }
0x1f: {  	v3 =	vadd.s32 v1, v3;
	_ =	sdelay $0x2  }
0x20: {  	[tilespmem:s12], [sflag:$0x1] =	stream.indirect_vreg.gather [hbm4b:s3+s2], $0x80, v4, vm0, $0xb8;
	[tilespmem:$0x8200] =	vst v63  }
0x21: {  	_ = 	snop  }
0x22: {  	[tilespmem:s13], [sflag:$0x1] =	stream.indirect_vreg.gather [hbm4b:s3+s2], $0x80, v3, vm0, $0xb8;
	[tilespmem:$0x8200] =	vst v63  }
0x23: {  	v3 =	vld [tilespmem:$0x10];
	_ =	sdelay $0x4  }
0x24: {  	v33 =	vshll.u32 v3, $0x1  }
0x25: {  	v3 =	vand.u32 $0x7, v3;
	v4 =	vand.u32 $0xFFFFFFF0, v33  }
0x26: {  	v3 =	vor.u32 v3, v4  }
0x27: {  	v4 =	vperm.xlane v3, v0;
	_ =	sdelay $0x1  }
0x28: {  	v3 =	vperm.xlane v3, v2;
	v4 =	vadd.s32 v1, v4;
	_ =	sdelay $0x1  }
0x29: {  	v3 =	vadd.s32 v1, v3;
	_ =	sdelay $0x2  }
0x2a: {  	[tilespmem:s14], [sflag:$0x1] =	stream.indirect_vreg.gather [hbm4b:s3+s2], $0x80, v4, vm0, $0xb8;
	[tilespmem:$0x8200] =	vst v63  }
0x2b: {  	_ = 	snop  }
0x2c: {  	[tilespmem:s15], [sflag:$0x1] =	stream.indirect_vreg.gather [hbm4b:s3+s2], $0x80, v3, vm0, $0xb8;
	[tilespmem:$0x8200] =	vst v63  }
0x2d: {  	v3 =	vld [tilespmem:$0x20];
	_ =	sdelay $0x4  }
0x2e: {  	v34 =	vshll.u32 v3, $0x1  }
0x2f: {  	v3 =	vand.u32 $0x7, v3;
	v4 =	vand.u32 $0xFFFFFFF0, v34  }
0x30: {  	v3 =	vor.u32 v3, v4  }
0x31: {  	v4 =	vperm.xlane v3, v0;
	_ =	sdelay $0x1  }
0x32: {  	v3 =	vperm.xlane v3, v2;
	v4 =	vadd.s32 v1, v4;
	_ =	sdelay $0x1  }
0x33: {  	v3 =	vadd.s32 v1, v3;
	_ =	sdelay $0x2  }
0x34: {  	[tilespmem:s16], [sflag:$0x1] =	stream.indirect_vreg.gather [hbm4b:s3+s2], $0x80, v4, vm0, $0xb8;
	[tilespmem:$0x8200] =	vst v63  }
0x35: {  	_ = 	snop  }
0x36: {  	[tilespmem:s17], [sflag:$0x1] =	stream.indirect_vreg.gather [hbm4b:s3+s2], $0x80, v3, vm0, $0xb8;
	[tilespmem:$0x8200] =	vst v63  }
0x37: {  	v3 =	vld [tilespmem:$0x30];
	_ =	sdelay $0x4  }
0x38: {  	v35 =	vshll.u32 v3, $0x1  }
0x39: {  	v3 =	vand.u32 $0x7, v3;
	v4 =	vand.u32 $0xFFFFFFF0, v35  }
0x3a: {  	v3 =	vor.u32 v3, v4  }
0x3b: {  	v4 =	vperm.xlane v3, v0;
	_ =	sdelay $0x1  }
0x3c: {  	v3 =	vperm.xlane v3, v2;
	v4 =	vadd.s32 v1, v4;
	_ =	sdelay $0x1  }
0x3d: {  	v3 =	vadd.s32 v1, v3;
	_ =	sdelay $0x2  }
0x3e: {  	[tilespmem:s18], [sflag:$0x1] =	stream.indirect_vreg.gather [hbm4b:s3+s2], $0x80, v4, vm0, $0xb8;
	[tilespmem:$0x8200] =	vst v63  }
0x3f: {  	_ = 	snop  }
0x40: {  	[tilespmem:s19], [sflag:$0x1] =	stream.indirect_vreg.gather [hbm4b:s3+s2], $0x80, v3, vm0, $0xb8;
	[tilespmem:$0x8200] =	vst v63  }
0x41: {  	v3 =	vld [tilespmem:$0x40];
	_ =	sdelay $0x4  }
0x42: {  	v36 =	vshll.u32 v3, $0x1  }
0x43: {  	v3 =	vand.u32 $0x7, v3;
	v4 =	vand.u32 $0xFFFFFFF0, v36  }
0x44: {  	v3 =	vor.u32 v3, v4  }
0x45: {  	v4 =	vperm.xlane v3, v0;
	_ =	sdelay $0x1  }
0x46: {  	v3 =	vperm.xlane v3, v2;
	v4 =	vadd.s32 v1, v4;
	_ =	sdelay $0x1  }
0x47: {  	v3 =	vadd.s32 v1, v3;
	_ =	sdelay $0x2  }
0x48: {  	[tilespmem:s20], [sflag:$0x2] =	stream.indirect_vreg.gather [hbm4b:s3+s2], $0x80, v4, vm0, $0xb8;
	[tilespmem:$0x8200] =	vst v63  }
0x49: {  	_ = 	snop  }
0x4a: {  	[tilespmem:s21], [sflag:$0x2] =	stream.indirect_vreg.gather [hbm4b:s3+s2], $0x80, v3, vm0, $0xb8;
	[tilespmem:$0x8200] =	vst v63  }
0x4b: {  	v3 =	vld [tilespmem:$0x50];
	_ =	sdelay $0x4  }
0x4c: {  	v37 =	vshll.u32 v3, $0x1  }
0x4d: {  	v3 =	vand.u32 $0x7, v3;
	v4 =	vand.u32 $0xFFFFFFF0, v37  }
0x4e: {  	v3 =	vor.u32 v3, v4  }
0x4f: {  	v4 =	vperm.xlane v3, v0;
	_ =	sdelay $0x1  }
0x50: {  	v3 =	vperm.xlane v3, v2;
	v4 =	vadd.s32 v1, v4;
	_ =	sdelay $0x1  }
0x51: {  	v3 =	vadd.s32 v1, v3;
	_ =	sdelay $0x2  }
0x52: {  	[tilespmem:s22], [sflag:$0x2] =	stream.indirect_vreg.gather [hbm4b:s3+s2], $0x80, v4, vm0, $0xb8;
	[tilespmem:$0x8200] =	vst v63  }
0x53: {  	_ = 	snop  }
0x54: {  	[tilespmem:s23], [sflag:$0x2] =	stream.indirect_vreg.gather [hbm4b:s3+s2], $0x80, v3, vm0, $0xb8;
	[tilespmem:$0x8200] =	vst v63  }
0x55: {  	v3 =	vld [tilespmem:$0x60];
	_ =	sdelay $0x4  }
0x56: {  	v38 =	vshll.u32 v3, $0x1  }
0x57: {  	v3 =	vand.u32 $0x7, v3;
	v4 =	vand.u32 $0xFFFFFFF0, v38  }
0x58: {  	v3 =	vor.u32 v3, v4  }
0x59: {  	v4 =	vperm.xlane v3, v0;
	_ =	sdelay $0x1  }
0x5a: {  	v3 =	vperm.xlane v3, v2;
	v4 =	vadd.s32 v1, v4;
	_ =	sdelay $0x1  }
0x5b: {  	v3 =	vadd.s32 v1, v3;
	_ =	sdelay $0x2  }
0x5c: {  	[tilespmem:s24], [sflag:$0x2] =	stream.indirect_vreg.gather [hbm4b:s3+s2], $0x80, v4, vm0, $0xb8;
	[tilespmem:$0x8200] =	vst v63  }
0x5d: {  	_ = 	snop  }
0x5e: {  	[tilespmem:s25], [sflag:$0x2] =	stream.indirect_vreg.gather [hbm4b:s3+s2], $0x80, v3, vm0, $0xb8;
	[tilespmem:$0x8200] =	vst v63  }
0x5f: {  	v3 =	vld [tilespmem:$0x70];
	_ =	sdelay $0x4  }
0x60: {  	v39 =	vshll.u32 v3, $0x1  }
0x61: {  	v3 =	vand.u32 $0x7, v3;
	v4 =	vand.u32 $0xFFFFFFF0, v39  }
0x62: {  	v3 =	vor.u32 v3, v4  }
0x63: {  	v4 =	vperm.xlane v3, v0;
	_ =	sdelay $0x1  }
0x64: {  	v3 =	vperm.xlane v3, v2;
	v4 =	vadd.s32 v1, v4;
	_ =	sdelay $0x1  }
0x65: {  	v3 =	vadd.s32 v1, v3;
	_ =	sdelay $0x2  }
0x66: {  	[tilespmem:s26], [sflag:$0x2] =	stream.indirect_vreg.gather [hbm4b:s3+s2], $0x80, v4, vm0, $0xb8;
	[tilespmem:$0x8200] =	vst v63  }
0x67: {  	_ = 	snop  }
0x68: {  	[tilespmem:s28], [sflag:$0x2] =	stream.indirect_vreg.gather [hbm4b:s3+s2], $0x80, v3, vm0, $0xb8;
	[tilespmem:$0x8200] =	vst v63  }
0x69: {  	_ =	swait.ge [sflag:s29], $0x4000  }
0x6a: {  	[sflag:s29] =	ssyncset.done $0x0  }
0x6b: {  	s1 =	rddreg [dreg:$0x4];
	[sflag:s29] =	ssyncadd.s32 $0xFFFFC000  }
0x6c: {  	[hbm4b:s1+s2] =	stream.linear.scatter [tilespmem:s12], [sflag:$0x3], $0x4000, $0x38;
	[tilespmem:$0x8200] =	vst v63  }
0x6d: {  	_ =	swait.ge [sflag:s30], $0x4000  }
0x6e: {  	[sflag:s30] =	ssyncset.done $0x0  }
0x6f: {  	[sflag:s30] =	ssyncadd.s32 $0xFFFFC000  }
0x70: {  	v3 =	vld [tilespmem:$0x80];
	_ =	sdelay $0x4  }
0x71: {  	v40 =	vshll.u32 v3, $0x1  }
0x72: {  	v3 =	vand.u32 $0x7, v3;
	v4 =	vand.u32 $0xFFFFFFF0, v40  }
0x73: {  	v3 =	vor.u32 v3, v4  }
0x74: {  	v4 =	vperm.xlane v3, v0;
	_ =	sdelay $0x1  }
0x75: {  	v3 =	vperm.xlane v3, v2;
	v4 =	vadd.s32 v1, v4;
	_ =	sdelay $0x1  }
0x76: {  	v3 =	vadd.s32 v1, v3;
	_ =	sdelay $0x2  }
0x77: {  	[tilespmem:s12], [sflag:$0x1] =	stream.indirect_vreg.gather [hbm4b:s3+s2], $0x80, v4, vm0, $0xb8;
	[tilespmem:$0x8200] =	vst v63  }
0x78: {  	_ = 	snop  }
0x79: {  	[tilespmem:s13], [sflag:$0x1] =	stream.indirect_vreg.gather [hbm4b:s3+s2], $0x80, v3, vm0, $0xb8;
	[tilespmem:$0x8200] =	vst v63  }
0x7a: {  	v3 =	vld [tilespmem:$0x90];
	_ =	sdelay $0x4  }
0x7b: {  	v41 =	vshll.u32 v3, $0x1  }
0x7c: {  	v3 =	vand.u32 $0x7, v3;
	v4 =	vand.u32 $0xFFFFFFF0, v41  }
0x7d: {  	v3 =	vor.u32 v3, v4  }
0x7e: {  	v4 =	vperm.xlane v3, v0;
	_ =	sdelay $0x1  }
0x7f: {  	v3 =	vperm.xlane v3, v2;
	v4 =	vadd.s32 v1, v4;
	_ =	sdelay $0x1  }
0x80: {  	v3 =	vadd.s32 v1, v3;
	_ =	sdelay $0x2  }
0x81: {  	[tilespmem:s14], [sflag:$0x1] =	stream.indirect_vreg.gather [hbm4b:s3+s2], $0x80, v4, vm0, $0xb8;
	[tilespmem:$0x8200] =	vst v63  }
0x82: {  	_ = 	snop  }
0x83: {  	[tilespmem:s15], [sflag:$0x1] =	stream.indirect_vreg.gather [hbm4b:s3+s2], $0x80, v3, vm0, $0xb8;
	[tilespmem:$0x8200] =	vst v63  }
0x84: {  	v3 =	vld [tilespmem:$0xA0];
	_ =	sdelay $0x4  }
0x85: {  	v42 =	vshll.u32 v3, $0x1  }
0x86: {  	v3 =	vand.u32 $0x7, v3;
	v4 =	vand.u32 $0xFFFFFFF0, v42  }
0x87: {  	v3 =	vor.u32 v3, v4  }
0x88: {  	v4 =	vperm.xlane v3, v0;
	_ =	sdelay $0x1  }
0x89: {  	v3 =	vperm.xlane v3, v2;
	v4 =	vadd.s32 v1, v4;
	_ =	sdelay $0x1  }
0x8a: {  	v3 =	vadd.s32 v1, v3;
	_ =	sdelay $0x2  }
0x8b: {  	[tilespmem:s16], [sflag:$0x1] =	stream.indirect_vreg.gather [hbm4b:s3+s2], $0x80, v4, vm0, $0xb8;
	[tilespmem:$0x8200] =	vst v63  }
0x8c: {  	_ = 	snop  }
0x8d: {  	[tilespmem:s17], [sflag:$0x1] =	stream.indirect_vreg.gather [hbm4b:s3+s2], $0x80, v3, vm0, $0xb8;
	[tilespmem:$0x8200] =	vst v63  }
0x8e: {  	v3 =	vld [tilespmem:$0xB0];
	_ =	sdelay $0x4  }
0x8f: {  	v43 =	vshll.u32 v3, $0x1  }
0x90: {  	v3 =	vand.u32 $0x7, v3;
	v4 =	vand.u32 $0xFFFFFFF0, v43  }
0x91: {  	v3 =	vor.u32 v3, v4  }
0x92: {  	v4 =	vperm.xlane v3, v0;
	_ =	sdelay $0x1  }
0x93: {  	v3 =	vperm.xlane v3, v2;
	v4 =	vadd.s32 v1, v4;
	_ =	sdelay $0x1  }
0x94: {  	v3 =	vadd.s32 v1, v3;
	_ =	sdelay $0x2  }
0x95: {  	[tilespmem:s18], [sflag:$0x1] =	stream.indirect_vreg.gather [hbm4b:s3+s2], $0x80, v4, vm0, $0xb8;
	[tilespmem:$0x8200] =	vst v63  }
0x96: {  	_ = 	snop  }
0x97: {  	[tilespmem:s19], [sflag:$0x1] =	stream.indirect_vreg.gather [hbm4b:s3+s2], $0x80, v3, vm0, $0xb8;
	[tilespmem:$0x8200] =	vst v63  }
0x98: {  	_ =	swait.ge [sflag:s31], $0x4000  }
0x99: {  	[sflag:s31] =	ssyncset.done $0x0  }
0x9a: {  	s1 =	rddreg [dreg:$0x5];
	[sflag:s31] =	ssyncadd.s32 $0xFFFFC000  }
0x9b: {  	[hbm4b:s1+s2] =	stream.linear.scatter [tilespmem:s20], [sflag:$0x4], $0x4000, $0x38;
	[tilespmem:$0x8200] =	vst v63  }
0x9c: {  	_ =	swait.ge [sflag:s0], $0x4000  }
0x9d: {  	[sflag:s0] =	ssyncset.done $0x0  }
0x9e: {  	[sflag:s0] =	ssyncadd.s32 $0xFFFFC000  }
0x9f: {  	v3 =	vld [tilespmem:$0xC0];
	_ =	sdelay $0x4  }
0xa0: {  	v44 =	vshll.u32 v3, $0x1  }
0xa1: {  	v3 =	vand.u32 $0x7, v3;
	v4 =	vand.u32 $0xFFFFFFF0, v44  }
0xa2: {  	v3 =	vor.u32 v3, v4  }
0xa3: {  	v4 =	vperm.xlane v3, v0;
	_ =	sdelay $0x1  }
0xa4: {  	v3 =	vperm.xlane v3, v2;
	v4 =	vadd.s32 v1, v4;
	_ =	sdelay $0x1  }
0xa5: {  	v3 =	vadd.s32 v1, v3;
	_ =	sdelay $0x2  }
0xa6: {  	[tilespmem:s20], [sflag:$0x2] =	stream.indirect_vreg.gather [hbm4b:s3+s2], $0x80, v4, vm0, $0xb8;
	[tilespmem:$0x8200] =	vst v63  }
0xa7: {  	_ = 	snop  }
0xa8: {  	[tilespmem:s21], [sflag:$0x2] =	stream.indirect_vreg.gather [hbm4b:s3+s2], $0x80, v3, vm0, $0xb8;
	[tilespmem:$0x8200] =	vst v63  }
0xa9: {  	v3 =	vld [tilespmem:$0xD0];
	_ =	sdelay $0x4  }
0xaa: {  	v45 =	vshll.u32 v3, $0x1  }
0xab: {  	v3 =	vand.u32 $0x7, v3;
	v4 =	vand.u32 $0xFFFFFFF0, v45  }
0xac: {  	v3 =	vor.u32 v3, v4  }
0xad: {  	v4 =	vperm.xlane v3, v0;
	_ =	sdelay $0x1  }
0xae: {  	v3 =	vperm.xlane v3, v2;
	v4 =	vadd.s32 v1, v4;
	_ =	sdelay $0x1  }
0xaf: {  	v3 =	vadd.s32 v1, v3;
	_ =	sdelay $0x2  }
0xb0: {  	[tilespmem:s22], [sflag:$0x2] =	stream.indirect_vreg.gather [hbm4b:s3+s2], $0x80, v4, vm0, $0xb8;
	[tilespmem:$0x8200] =	vst v63  }
0xb1: {  	_ = 	snop  }
0xb2: {  	[tilespmem:s23], [sflag:$0x2] =	stream.indirect_vreg.gather [hbm4b:s3+s2], $0x80, v3, vm0, $0xb8;
	[tilespmem:$0x8200] =	vst v63  }
0xb3: {  	v3 =	vld [tilespmem:$0xE0];
	_ =	sdelay $0x4  }
0xb4: {  	v46 =	vshll.u32 v3, $0x1  }
0xb5: {  	v3 =	vand.u32 $0x7, v3;
	v4 =	vand.u32 $0xFFFFFFF0, v46  }
0xb6: {  	v3 =	vor.u32 v3, v4  }
0xb7: {  	v4 =	vperm.xlane v3, v0;
	_ =	sdelay $0x1  }
0xb8: {  	v3 =	vperm.xlane v3, v2;
	v4 =	vadd.s32 v1, v4;
	_ =	sdelay $0x1  }
0xb9: {  	v3 =	vadd.s32 v1, v3;
	_ =	sdelay $0x2  }
0xba: {  	[tilespmem:s24], [sflag:$0x2] =	stream.indirect_vreg.gather [hbm4b:s3+s2], $0x80, v4, vm0, $0xb8;
	[tilespmem:$0x8200] =	vst v63  }
0xbb: {  	_ = 	snop  }
0xbc: {  	[tilespmem:s25], [sflag:$0x2] =	stream.indirect_vreg.gather [hbm4b:s3+s2], $0x80, v3, vm0, $0xb8;
	[tilespmem:$0x8200] =	vst v63  }
0xbd: {  	v3 =	vld [tilespmem:$0xF0];
	_ =	sdelay $0x4  }
0xbe: {  	v47 =	vshll.u32 v3, $0x1  }
0xbf: {  	v3 =	vand.u32 $0x7, v3;
	v4 =	vand.u32 $0xFFFFFFF0, v47  }
0xc0: {  	v3 =	vor.u32 v3, v4  }
0xc1: {  	v4 =	vperm.xlane v3, v0;
	_ =	sdelay $0x1  }
0xc2: {  	v3 =	vperm.xlane v3, v2;
	v4 =	vadd.s32 v1, v4;
	_ =	sdelay $0x1  }
0xc3: {  	v3 =	vadd.s32 v1, v3;
	_ =	sdelay $0x2  }
0xc4: {  	[tilespmem:s26], [sflag:$0x2] =	stream.indirect_vreg.gather [hbm4b:s3+s2], $0x80, v4, vm0, $0xb8;
	[tilespmem:$0x8200] =	vst v63  }
0xc5: {  	_ = 	snop  }
0xc6: {  	[tilespmem:s28], [sflag:$0x2] =	stream.indirect_vreg.gather [hbm4b:s3+s2], $0x80, v3, vm0, $0xb8;
	[tilespmem:$0x8200] =	vst v63  }
0xc7: {  	_ =	swait.ge [sflag:s29], $0x4000  }
0xc8: {  	[sflag:s29] =	ssyncset.done $0x0  }
0xc9: {  	[sflag:s29] =	ssyncadd.s32 $0xFFFFC000  }
0xca: {  	[hbm4b:s4+s2] =	stream.linear.scatter [tilespmem:s12], [sflag:$0x3], $0x4000, $0x38;
	[tilespmem:$0x8200] =	vst v63  }
0xcb: {  	_ =	swait.ge [sflag:s30], $0x4000  }
0xcc: {  	[sflag:s30] =	ssyncset.done $0x0  }
0xcd: {  	[sflag:s30] =	ssyncadd.s32 $0xFFFFC000  }
0xce: {  	v3 =	vld [tilespmem:$0x100];
	_ =	sdelay $0x4  }
0xcf: {  	v48 =	vshll.u32 v3, $0x1  }
0xd0: {  	v3 =	vand.u32 $0x7, v3;
	v4 =	vand.u32 $0xFFFFFFF0, v48  }
0xd1: {  	v3 =	vor.u32 v3, v4  }
0xd2: {  	v4 =	vperm.xlane v3, v0;
	_ =	sdelay $0x1  }
0xd3: {  	v3 =	vperm.xlane v3, v2;
	v4 =	vadd.s32 v1, v4;
	_ =	sdelay $0x1  }
0xd4: {  	v3 =	vadd.s32 v1, v3;
	_ =	sdelay $0x2  }
0xd5: {  	[tilespmem:s12], [sflag:$0x1] =	stream.indirect_vreg.gather [hbm4b:s3+s2], $0x80, v4, vm0, $0xb8;
	[tilespmem:$0x8200] =	vst v63  }
0xd6: {  	_ = 	snop  }
0xd7: {  	[tilespmem:s13], [sflag:$0x1] =	stream.indirect_vreg.gather [hbm4b:s3+s2], $0x80, v3, vm0, $0xb8;
	[tilespmem:$0x8200] =	vst v63  }
0xd8: {  	v3 =	vld [tilespmem:$0x110];
	_ =	sdelay $0x4  }
0xd9: {  	v49 =	vshll.u32 v3, $0x1  }
0xda: {  	v3 =	vand.u32 $0x7, v3;
	v4 =	vand.u32 $0xFFFFFFF0, v49  }
0xdb: {  	v3 =	vor.u32 v3, v4  }
0xdc: {  	v4 =	vperm.xlane v3, v0;
	_ =	sdelay $0x1  }
0xdd: {  	v3 =	vperm.xlane v3, v2;
	v4 =	vadd.s32 v1, v4;
	_ =	sdelay $0x1  }
0xde: {  	v3 =	vadd.s32 v1, v3;
	_ =	sdelay $0x2  }
0xdf: {  	[tilespmem:s14], [sflag:$0x1] =	stream.indirect_vreg.gather [hbm4b:s3+s2], $0x80, v4, vm0, $0xb8;
	[tilespmem:$0x8200] =	vst v63  }
0xe0: {  	_ = 	snop  }
0xe1: {  	[tilespmem:s15], [sflag:$0x1] =	stream.indirect_vreg.gather [hbm4b:s3+s2], $0x80, v3, vm0, $0xb8;
	[tilespmem:$0x8200] =	vst v63  }
0xe2: {  	v3 =	vld [tilespmem:$0x120];
	_ =	sdelay $0x4  }
0xe3: {  	v50 =	vshll.u32 v3, $0x1  }
0xe4: {  	v3 =	vand.u32 $0x7, v3;
	v4 =	vand.u32 $0xFFFFFFF0, v50  }
0xe5: {  	v3 =	vor.u32 v3, v4  }
0xe6: {  	v4 =	vperm.xlane v3, v0;
	_ =	sdelay $0x1  }
0xe7: {  	v3 =	vperm.xlane v3, v2;
	v4 =	vadd.s32 v1, v4;
	_ =	sdelay $0x1  }
0xe8: {  	v3 =	vadd.s32 v1, v3;
	_ =	sdelay $0x2  }
0xe9: {  	[tilespmem:s16], [sflag:$0x1] =	stream.indirect_vreg.gather [hbm4b:s3+s2], $0x80, v4, vm0, $0xb8;
	[tilespmem:$0x8200] =	vst v63  }
0xea: {  	_ = 	snop  }
0xeb: {  	[tilespmem:s17], [sflag:$0x1] =	stream.indirect_vreg.gather [hbm4b:s3+s2], $0x80, v3, vm0, $0xb8;
	[tilespmem:$0x8200] =	vst v63  }
0xec: {  	v3 =	vld [tilespmem:$0x130];
	_ =	sdelay $0x4  }
0xed: {  	v51 =	vshll.u32 v3, $0x1  }
0xee: {  	v3 =	vand.u32 $0x7, v3;
	v4 =	vand.u32 $0xFFFFFFF0, v51  }
0xef: {  	v3 =	vor.u32 v3, v4  }
0xf0: {  	v4 =	vperm.xlane v3, v0;
	_ =	sdelay $0x1  }
0xf1: {  	v3 =	vperm.xlane v3, v2;
	v4 =	vadd.s32 v1, v4;
	_ =	sdelay $0x1  }
0xf2: {  	v3 =	vadd.s32 v1, v3;
	_ =	sdelay $0x2  }
0xf3: {  	[tilespmem:s18], [sflag:$0x1] =	stream.indirect_vreg.gather [hbm4b:s3+s2], $0x80, v4, vm0, $0xb8;
	[tilespmem:$0x8200] =	vst v63  }
0xf4: {  	_ = 	snop  }
0xf5: {  	[tilespmem:s19], [sflag:$0x1] =	stream.indirect_vreg.gather [hbm4b:s3+s2], $0x80, v3, vm0, $0xb8;
	[tilespmem:$0x8200] =	vst v63  }
0xf6: {  	_ =	swait.ge [sflag:s31], $0x4000  }
0xf7: {  	[sflag:s31] =	ssyncset.done $0x0  }
0xf8: {  	[sflag:s31] =	ssyncadd.s32 $0xFFFFC000  }
0xf9: {  	[hbm4b:s5+s2] =	stream.linear.scatter [tilespmem:s20], [sflag:$0x4], $0x4000, $0x38;
	[tilespmem:$0x8200] =	vst v63  }
0xfa: {  	_ =	swait.ge [sflag:s0], $0x4000  }
0xfb: {  	[sflag:s0] =	ssyncset.done $0x0  }
0xfc: {  	[sflag:s0] =	ssyncadd.s32 $0xFFFFC000  }
0xfd: {  	v3 =	vld [tilespmem:$0x140];
	_ =	sdelay $0x4  }
0xfe: {  	v52 =	vshll.u32 v3, $0x1  }
0xff: {  	v3 =	vand.u32 $0x7, v3;
	v4 =	vand.u32 $0xFFFFFFF0, v52  }
0x100: {  	v3 =	vor.u32 v3, v4  }
0x101: {  	v4 =	vperm.xlane v3, v0;
	_ =	sdelay $0x1  }
0x102: {  	v3 =	vperm.xlane v3, v2;
	v4 =	vadd.s32 v1, v4;
	_ =	sdelay $0x1  }
0x103: {  	v3 =	vadd.s32 v1, v3;
	_ =	sdelay $0x2  }
0x104: {  	[tilespmem:s20], [sflag:$0x2] =	stream.indirect_vreg.gather [hbm4b:s3+s2], $0x80, v4, vm0, $0xb8;
	[tilespmem:$0x8200] =	vst v63  }
0x105: {  	_ = 	snop  }
0x106: {  	[tilespmem:s21], [sflag:$0x2] =	stream.indirect_vreg.gather [hbm4b:s3+s2], $0x80, v3, vm0, $0xb8;
	[tilespmem:$0x8200] =	vst v63  }
0x107: {  	v3 =	vld [tilespmem:$0x150];
	_ =	sdelay $0x4  }
0x108: {  	v53 =	vshll.u32 v3, $0x1  }
0x109: {  	v3 =	vand.u32 $0x7, v3;
	v4 =	vand.u32 $0xFFFFFFF0, v53  }
0x10a: {  	v3 =	vor.u32 v3, v4  }
0x10b: {  	v4 =	vperm.xlane v3, v0;
	_ =	sdelay $0x1  }
0x10c: {  	v3 =	vperm.xlane v3, v2;
	v4 =	vadd.s32 v1, v4;
	_ =	sdelay $0x1  }
0x10d: {  	v3 =	vadd.s32 v1, v3;
	_ =	sdelay $0x2  }
0x10e: {  	[tilespmem:s22], [sflag:$0x2] =	stream.indirect_vreg.gather [hbm4b:s3+s2], $0x80, v4, vm0, $0xb8;
	[tilespmem:$0x8200] =	vst v63  }
0x10f: {  	_ = 	snop  }
0x110: {  	[tilespmem:s23], [sflag:$0x2] =	stream.indirect_vreg.gather [hbm4b:s3+s2], $0x80, v3, vm0, $0xb8;
	[tilespmem:$0x8200] =	vst v63  }
0x111: {  	v3 =	vld [tilespmem:$0x160];
	_ =	sdelay $0x4  }
0x112: {  	v54 =	vshll.u32 v3, $0x1  }
0x113: {  	v3 =	vand.u32 $0x7, v3;
	v4 =	vand.u32 $0xFFFFFFF0, v54  }
0x114: {  	v3 =	vor.u32 v3, v4  }
0x115: {  	v4 =	vperm.xlane v3, v0;
	_ =	sdelay $0x1  }
0x116: {  	v3 =	vperm.xlane v3, v2;
	v4 =	vadd.s32 v1, v4;
	_ =	sdelay $0x1  }
0x117: {  	v3 =	vadd.s32 v1, v3;
	_ =	sdelay $0x2  }
0x118: {  	[tilespmem:s24], [sflag:$0x2] =	stream.indirect_vreg.gather [hbm4b:s3+s2], $0x80, v4, vm0, $0xb8;
	[tilespmem:$0x8200] =	vst v63  }
0x119: {  	_ = 	snop  }
0x11a: {  	[tilespmem:s25], [sflag:$0x2] =	stream.indirect_vreg.gather [hbm4b:s3+s2], $0x80, v3, vm0, $0xb8;
	[tilespmem:$0x8200] =	vst v63  }
0x11b: {  	v3 =	vld [tilespmem:$0x170];
	_ =	sdelay $0x4  }
0x11c: {  	v55 =	vshll.u32 v3, $0x1  }
0x11d: {  	v3 =	vand.u32 $0x7, v3;
	v4 =	vand.u32 $0xFFFFFFF0, v55  }
0x11e: {  	v3 =	vor.u32 v3, v4  }
0x11f: {  	v4 =	vperm.xlane v3, v0;
	_ =	sdelay $0x1  }
0x120: {  	v3 =	vperm.xlane v3, v2;
	v4 =	vadd.s32 v1, v4;
	_ =	sdelay $0x1  }
0x121: {  	v3 =	vadd.s32 v1, v3;
	_ =	sdelay $0x2  }
0x122: {  	[tilespmem:s26], [sflag:$0x2] =	stream.indirect_vreg.gather [hbm4b:s3+s2], $0x80, v4, vm0, $0xb8;
	[tilespmem:$0x8200] =	vst v63  }
0x123: {  	_ = 	snop  }
0x124: {  	[tilespmem:s28], [sflag:$0x2] =	stream.indirect_vreg.gather [hbm4b:s3+s2], $0x80, v3, vm0, $0xb8;
	[tilespmem:$0x8200] =	vst v63  }
0x125: {  	_ =	swait.ge [sflag:s29], $0x4000  }
0x126: {  	[sflag:s29] =	ssyncset.done $0x0  }
0x127: {  	[sflag:s29] =	ssyncadd.s32 $0xFFFFC000  }
0x128: {  	[hbm4b:s6+s2] =	stream.linear.scatter [tilespmem:s12], [sflag:$0x3], $0x4000, $0x38;
	[tilespmem:$0x8200] =	vst v63  }
0x129: {  	_ =	swait.ge [sflag:s30], $0x4000  }
0x12a: {  	[sflag:s30] =	ssyncset.done $0x0  }
0x12b: {  	[sflag:s30] =	ssyncadd.s32 $0xFFFFC000  }
0x12c: {  	v3 =	vld [tilespmem:$0x180];
	_ =	sdelay $0x4  }
0x12d: {  	v56 =	vshll.u32 v3, $0x1  }
0x12e: {  	v3 =	vand.u32 $0x7, v3;
	v4 =	vand.u32 $0xFFFFFFF0, v56  }
0x12f: {  	v3 =	vor.u32 v3, v4  }
0x130: {  	v4 =	vperm.xlane v3, v0;
	_ =	sdelay $0x1  }
0x131: {  	v3 =	vperm.xlane v3, v2;
	v4 =	vadd.s32 v1, v4;
	_ =	sdelay $0x1  }
0x132: {  	v3 =	vadd.s32 v1, v3;
	_ =	sdelay $0x2  }
0x133: {  	[tilespmem:s12], [sflag:$0x1] =	stream.indirect_vreg.gather [hbm4b:s3+s2], $0x80, v4, vm0, $0xb8;
	[tilespmem:$0x8200] =	vst v63  }
0x134: {  	_ = 	snop  }
0x135: {  	[tilespmem:s13], [sflag:$0x1] =	stream.indirect_vreg.gather [hbm4b:s3+s2], $0x80, v3, vm0, $0xb8;
	[tilespmem:$0x8200] =	vst v63  }
0x136: {  	v3 =	vld [tilespmem:$0x190];
	_ =	sdelay $0x4  }
0x137: {  	v57 =	vshll.u32 v3, $0x1  }
0x138: {  	v3 =	vand.u32 $0x7, v3;
	v4 =	vand.u32 $0xFFFFFFF0, v57  }
0x139: {  	v3 =	vor.u32 v3, v4  }
0x13a: {  	v4 =	vperm.xlane v3, v0;
	_ =	sdelay $0x1  }
0x13b: {  	v3 =	vperm.xlane v3, v2;
	v4 =	vadd.s32 v1, v4;
	_ =	sdelay $0x1  }
0x13c: {  	v3 =	vadd.s32 v1, v3;
	_ =	sdelay $0x2  }
0x13d: {  	[tilespmem:s14], [sflag:$0x1] =	stream.indirect_vreg.gather [hbm4b:s3+s2], $0x80, v4, vm0, $0xb8;
	[tilespmem:$0x8200] =	vst v63  }
0x13e: {  	_ = 	snop  }
0x13f: {  	[tilespmem:s15], [sflag:$0x1] =	stream.indirect_vreg.gather [hbm4b:s3+s2], $0x80, v3, vm0, $0xb8;
	[tilespmem:$0x8200] =	vst v63  }
0x140: {  	v3 =	vld [tilespmem:$0x1A0];
	_ =	sdelay $0x4  }
0x141: {  	v58 =	vshll.u32 v3, $0x1  }
0x142: {  	v3 =	vand.u32 $0x7, v3;
	v4 =	vand.u32 $0xFFFFFFF0, v58  }
0x143: {  	v3 =	vor.u32 v3, v4  }
0x144: {  	v4 =	vperm.xlane v3, v0;
	_ =	sdelay $0x1  }
0x145: {  	v3 =	vperm.xlane v3, v2;
	v4 =	vadd.s32 v1, v4;
	_ =	sdelay $0x1  }
0x146: {  	v3 =	vadd.s32 v1, v3;
	_ =	sdelay $0x2  }
0x147: {  	[tilespmem:s16], [sflag:$0x1] =	stream.indirect_vreg.gather [hbm4b:s3+s2], $0x80, v4, vm0, $0xb8;
	[tilespmem:$0x8200] =	vst v63  }
0x148: {  	_ = 	snop  }
0x149: {  	[tilespmem:s17], [sflag:$0x1] =	stream.indirect_vreg.gather [hbm4b:s3+s2], $0x80, v3, vm0, $0xb8;
	[tilespmem:$0x8200] =	vst v63  }
0x14a: {  	v3 =	vld [tilespmem:$0x1B0];
	_ =	sdelay $0x4  }
0x14b: {  	v59 =	vshll.u32 v3, $0x1  }
0x14c: {  	v3 =	vand.u32 $0x7, v3;
	v4 =	vand.u32 $0xFFFFFFF0, v59  }
0x14d: {  	v3 =	vor.u32 v3, v4  }
0x14e: {  	v4 =	vperm.xlane v3, v0;
	_ =	sdelay $0x1  }
0x14f: {  	v3 =	vperm.xlane v3, v2;
	v4 =	vadd.s32 v1, v4;
	_ =	sdelay $0x1  }
0x150: {  	v3 =	vadd.s32 v1, v3;
	_ =	sdelay $0x2  }
0x151: {  	[tilespmem:s18], [sflag:$0x1] =	stream.indirect_vreg.gather [hbm4b:s3+s2], $0x80, v4, vm0, $0xb8;
	[tilespmem:$0x8200] =	vst v63  }
0x152: {  	_ = 	snop  }
0x153: {  	[tilespmem:s19], [sflag:$0x1] =	stream.indirect_vreg.gather [hbm4b:s3+s2], $0x80, v3, vm0, $0xb8;
	[tilespmem:$0x8200] =	vst v63  }
0x154: {  	_ =	swait.ge [sflag:s31], $0x4000  }
0x155: {  	[sflag:s31] =	ssyncset.done $0x0  }
0x156: {  	[sflag:s31] =	ssyncadd.s32 $0xFFFFC000  }
0x157: {  	[hbm4b:s7+s2] =	stream.linear.scatter [tilespmem:s20], [sflag:$0x4], $0x4000, $0x38;
	[tilespmem:$0x8200] =	vst v63  }
0x158: {  	_ =	swait.ge [sflag:s0], $0x4000  }
0x159: {  	[sflag:s0] =	ssyncset.done $0x0  }
0x15a: {  	[sflag:s0] =	ssyncadd.s32 $0xFFFFC000  }
0x15b: {  	v3 =	vld [tilespmem:$0x1C0];
	_ =	sdelay $0x4  }
0x15c: {  	v60 =	vshll.u32 v3, $0x1  }
0x15d: {  	v3 =	vand.u32 $0x7, v3;
	v4 =	vand.u32 $0xFFFFFFF0, v60  }
0x15e: {  	v3 =	vor.u32 v3, v4  }
0x15f: {  	v4 =	vperm.xlane v3, v0;
	_ =	sdelay $0x1  }
0x160: {  	v3 =	vperm.xlane v3, v2;
	v4 =	vadd.s32 v1, v4;
	_ =	sdelay $0x1  }
0x161: {  	v3 =	vadd.s32 v1, v3;
	_ =	sdelay $0x2  }
0x162: {  	[tilespmem:s20], [sflag:$0x2] =	stream.indirect_vreg.gather [hbm4b:s3+s2], $0x80, v4, vm0, $0xb8;
	[tilespmem:$0x8200] =	vst v63  }
0x163: {  	_ = 	snop  }
0x164: {  	[tilespmem:s21], [sflag:$0x2] =	stream.indirect_vreg.gather [hbm4b:s3+s2], $0x80, v3, vm0, $0xb8;
	[tilespmem:$0x8200] =	vst v63  }
0x165: {  	v3 =	vld [tilespmem:$0x1D0];
	_ =	sdelay $0x4  }
0x166: {  	v61 =	vshll.u32 v3, $0x1  }
0x167: {  	v3 =	vand.u32 $0x7, v3;
	v4 =	vand.u32 $0xFFFFFFF0, v61  }
0x168: {  	v3 =	vor.u32 v3, v4  }
0x169: {  	v4 =	vperm.xlane v3, v0;
	_ =	sdelay $0x1  }
0x16a: {  	v3 =	vperm.xlane v3, v2;
	v4 =	vadd.s32 v1, v4;
	_ =	sdelay $0x1  }
0x16b: {  	v3 =	vadd.s32 v1, v3;
	_ =	sdelay $0x2  }
0x16c: {  	[tilespmem:s22], [sflag:$0x2] =	stream.indirect_vreg.gather [hbm4b:s3+s2], $0x80, v4, vm0, $0xb8;
	[tilespmem:$0x8200] =	vst v63  }
0x16d: {  	_ = 	snop  }
0x16e: {  	[tilespmem:s23], [sflag:$0x2] =	stream.indirect_vreg.gather [hbm4b:s3+s2], $0x80, v3, vm0, $0xb8;
	[tilespmem:$0x8200] =	vst v63  }
0x16f: {  	v3 =	vld [tilespmem:$0x1E0];
	_ =	sdelay $0x4  }
0x170: {  	v62 =	vshll.u32 v3, $0x1  }
0x171: {  	v3 =	vand.u32 $0x7, v3;
	v4 =	vand.u32 $0xFFFFFFF0, v62  }
0x172: {  	v3 =	vor.u32 v3, v4  }
0x173: {  	v4 =	vperm.xlane v3, v0;
	_ =	sdelay $0x1  }
0x174: {  	v3 =	vperm.xlane v3, v2;
	v4 =	vadd.s32 v1, v4;
	_ =	sdelay $0x1  }
0x175: {  	v3 =	vadd.s32 v1, v3;
	_ =	sdelay $0x2  }
0x176: {  	[tilespmem:s24], [sflag:$0x2] =	stream.indirect_vreg.gather [hbm4b:s3+s2], $0x80, v4, vm0, $0xb8;
	[tilespmem:$0x8200] =	vst v63  }
0x177: {  	_ = 	snop  }
0x178: {  	[tilespmem:s25], [sflag:$0x2] =	stream.indirect_vreg.gather [hbm4b:s3+s2], $0x80, v3, vm0, $0xb8;
	[tilespmem:$0x8200] =	vst v63  }
0x179: {  	v3 =	vld [tilespmem:$0x1F0];
	_ =	sdelay $0x4  }
0x17a: {  	v63 =	vshll.u32 v3, $0x1  }
0x17b: {  	v3 =	vand.u32 $0x7, v3;
	v4 =	vand.u32 $0xFFFFFFF0, v63  }
0x17c: {  	v3 =	vor.u32 v3, v4  }
0x17d: {  	v4 =	vperm.xlane v3, v0;
	_ =	sdelay $0x1  }
0x17e: {  	v3 =	vperm.xlane v3, v2;
	v4 =	vadd.s32 v1, v4;
	_ =	sdelay $0x1  }
0x17f: {  	v3 =	vadd.s32 v1, v3;
	_ =	sdelay $0x2  }
0x180: {  	[tilespmem:s26], [sflag:$0x2] =	stream.indirect_vreg.gather [hbm4b:s3+s2], $0x80, v4, vm0, $0xb8;
	[tilespmem:$0x8200] =	vst v63  }
0x181: {  	_ = 	snop  }
0x182: {  	[tilespmem:s28], [sflag:$0x2] =	stream.indirect_vreg.gather [hbm4b:s3+s2], $0x80, v3, vm0, $0xb8;
	[tilespmem:$0x8200] =	vst v63  }
0x183: {  	_ =	swait.ge [sflag:s29], $0x4000  }
0x184: {  	[sflag:s29] =	ssyncset.done $0x0  }
0x185: {  	[sflag:s29] =	ssyncadd.s32 $0xFFFFC000  }
0x186: {  	[hbm4b:s8+s2] =	stream.linear.scatter [tilespmem:s12], [sflag:$0x3], $0x4000, $0x38;
	[tilespmem:$0x8200] =	vst v63  }
0x187: {  	_ =	swait.ge [sflag:s31], $0x4000  }
0x188: {  	[sflag:s31] =	ssyncset.done $0x0  }
0x189: {  	[sflag:s31] =	ssyncadd.s32 $0xFFFFC000  }
0x18a: {  	[hbm4b:s9+s2] =	stream.linear.scatter [tilespmem:s20], [sflag:$0x4], $0x4000, $0x38;
	[tilespmem:$0x8200] =	vst v63  }
0x18b: {  	p0 =	sne.s32 s10, $0x1;
	_ =	swait.ge [sflag:s30], $0x4000  }
.Ltmp0:
0x18c: {  	[sflag:s30] =	ssyncset.done $0x0;
	(pc) =	sbr.rel @p0 .LBB2_1-.Ltmp0, $4  }
0x18d: {  	[sflag:s30] =	ssyncadd.s32 $0xFFFFC000  }
0x18e: {  	_ =	swait.ge [sflag:s0], $0x4000  }
0x18f: {  	[sflag:s0] =	ssyncset.done $0x0  }
0x190: {  	s10 =	sadd.s32 $0xFFFFFFFF, s10;
	[sflag:s0] =	ssyncadd.s32 $0xFFFFC000  }
0x191: {  	_ =	sfence.sel $0x180000  }
0x192: {  	[bflag:$0x0] =	sbarrier.arrive $0xFFFF  }
0x193: {  	_ =	strace $0x9000004A  }
0x194: {  	s0 =	stileid.u32;
	[bflag:$0x2] =	sbarrier.arrive $0xFFFF  }
0x195: {  	p0 =	sne.s32 s0, $0x0;
	s0 =	rddreg [dreg:$0x2]  }
0x196: {  	s0 =	sadd.s32 @!p0 $0x100000, s0  }
0x197: {  	[sflag:s0] =	ssyncadd.tile.s32 @!p0 $0x1;
	_ =	shalt  }
.Lfunc_end2:
_tile_overlayer_lowered:
.L_overlay_start_2:
0x198: {  	(tag) =	ssettag $0x2  }
0x199: {  	s0 =	rddreg [dreg:$0x0];
	s2 =	stileid.u32  }
0x19a: {  	s1 =	rddreg [dreg:$0x1];
	p0 =	sne.s32 s2, $0x0  }
0x19b: {  	s3 =	rddreg [dreg:$0x2];
	[bflag:$0x3] =	sbarrier.arrive $0xFFFF;
	s2 =	simm.s32 @!p0 $0x1C05  }
0x19c: {  	[timem:s3], [sflag:s2] =	dma.local @!p0 [hbm:s0], s1  }
0x19d: {  	s0 =	simm.s32 @!p0 $0x5  }
0x19e: {  	_ =	swait.ge @!p0 [sflag:s0], s1  }
0x19f: {  	s1 =	ssub.s32 @!p0 $0x0, s1;
	[sflag:s0] =	ssyncset.done @!p0 $0x0  }
0x1a0: {  	[sflag:s0] =	ssyncadd.s32 @!p0 s1  }
0x1a1: {  	[bflag:$0x3] =	sbarrier.arrive $0xFFFF  }
0x1a2: {  	_ =	shalt  }

// kernel: kernel.6.cloned.1.call-start
scs
__scs_entry_jumppad:
0x0: {  	(pc) =	sbr.rel $0x88, $3  }
0x1: {  	(tag) =	ssettag $0x0;
	lr =	simm.s32 $0x1  }
0x2: {  	[smem:$0x3F93] =	sst lr;
	_ =	strace $0xD0000000  }
0x3: {  	_ = 	snop  }
0x4: {  	_ = 	snop  }
0x5: {  	_ = 	snop  }
0x6: {  	_ = 	snop  }
0x7: {  	_ = 	snop  }
__scs_overlays_trampoline_lowered:
0x8: {  	[smem:$0x3FA2] =	sst s0  }
0x9: {  	[smem:$0x3FA3] =	sst s1  }
0xa: {  	[smem:$0x3FA4] =	sst s2  }
0xb: {  	[smem:$0x3FA5] =	sst s3  }
0xc: {  	[smem:$0x3FA6] =	sst s4  }
0xd: {  	[smem:$0x3FA7] =	sst s5  }
0xe: {  	[smem:$0x3FA8] =	sst s6  }
0xf: {  	[smem:$0x3FA9] =	sst s7  }
0x10: {  	[smem:$0x3FAA] =	sst s8  }
0x11: {  	[smem:$0x3FAB] =	sst s9;
	s0 =	simm.s32 @!p0 $0x0  }
0x12: {  	s1 =	sld [smem:$0x3F91];
	s0 =	simm.s32 @p0 $0x1  }
0x13: {  	[smem:$0x3FAC] =	sst s0;
	s0 =	simm.s32 @!p1 $0x0  }
0x14: {  	s2 =	sld [smem:$0x3F90];
	s0 =	simm.s32 @p1 $0x1  }
0x15: {  	[smem:$0x3FAD] =	sst s0;
	s0 =	simm.s32 @!p2 $0x0  }
0x16: {  	s3 =	sld [smem:$0x3FDB];
	s0 =	simm.s32 @p2 $0x1  }
0x17: {  	s4 =	simm.s32 $0x1BF5;
	[smem:$0x3FAF] =	sst s0  }
0x18: {  	s0 =	sld [smem:$0x3F92];
	_ =	swait.ge [sflag:s4], $0x0  }
0x19: {  	s7 =	sld [smem:$0x3F93]  }
0x1a: {  	s8 =	sadd.s32 $0xFFFFE003, lr  }
0x1b: {  	s9 =	sadd.s32 $0xFFFFFEF7, lr;
	s5 =	simm.s32 $0xFFFFFFFF;
	p2 =	slt.u32 s8, $0xFFFFF086  }
0x1c: {  	p1 =	slt.u32 s9, $0xF7A;
	s5 =	simm.s32 @!p2 $0x0  }
0x1d: {  	s5 =	simm.s32 @p1 $0x1;
	p0 =	seq.s32 s7, s2  }
0x1e: {  	s7 =	smul.u32 @!p0 $0xF7A, s2;
	p2 =	seq.s32 @!p0 s5, $0x0  }
0x1f: {  	s9 =	smul.u32 $0xF7A, s1;
	s8 =	simm.s32 @!p0 $0x1BF5;
	p2 =	por !p2, p0  }
0x20: {  	[sflag:s8] =	ssyncset.s32 @!p0 $0xFFFFF086;
	s6 =	sadd.s32 @!p0 s3, s7;
	s7 =	simm.s32 @!p0 $0x108  }
0x21: {  	s3 =	sadd.s32 s3, s9;
	s6 =	sadd.s32 @!p0 $0x88, s6;
	s7 =	simm.s32 @p2 $0x1082  }
0x22: {  	[simem:s7], [sflag:s8] =	dma.local @!p0 [hbm:s6], $0xF7A  }
0x23: {  	s9 =	sor.u32 $0xD0000000, s2;
	s6 =	simm.s32 $0x108;
	_ =	swait.ge @!p0 [sflag:s8], $0x0  }
0x24: {  	s3 =	sadd.s32 $0x88, s3;
	s6 =	simm.s32 @!p1 $0x1082;
	[sflag:s4] =	ssyncset.s32 $0xFFFFF086  }
0x25: {  	[simem:s6], [sflag:s4] =	dma.local [hbm:s3], $0xF7A  }
0x26: {  	[smem:$0x3F93] =	sst s1;
	(tag) =	ssettag s2;
	_ =	strace s9  }
0x27: {  	s1 =	sld [smem:$0x3FA3]  }
0x28: {  	s2 =	sld [smem:$0x3FA4]  }
0x29: {  	s4 =	sld [smem:$0x3FA6]  }
0x2a: {  	p0 =	seq.s32 s5, $0x0;
	s5 =	sld [smem:$0x3FA7]  }
0x2b: {  	s6 =	sld [smem:$0x3FA8]  }
0x2c: {  	s7 =	sld [smem:$0x3FA9]  }
0x2d: {  	s3 =	simm.s32 $0x108;
	s8 =	sld [smem:$0x3FAA]  }
0x2e: {  	s3 =	simm.s32 @!p0 $0x1082;
	s9 =	sld [smem:$0x3FAB]  }
0x2f: {  	lr =	sadd.s32 s0, s3;
	s0 =	sld [smem:$0x3FA2]  }
0x30: {  	s3 =	sld [smem:$0x3FA5]  }
0x31: {  	[smem:$0x3FAE] =	sst s10  }
0x32: {  	s10 =	sld [smem:$0x3FAC];
	_ =	sdelay $0x3  }
0x33: {  	p0 =	seq.s32 s10, $0x1;
	s10 =	sld [smem:$0x3FAE];
	_ =	sdelay $0x3  }
0x34: {  	[smem:$0x3FAE] =	sst s10  }
0x35: {  	s10 =	sld [smem:$0x3FAD];
	_ =	sdelay $0x3  }
0x36: {  	p1 =	seq.s32 s10, $0x1;
	s10 =	sld [smem:$0x3FAE];
	_ =	sdelay $0x3  }
0x37: {  	[smem:$0x3FAE] =	sst s10  }
0x38: {  	s10 =	sld [smem:$0x3FAF]  }
0x39: {  	_ = 	snop;
	(pc) =	sbr.ind lr, $3  }
0x3a: {  	_ = 	snop  }
0x3b: {  	_ = 	snop  }
0x3c: {  	p2 =	seq.s32 s10, $0x1;
	s10 =	sld [smem:$0x3FAE]  }
0x3d: {  	_ =	shalt  }
0x3e: {  	_ =	shalt  }
0x3f: {  	_ =	shalt  }
0x40: {  	_ =	shalt  }
0x41: {  	_ =	shalt  }
0x42: {  	_ =	shalt  }
0x43: {  	_ =	shalt  }
0x44: {  	_ =	shalt  }
0x45: {  	_ =	shalt  }
0x46: {  	_ =	shalt  }
0x47: {  	_ =	shalt  }
0x48: {  	_ =	shalt  }
0x49: {  	_ =	shalt  }
0x4a: {  	_ =	shalt  }
0x4b: {  	_ =	shalt  }
0x4c: {  	_ =	shalt  }
0x4d: {  	_ =	shalt  }
0x4e: {  	_ =	shalt  }
0x4f: {  	_ =	shalt  }
0x50: {  	_ =	shalt  }
0x51: {  	_ =	shalt  }
0x52: {  	_ =	shalt  }
0x53: {  	_ =	shalt  }
0x54: {  	_ =	shalt  }
0x55: {  	_ =	shalt  }
0x56: {  	_ =	shalt  }
0x57: {  	_ =	shalt  }
0x58: {  	_ =	shalt  }
0x59: {  	_ =	shalt  }
0x5a: {  	_ =	shalt  }
0x5b: {  	_ =	shalt  }
0x5c: {  	_ =	shalt  }
0x5d: {  	_ =	shalt  }
0x5e: {  	_ =	shalt  }
0x5f: {  	_ =	shalt  }
0x60: {  	_ =	shalt  }
0x61: {  	_ =	shalt  }
0x62: {  	_ =	shalt  }
0x63: {  	_ =	shalt  }
0x64: {  	_ =	shalt  }
0x65: {  	_ =	shalt  }
0x66: {  	_ =	shalt  }
0x67: {  	_ =	shalt  }
0x68: {  	_ =	shalt  }
0x69: {  	_ =	shalt  }
0x6a: {  	_ =	shalt  }
0x6b: {  	_ =	shalt  }
0x6c: {  	_ =	shalt  }
0x6d: {  	_ =	shalt  }
0x6e: {  	_ =	shalt  }
0x6f: {  	_ =	shalt  }
0x70: {  	_ =	shalt  }
0x71: {  	_ =	shalt  }
0x72: {  	_ =	shalt  }
0x73: {  	_ =	shalt  }
0x74: {  	_ =	shalt  }
0x75: {  	_ =	shalt  }
0x76: {  	_ =	shalt  }
0x77: {  	_ =	shalt  }
0x78: {  	_ =	shalt  }
0x79: {  	_ =	shalt  }
0x7a: {  	_ =	shalt  }
0x7b: {  	_ =	shalt  }
0x7c: {  	_ =	shalt  }
0x7d: {  	_ =	shalt  }
0x7e: {  	_ =	shalt  }
0x7f: {  	_ =	shalt  }
0x80: {  	_ =	shalt  }
0x81: {  	_ =	shalt  }
0x82: {  	_ =	shalt  }
0x83: {  	_ =	shalt  }
0x84: {  	_ =	shalt  }
0x85: {  	_ =	shalt  }
0x86: {  	_ =	shalt  }
0x87: {  	_ =	shalt  }
.Lfunc_end0:
.L_simem_size_0:
called_computation_lowered:
.L_overlay_start_0:
0x88: {  	s2 =	sld [smem:$0x3FD9]  }
0x89: {  	s3 =	sld [smem:$0x3FFE];
	_ =	sdelay $0x1  }
0x8a: {  	s1 =	srdreg.scid  }
0x8b: {  	s0 =	sand.u32 $0x1, s1  }
0x8c: {  	s17 =	sshll.u32 s0, $0xA;
	s2 =	sadd.s32 s3, s2  }
0x8d: {  	s2 =	sadd.s32 s2, s17  }
0x8e: {  	[smem:$0x3FBA] =	sst s2  }
0x8f: {  	_ = 	snop  }
0x90: {  	s18 =	sld [smem:$0x3FC8];
	(tm) =	ssettm $0x1  }
0x91: {  	s19 =	sld [smem:$0x3FFB];
	_ =	sdelay $0x3  }
0x92: {  	_ =	strace s19  }
0x93: {  	s2 =	sld [smem:$0x3FFC];
	_ =	sdelay $0x3  }
0x94: {  	_ =	strace s2  }
0x95: {  	s2 =	sld [smem:$0x3FFD];
	_ =	sdelay $0x3  }
0x96: {  	_ =	strace s2  }
0x97: {  	_ =	strace $0x8FFFFFFF  }
0x98: {  	s20 =	sld [smem:$0x3FDB];
	_ =	sdelay $0x1  }
0x99: {  	s4 =	simm.s32 $_scs_section_size  }
0x9a: {  	s5 =	simm.s32 $_size__tile_overlayer_lowered;
	s6 =	simm.s32 $_tile_overlayer_lowered  }
0x9b: {  	s7 =	simm.s32 $0x1BFF;
	s21 =	sshll.u32 s6, $0x1;
	s4 =	sadd.s32 s4, s20  }
0x9c: {  	s22 =	simm.s32 $0x0;
	s5 =	sshll.u32 s5, $0x1;
	s6 =	sadd.s32 s21, s4  }
0x9d: {  	[timem:s22], [sflag:s7] =	dma.local [hbm:s6], s5  }
0x9e: {  	_ =	swait.ge [sflag:s7], s5  }
0x9f: {  	s5 =	ssub.s32 $0x0, s5;
	[sflag:s7] =	ssyncset.done $0x0  }
0xa0: {  	[sflag:s7] =	ssyncadd.s32 s5;
	_ =	sdelay $0x1  }
0xa1: {  	s23 =	simm.s32 $0x1B8B  }
0xa2: {  	_ =	swait.ge [sflag:s23], $0x1  }
0xa3: {  	[sflag:s23] =	ssyncset.done $0x0  }
0xa4: {  	[sflag:s23] =	ssyncadd.s32 $0xFFFFFFFF  }
0xa5: {  	s5 =	sld [smem:$0x0]  }
0xa6: {  	s6 =	sand.u32 $0xFFFFFFFE, s1  }
0xa7: {  	p0 =	sne.s32 s1, s6  }
0xa8: {  	s6 =	sshll.u32 @p0 s6, $0xE  }
0xa9: {  	s6 =	sadd.s32 @p0 $0x11B8D, s6;
	s7 =	sshll.u32 @p0 s5, $0x11  }
0xaa: {  	s6 =	sor.u32 @p0 s7, s6  }
0xab: {  	[sflag:s6] =	ssyncadd.remote.s32 @p0 $0x1;
	_ =	sdelay $0x1  }
0xac: {  	s6 =	simm.s32 @p0 $0x1B8D  }
0xad: {  	_ =	swait.eq @p0 [sflag:s6], $0x1  }
0xae: {  	[sflag:s6] =	ssyncadd.s32 @p0 $0xFFFFFFFF  }
0xaf: {  	s7 =	sshll.u32 @!p0 s1, $0xE  }
0xb0: {  	s7 =	sor.u32 @!p0 $0x4000, s7;
	s6 =	simm.s32 @!p0 $0x1B8D  }
0xb1: {  	s5 =	sshll.u32 @!p0 s5, $0x11;
	s7 =	sadd.s32 @!p0 $0x11B8D, s7;
	_ =	swait.eq @!p0 [sflag:s6], $0x1  }
0xb2: {  	s5 =	sor.u32 @!p0 s5, s7;
	[sflag:s6] =	ssyncadd.s32 @!p0 $0xFFFFFFFF  }
0xb3: {  	s25 =	simm.s32 $0x1B8E;
	s24 =	sld [smem:$0x3FFE];
	[sflag:s5] =	ssyncadd.remote.s32 @!p0 $0x1  }
0xb4: {  	s26 =	simm.s32 $execute0_lowered;
	[smem:$0x3FD2] =	sst s25  }
0xb5: {  	s6 =	sshll.u32 s26, $0x1;
	_ =	strace $0x8000004C;
	[dreg:$0x1] =	wrdreg $0xFFFFFFFF  }
0xb6: {  	s28 =	simm.s32 $_size_execute0_lowered;
	s4 =	sadd.s32 s4, s6;
	[dreg:$0x0] =	wrdreg $0x0  }
0xb7: {  	s6 =	sshll.u32 s28, $0x1;
	[dreg:$0x2] =	wrdreg s4  }
0xb8: {  	[dreg:$0x3] =	wrdreg s6  }
0xb9: {  	[dreg:$0x4] =	wrdreg $0xC0  }
0xba: {  	_ =	task [dreg:s22], $0x5FFFF  }
0xbb: {  	[dreg:$0x1] =	wrdreg $0xFFFFFFFF  }
0xbc: {  	[dreg:$0x0] =	wrdreg $0x60  }
0xbd: {  	[dreg:$0x2] =	wrdreg s18  }
0xbe: {  	[dreg:$0x3] =	wrdreg s24  }
0xbf: {  	[dreg:$0x4] =	wrdreg $0x9  }
0xc0: {  	_ =	task.clear_ibuf [dreg:s22], $0x5FFFF;
	_ =	strace $0x9000004C  }
0xc1: {  	s29 =	simm.s32 $0x9;
	_ =	strace $0x8000004E  }
0xc2: {  	_ =	swait.ge [sflag:s29], $0x1  }
0xc3: {  	[sflag:s29] =	ssyncadd.s32 $0xFFFFFFFF  }
0xc4: {  	_ =	strace $0x9000004E  }
0xc5: {  	_ =	sfence  }
0xc6: {  	s30 =	sld [smem:$0x0];
	_ =	sdelay $0x2  }
0xc7: {  	s31 =	sshll.u32 s1, $0xD;
	s1 =	sshrl.u32 s1, $0x2  }
0xc8: {  	s4 =	sand.u32 $0x4000, s31;
	s1 =	sadd.s32 s1, s30  }
0xc9: {  	s0 =	sor.u32 s4, s0;
	s1 =	sshll.u32 s1, $0x11  }
0xca: {  	s0 =	sor.u32 s1, s0  }
0xcb: {  	s0 =	sadd.s32 $0x8F2B, s0  }
0xcc: {  	[sflag:s0] =	ssyncadd.remote.s32 $0x1  }
0xcd: {  	_ =	sfence.sel $0xFFFF  }
0xce: {  	[dreg:$0x0] =	wrdreg $0xFFFFFFFF;
	(pc) =	sbr.abs _section_cstart, $3  }
0xcf: {  	[dreg:$0x1] =	wrdreg $0xFFFFFFFF  }
0xd0: {  	_ =	task.clear_ibuf [dreg:s22], $0x2FFFF;
	_ =	strace $0x9FFFFFFF  }
0xd1: {  	(tm) =	ssettm $0x7FFFFFFF  }
tec
execute0_lowered:
.L_overlay_start_1:
0x0: {  	(tag) =	ssettag $0x1  }
0x1: {  	s0 =	rddreg [dreg:$0x0]  }
0x2: {  	s4 =	rddreg [dreg:$0x1]  }
0x3: {  	s2 =	srdreg.scid;
	s1 =	stileid.u32  }
0x4: {  	s11 =	simm.s32 $0x5;
	s12 =	simm.s32 $0x200;
	s13 =	simm.s32 $0xA00  }
0x5: {  	s14 =	simm.s32 $0x1200;
	s15 =	simm.s32 $0x1A00;
	s16 =	simm.s32 $0x2200  }
0x6: {  	s17 =	simm.s32 $0x2A00;
	s18 =	simm.s32 $0x3200;
	s19 =	simm.s32 $0x3A00  }
0x7: {  	s20 =	simm.s32 $0x4200;
	s21 =	simm.s32 $0x4A00;
	s22 =	simm.s32 $0x5200  }
0x8: {  	s23 =	simm.s32 $0x5A00;
	s28 =	simm.s32 $0x7A00;
	s29 =	simm.s32 $0x1  }
0x9: {  	s30 =	simm.s32 $0x3;
	s31 =	simm.s32 $0x2;
	s5 =	sand.u32 $0x1, s2  }
0xa: {  	s2 =	simm.s32 $0x0;
	s3 =	sshll.u32 s1, $0xA;
	s6 =	sshll.u32 s5, $0x9  }
0xb: {  	[smem:$0x7FF] =	sst s2;
	s24 =	ssub.s32 $0x2, s5;
	s3 =	sor.u32 s6, s3  }
0xc: {  	_ =	strace $0x8000004D;
	s5 =	sshrl.u32 s24, $0x1;
	s6 =	sshll.u32 s3, $0x5  }
0xd: {  	s7 =	sshrl.u32 s3, $0x3;
	s3 =	sadd.s32 $0x559800, s4;
	s10 =	ssub.s32 s24, s5  }
0xe: {  	s24 =	simm.s32 $0x6200;
	s9 =	sadd.s32 s6, s4;
	s0 =	sadd.s32 s0, s7  }
0xf: {  	s10 =	smax.u32 s10, $0x1;
	[dreg:$0x3] =	wrdreg s0;
	s25 =	sadd.s32 $0xA2200, s9  }
0x10: {  	s26 =	sadd.s32 $0xA2A00, s9;
	s4 =	sadd.s32 $0xA3200, s9;
	s5 =	sadd.s32 $0xA3A00, s9  }
0x11: {  	v2 =	vlaneseq.u32;
	s6 =	sadd.s32 $0xA4200, s9;
	s7 =	sadd.s32 $0xA4A00, s9;
	s8 =	sadd.s32 $0xA5200, s9  }
0x12: {  	vm0 =	vmmov $0xffff;
	v1 =	vshrl.u32 v2, $0x3;
	s9 =	sadd.s32 $0xA5A00, s9;
	s0 =	simm.s32 $0x4;
	[dreg:$0x4] =	wrdreg s25  }
0x13: {  	v0 =	vand.u32 $0x7, v2;
	v2 =	vor.u32 $0x8, v2;
	v1 =	vmul.u32 $0x8, v1;
	[dreg:$0x5] =	wrdreg s26;
	s25 =	simm.s32 $0x6A00;
	s26 =	simm.s32 $0x7200  }
.LBB2_1:
0x14: {  	s1 =	rddreg [dreg:$0x3]  }
0x15: {  	[tilespmem:s2], [sflag:$0x5] =	stream.linear.gather [hbm4b:s1+s2], $0x200, $0x38;
	[tilespmem:$0x8200] =	vst v63  }
0x16: {  	_ =	swait.ge [sflag:s11], $0x200  }
0x17: {  	[sflag:s11] =	ssyncset.done $0x0  }
0x18: {  	[sflag:s11] =	ssyncadd.s32 $0xFFFFFE00  }
0x19: {  	v3 =	vld [tilespmem:$0x0];
	_ =	sdelay $0x4  }
0x1a: {  	v4 =	vshll.u32 v3, $0x1  }
0x1b: {  	v3 =	vand.u32 $0x7, v3;
	v4 =	vand.u32 $0xFFFFFFF0, v4  }
0x1c: {  	v3 =	vor.u32 v3, v4  }
0x1d: {  	v4 =	vperm.xlane v3, v0;
	_ =	sdelay $0x1  }
0x1e: {  	v3 =	vperm.xlane v3, v2;
	v4 =	vadd.s32 v1, v4;
	_ =	sdelay $0x1  }
0x1f: {  	v3 =	vadd.s32 v1, v3;
	_ =	sdelay $0x2  }
0x20: {  	[tilespmem:s12], [sflag:$0x1] =	stream.indirect_vreg.gather [hbm4b:s3+s2], $0x80, v4, vm0, $0xb8;
	[tilespmem:$0x8200] =	vst v63  }
0x21: {  	_ = 	snop  }
0x22: {  	[tilespmem:s13], [sflag:$0x1] =	stream.indirect_vreg.gather [hbm4b:s3+s2], $0x80, v3, vm0, $0xb8;
	[tilespmem:$0x8200] =	vst v63  }
0x23: {  	v3 =	vld [tilespmem:$0x10];
	_ =	sdelay $0x4  }
0x24: {  	v33 =	vshll.u32 v3, $0x1  }
0x25: {  	v3 =	vand.u32 $0x7, v3;
	v4 =	vand.u32 $0xFFFFFFF0, v33  }
0x26: {  	v3 =	vor.u32 v3, v4  }
0x27: {  	v4 =	vperm.xlane v3, v0;
	_ =	sdelay $0x1  }
0x28: {  	v3 =	vperm.xlane v3, v2;
	v4 =	vadd.s32 v1, v4;
	_ =	sdelay $0x1  }
0x29: {  	v3 =	vadd.s32 v1, v3;
	_ =	sdelay $0x2  }
0x2a: {  	[tilespmem:s14], [sflag:$0x1] =	stream.indirect_vreg.gather [hbm4b:s3+s2], $0x80, v4, vm0, $0xb8;
	[tilespmem:$0x8200] =	vst v63  }
0x2b: {  	_ = 	snop  }
0x2c: {  	[tilespmem:s15], [sflag:$0x1] =	stream.indirect_vreg.gather [hbm4b:s3+s2], $0x80, v3, vm0, $0xb8;
	[tilespmem:$0x8200] =	vst v63  }
0x2d: {  	v3 =	vld [tilespmem:$0x20];
	_ =	sdelay $0x4  }
0x2e: {  	v34 =	vshll.u32 v3, $0x1  }
0x2f: {  	v3 =	vand.u32 $0x7, v3;
	v4 =	vand.u32 $0xFFFFFFF0, v34  }
0x30: {  	v3 =	vor.u32 v3, v4  }
0x31: {  	v4 =	vperm.xlane v3, v0;
	_ =	sdelay $0x1  }
0x32: {  	v3 =	vperm.xlane v3, v2;
	v4 =	vadd.s32 v1, v4;
	_ =	sdelay $0x1  }
0x33: {  	v3 =	vadd.s32 v1, v3;
	_ =	sdelay $0x2  }
0x34: {  	[tilespmem:s16], [sflag:$0x1] =	stream.indirect_vreg.gather [hbm4b:s3+s2], $0x80, v4, vm0, $0xb8;
	[tilespmem:$0x8200] =	vst v63  }
0x35: {  	_ = 	snop  }
0x36: {  	[tilespmem:s17], [sflag:$0x1] =	stream.indirect_vreg.gather [hbm4b:s3+s2], $0x80, v3, vm0, $0xb8;
	[tilespmem:$0x8200] =	vst v63  }
0x37: {  	v3 =	vld [tilespmem:$0x30];
	_ =	sdelay $0x4  }
0x38: {  	v35 =	vshll.u32 v3, $0x1  }
0x39: {  	v3 =	vand.u32 $0x7, v3;
	v4 =	vand.u32 $0xFFFFFFF0, v35  }
0x3a: {  	v3 =	vor.u32 v3, v4  }
0x3b: {  	v4 =	vperm.xlane v3, v0;
	_ =	sdelay $0x1  }
0x3c: {  	v3 =	vperm.xlane v3, v2;
	v4 =	vadd.s32 v1, v4;
	_ =	sdelay $0x1  }
0x3d: {  	v3 =	vadd.s32 v1, v3;
	_ =	sdelay $0x2  }
0x3e: {  	[tilespmem:s18], [sflag:$0x1] =	stream.indirect_vreg.gather [hbm4b:s3+s2], $0x80, v4, vm0, $0xb8;
	[tilespmem:$0x8200] =	vst v63  }
0x3f: {  	_ = 	snop  }
0x40: {  	[tilespmem:s19], [sflag:$0x1] =	stream.indirect_vreg.gather [hbm4b:s3+s2], $0x80, v3, vm0, $0xb8;
	[tilespmem:$0x8200] =	vst v63  }
0x41: {  	v3 =	vld [tilespmem:$0x40];
	_ =	sdelay $0x4  }
0x42: {  	v36 =	vshll.u32 v3, $0x1  }
0x43: {  	v3 =	vand.u32 $0x7, v3;
	v4 =	vand.u32 $0xFFFFFFF0, v36  }
0x44: {  	v3 =	vor.u32 v3, v4  }
0x45: {  	v4 =	vperm.xlane v3, v0;
	_ =	sdelay $0x1  }
0x46: {  	v3 =	vperm.xlane v3, v2;
	v4 =	vadd.s32 v1, v4;
	_ =	sdelay $0x1  }
0x47: {  	v3 =	vadd.s32 v1, v3;
	_ =	sdelay $0x2  }
0x48: {  	[tilespmem:s20], [sflag:$0x2] =	stream.indirect_vreg.gather [hbm4b:s3+s2], $0x80, v4, vm0, $0xb8;
	[tilespmem:$0x8200] =	vst v63  }
0x49: {  	_ = 	snop  }
0x4a: {  	[tilespmem:s21], [sflag:$0x2] =	stream.indirect_vreg.gather [hbm4b:s3+s2], $0x80, v3, vm0, $0xb8;
	[tilespmem:$0x8200] =	vst v63  }
0x4b: {  	v3 =	vld [tilespmem:$0x50];
	_ =	sdelay $0x4  }
0x4c: {  	v37 =	vshll.u32 v3, $0x1  }
0x4d: {  	v3 =	vand.u32 $0x7, v3;
	v4 =	vand.u32 $0xFFFFFFF0, v37  }
0x4e: {  	v3 =	vor.u32 v3, v4  }
0x4f: {  	v4 =	vperm.xlane v3, v0;
	_ =	sdelay $0x1  }
0x50: {  	v3 =	vperm.xlane v3, v2;
	v4 =	vadd.s32 v1, v4;
	_ =	sdelay $0x1  }
0x51: {  	v3 =	vadd.s32 v1, v3;
	_ =	sdelay $0x2  }
0x52: {  	[tilespmem:s22], [sflag:$0x2] =	stream.indirect_vreg.gather [hbm4b:s3+s2], $0x80, v4, vm0, $0xb8;
	[tilespmem:$0x8200] =	vst v63  }
0x53: {  	_ = 	snop  }
0x54: {  	[tilespmem:s23], [sflag:$0x2] =	stream.indirect_vreg.gather [hbm4b:s3+s2], $0x80, v3, vm0, $0xb8;
	[tilespmem:$0x8200] =	vst v63  }
0x55: {  	v3 =	vld [tilespmem:$0x60];
	_ =	sdelay $0x4  }
0x56: {  	v38 =	vshll.u32 v3, $0x1  }
0x57: {  	v3 =	vand.u32 $0x7, v3;
	v4 =	vand.u32 $0xFFFFFFF0, v38  }
0x58: {  	v3 =	vor.u32 v3, v4  }
0x59: {  	v4 =	vperm.xlane v3, v0;
	_ =	sdelay $0x1  }
0x5a: {  	v3 =	vperm.xlane v3, v2;
	v4 =	vadd.s32 v1, v4;
	_ =	sdelay $0x1  }
0x5b: {  	v3 =	vadd.s32 v1, v3;
	_ =	sdelay $0x2  }
0x5c: {  	[tilespmem:s24], [sflag:$0x2] =	stream.indirect_vreg.gather [hbm4b:s3+s2], $0x80, v4, vm0, $0xb8;
	[tilespmem:$0x8200] =	vst v63  }
0x5d: {  	_ = 	snop  }
0x5e: {  	[tilespmem:s25], [sflag:$0x2] =	stream.indirect_vreg.gather [hbm4b:s3+s2], $0x80, v3, vm0, $0xb8;
	[tilespmem:$0x8200] =	vst v63  }
0x5f: {  	v3 =	vld [tilespmem:$0x70];
	_ =	sdelay $0x4  }
0x60: {  	v39 =	vshll.u32 v3, $0x1  }
0x61: {  	v3 =	vand.u32 $0x7, v3;
	v4 =	vand.u32 $0xFFFFFFF0, v39  }
0x62: {  	v3 =	vor.u32 v3, v4  }
0x63: {  	v4 =	vperm.xlane v3, v0;
	_ =	sdelay $0x1  }
0x64: {  	v3 =	vperm.xlane v3, v2;
	v4 =	vadd.s32 v1, v4;
	_ =	sdelay $0x1  }
0x65: {  	v3 =	vadd.s32 v1, v3;
	_ =	sdelay $0x2  }
0x66: {  	[tilespmem:s26], [sflag:$0x2] =	stream.indirect_vreg.gather [hbm4b:s3+s2], $0x80, v4, vm0, $0xb8;
	[tilespmem:$0x8200] =	vst v63  }
0x67: {  	_ = 	snop  }
0x68: {  	[tilespmem:s28], [sflag:$0x2] =	stream.indirect_vreg.gather [hbm4b:s3+s2], $0x80, v3, vm0, $0xb8;
	[tilespmem:$0x8200] =	vst v63  }
0x69: {  	_ =	swait.ge [sflag:s29], $0x4000  }
0x6a: {  	[sflag:s29] =	ssyncset.done $0x0  }
0x6b: {  	s1 =	rddreg [dreg:$0x4];
	[sflag:s29] =	ssyncadd.s32 $0xFFFFC000  }
0x6c: {  	[hbm4b:s1+s2] =	stream.linear.scatter [tilespmem:s12], [sflag:$0x3], $0x4000, $0x38;
	[tilespmem:$0x8200] =	vst v63  }
0x6d: {  	_ =	swait.ge [sflag:s30], $0x4000  }
0x6e: {  	[sflag:s30] =	ssyncset.done $0x0  }
0x6f: {  	[sflag:s30] =	ssyncadd.s32 $0xFFFFC000  }
0x70: {  	v3 =	vld [tilespmem:$0x80];
	_ =	sdelay $0x4  }
0x71: {  	v40 =	vshll.u32 v3, $0x1  }
0x72: {  	v3 =	vand.u32 $0x7, v3;
	v4 =	vand.u32 $0xFFFFFFF0, v40  }
0x73: {  	v3 =	vor.u32 v3, v4  }
0x74: {  	v4 =	vperm.xlane v3, v0;
	_ =	sdelay $0x1  }
0x75: {  	v3 =	vperm.xlane v3, v2;
	v4 =	vadd.s32 v1, v4;
	_ =	sdelay $0x1  }
0x76: {  	v3 =	vadd.s32 v1, v3;
	_ =	sdelay $0x2  }
0x77: {  	[tilespmem:s12], [sflag:$0x1] =	stream.indirect_vreg.gather [hbm4b:s3+s2], $0x80, v4, vm0, $0xb8;
	[tilespmem:$0x8200] =	vst v63  }
0x78: {  	_ = 	snop  }
0x79: {  	[tilespmem:s13], [sflag:$0x1] =	stream.indirect_vreg.gather [hbm4b:s3+s2], $0x80, v3, vm0, $0xb8;
	[tilespmem:$0x8200] =	vst v63  }
0x7a: {  	v3 =	vld [tilespmem:$0x90];
	_ =	sdelay $0x4  }
0x7b: {  	v41 =	vshll.u32 v3, $0x1  }
0x7c: {  	v3 =	vand.u32 $0x7, v3;
	v4 =	vand.u32 $0xFFFFFFF0, v41  }
0x7d: {  	v3 =	vor.u32 v3, v4  }
0x7e: {  	v4 =	vperm.xlane v3, v0;
	_ =	sdelay $0x1  }
0x7f: {  	v3 =	vperm.xlane v3, v2;
	v4 =	vadd.s32 v1, v4;
	_ =	sdelay $0x1  }
0x80: {  	v3 =	vadd.s32 v1, v3;
	_ =	sdelay $0x2  }
0x81: {  	[tilespmem:s14], [sflag:$0x1] =	stream.indirect_vreg.gather [hbm4b:s3+s2], $0x80, v4, vm0, $0xb8;
	[tilespmem:$0x8200] =	vst v63  }
0x82: {  	_ = 	snop  }
0x83: {  	[tilespmem:s15], [sflag:$0x1] =	stream.indirect_vreg.gather [hbm4b:s3+s2], $0x80, v3, vm0, $0xb8;
	[tilespmem:$0x8200] =	vst v63  }
0x84: {  	v3 =	vld [tilespmem:$0xA0];
	_ =	sdelay $0x4  }
0x85: {  	v42 =	vshll.u32 v3, $0x1  }
0x86: {  	v3 =	vand.u32 $0x7, v3;
	v4 =	vand.u32 $0xFFFFFFF0, v42  }
0x87: {  	v3 =	vor.u32 v3, v4  }
0x88: {  	v4 =	vperm.xlane v3, v0;
	_ =	sdelay $0x1  }
0x89: {  	v3 =	vperm.xlane v3, v2;
	v4 =	vadd.s32 v1, v4;
	_ =	sdelay $0x1  }
0x8a: {  	v3 =	vadd.s32 v1, v3;
	_ =	sdelay $0x2  }
0x8b: {  	[tilespmem:s16], [sflag:$0x1] =	stream.indirect_vreg.gather [hbm4b:s3+s2], $0x80, v4, vm0, $0xb8;
	[tilespmem:$0x8200] =	vst v63  }
0x8c: {  	_ = 	snop  }
0x8d: {  	[tilespmem:s17], [sflag:$0x1] =	stream.indirect_vreg.gather [hbm4b:s3+s2], $0x80, v3, vm0, $0xb8;
	[tilespmem:$0x8200] =	vst v63  }
0x8e: {  	v3 =	vld [tilespmem:$0xB0];
	_ =	sdelay $0x4  }
0x8f: {  	v43 =	vshll.u32 v3, $0x1  }
0x90: {  	v3 =	vand.u32 $0x7, v3;
	v4 =	vand.u32 $0xFFFFFFF0, v43  }
0x91: {  	v3 =	vor.u32 v3, v4  }
0x92: {  	v4 =	vperm.xlane v3, v0;
	_ =	sdelay $0x1  }
0x93: {  	v3 =	vperm.xlane v3, v2;
	v4 =	vadd.s32 v1, v4;
	_ =	sdelay $0x1  }
0x94: {  	v3 =	vadd.s32 v1, v3;
	_ =	sdelay $0x2  }
0x95: {  	[tilespmem:s18], [sflag:$0x1] =	stream.indirect_vreg.gather [hbm4b:s3+s2], $0x80, v4, vm0, $0xb8;
	[tilespmem:$0x8200] =	vst v63  }
0x96: {  	_ = 	snop  }
0x97: {  	[tilespmem:s19], [sflag:$0x1] =	stream.indirect_vreg.gather [hbm4b:s3+s2], $0x80, v3, vm0, $0xb8;
	[tilespmem:$0x8200] =	vst v63  }
0x98: {  	_ =	swait.ge [sflag:s31], $0x4000  }
0x99: {  	[sflag:s31] =	ssyncset.done $0x0  }
0x9a: {  	s1 =	rddreg [dreg:$0x5];
	[sflag:s31] =	ssyncadd.s32 $0xFFFFC000  }
0x9b: {  	[hbm4b:s1+s2] =	stream.linear.scatter [tilespmem:s20], [sflag:$0x4], $0x4000, $0x38;
	[tilespmem:$0x8200] =	vst v63  }
0x9c: {  	_ =	swait.ge [sflag:s0], $0x4000  }
0x9d: {  	[sflag:s0] =	ssyncset.done $0x0  }
0x9e: {  	[sflag:s0] =	ssyncadd.s32 $0xFFFFC000  }
0x9f: {  	v3 =	vld [tilespmem:$0xC0];
	_ =	sdelay $0x4  }
0xa0: {  	v44 =	vshll.u32 v3, $0x1  }
0xa1: {  	v3 =	vand.u32 $0x7, v3;
	v4 =	vand.u32 $0xFFFFFFF0, v44  }
0xa2: {  	v3 =	vor.u32 v3, v4  }
0xa3: {  	v4 =	vperm.xlane v3, v0;
	_ =	sdelay $0x1  }
0xa4: {  	v3 =	vperm.xlane v3, v2;
	v4 =	vadd.s32 v1, v4;
	_ =	sdelay $0x1  }
0xa5: {  	v3 =	vadd.s32 v1, v3;
	_ =	sdelay $0x2  }
0xa6: {  	[tilespmem:s20], [sflag:$0x2] =	stream.indirect_vreg.gather [hbm4b:s3+s2], $0x80, v4, vm0, $0xb8;
	[tilespmem:$0x8200] =	vst v63  }
0xa7: {  	_ = 	snop  }
0xa8: {  	[tilespmem:s21], [sflag:$0x2] =	stream.indirect_vreg.gather [hbm4b:s3+s2], $0x80, v3, vm0, $0xb8;
	[tilespmem:$0x8200] =	vst v63  }
0xa9: {  	v3 =	vld [tilespmem:$0xD0];
	_ =	sdelay $0x4  }
0xaa: {  	v45 =	vshll.u32 v3, $0x1  }
0xab: {  	v3 =	vand.u32 $0x7, v3;
	v4 =	vand.u32 $0xFFFFFFF0, v45  }
0xac: {  	v3 =	vor.u32 v3, v4  }
0xad: {  	v4 =	vperm.xlane v3, v0;
	_ =	sdelay $0x1  }
0xae: {  	v3 =	vperm.xlane v3, v2;
	v4 =	vadd.s32 v1, v4;
	_ =	sdelay $0x1  }
0xaf: {  	v3 =	vadd.s32 v1, v3;
	_ =	sdelay $0x2  }
0xb0: {  	[tilespmem:s22], [sflag:$0x2] =	stream.indirect_vreg.gather [hbm4b:s3+s2], $0x80, v4, vm0, $0xb8;
	[tilespmem:$0x8200] =	vst v63  }
0xb1: {  	_ = 	snop  }
0xb2: {  	[tilespmem:s23], [sflag:$0x2] =	stream.indirect_vreg.gather [hbm4b:s3+s2], $0x80, v3, vm0, $0xb8;
	[tilespmem:$0x8200] =	vst v63  }
0xb3: {  	v3 =	vld [tilespmem:$0xE0];
	_ =	sdelay $0x4  }
0xb4: {  	v46 =	vshll.u32 v3, $0x1  }
0xb5: {  	v3 =	vand.u32 $0x7, v3;
	v4 =	vand.u32 $0xFFFFFFF0, v46  }
0xb6: {  	v3 =	vor.u32 v3, v4  }
0xb7: {  	v4 =	vperm.xlane v3, v0;
	_ =	sdelay $0x1  }
0xb8: {  	v3 =	vperm.xlane v3, v2;
	v4 =	vadd.s32 v1, v4;
	_ =	sdelay $0x1  }
0xb9: {  	v3 =	vadd.s32 v1, v3;
	_ =	sdelay $0x2  }
0xba: {  	[tilespmem:s24], [sflag:$0x2] =	stream.indirect_vreg.gather [hbm4b:s3+s2], $0x80, v4, vm0, $0xb8;
	[tilespmem:$0x8200] =	vst v63  }
0xbb: {  	_ = 	snop  }
0xbc: {  	[tilespmem:s25], [sflag:$0x2] =	stream.indirect_vreg.gather [hbm4b:s3+s2], $0x80, v3, vm0, $0xb8;
	[tilespmem:$0x8200] =	vst v63  }
0xbd: {  	v3 =	vld [tilespmem:$0xF0];
	_ =	sdelay $0x4  }
0xbe: {  	v47 =	vshll.u32 v3, $0x1  }
0xbf: {  	v3 =	vand.u32 $0x7, v3;
	v4 =	vand.u32 $0xFFFFFFF0, v47  }
0xc0: {  	v3 =	vor.u32 v3, v4  }
0xc1: {  	v4 =	vperm.xlane v3, v0;
	_ =	sdelay $0x1  }
0xc2: {  	v3 =	vperm.xlane v3, v2;
	v4 =	vadd.s32 v1, v4;
	_ =	sdelay $0x1  }
0xc3: {  	v3 =	vadd.s32 v1, v3;
	_ =	sdelay $0x2  }
0xc4: {  	[tilespmem:s26], [sflag:$0x2] =	stream.indirect_vreg.gather [hbm4b:s3+s2], $0x80, v4, vm0, $0xb8;
	[tilespmem:$0x8200] =	vst v63  }
0xc5: {  	_ = 	snop  }
0xc6: {  	[tilespmem:s28], [sflag:$0x2] =	stream.indirect_vreg.gather [hbm4b:s3+s2], $0x80, v3, vm0, $0xb8;
	[tilespmem:$0x8200] =	vst v63  }
0xc7: {  	_ =	swait.ge [sflag:s29], $0x4000  }
0xc8: {  	[sflag:s29] =	ssyncset.done $0x0  }
0xc9: {  	[sflag:s29] =	ssyncadd.s32 $0xFFFFC000  }
0xca: {  	[hbm4b:s4+s2] =	stream.linear.scatter [tilespmem:s12], [sflag:$0x3], $0x4000, $0x38;
	[tilespmem:$0x8200] =	vst v63  }
0xcb: {  	_ =	swait.ge [sflag:s30], $0x4000  }
0xcc: {  	[sflag:s30] =	ssyncset.done $0x0  }
0xcd: {  	[sflag:s30] =	ssyncadd.s32 $0xFFFFC000  }
0xce: {  	v3 =	vld [tilespmem:$0x100];
	_ =	sdelay $0x4  }
0xcf: {  	v48 =	vshll.u32 v3, $0x1  }
0xd0: {  	v3 =	vand.u32 $0x7, v3;
	v4 =	vand.u32 $0xFFFFFFF0, v48  }
0xd1: {  	v3 =	vor.u32 v3, v4  }
0xd2: {  	v4 =	vperm.xlane v3, v0;
	_ =	sdelay $0x1  }
0xd3: {  	v3 =	vperm.xlane v3, v2;
	v4 =	vadd.s32 v1, v4;
	_ =	sdelay $0x1  }
0xd4: {  	v3 =	vadd.s32 v1, v3;
	_ =	sdelay $0x2  }
0xd5: {  	[tilespmem:s12], [sflag:$0x1] =	stream.indirect_vreg.gather [hbm4b:s3+s2], $0x80, v4, vm0, $0xb8;
	[tilespmem:$0x8200] =	vst v63  }
0xd6: {  	_ = 	snop  }
0xd7: {  	[tilespmem:s13], [sflag:$0x1] =	stream.indirect_vreg.gather [hbm4b:s3+s2], $0x80, v3, vm0, $0xb8;
	[tilespmem:$0x8200] =	vst v63  }
0xd8: {  	v3 =	vld [tilespmem:$0x110];
	_ =	sdelay $0x4  }
0xd9: {  	v49 =	vshll.u32 v3, $0x1  }
0xda: {  	v3 =	vand.u32 $0x7, v3;
	v4 =	vand.u32 $0xFFFFFFF0, v49  }
0xdb: {  	v3 =	vor.u32 v3, v4  }
0xdc: {  	v4 =	vperm.xlane v3, v0;
	_ =	sdelay $0x1  }
0xdd: {  	v3 =	vperm.xlane v3, v2;
	v4 =	vadd.s32 v1, v4;
	_ =	sdelay $0x1  }
0xde: {  	v3 =	vadd.s32 v1, v3;
	_ =	sdelay $0x2  }
0xdf: {  	[tilespmem:s14], [sflag:$0x1] =	stream.indirect_vreg.gather [hbm4b:s3+s2], $0x80, v4, vm0, $0xb8;
	[tilespmem:$0x8200] =	vst v63  }
0xe0: {  	_ = 	snop  }
0xe1: {  	[tilespmem:s15], [sflag:$0x1] =	stream.indirect_vreg.gather [hbm4b:s3+s2], $0x80, v3, vm0, $0xb8;
	[tilespmem:$0x8200] =	vst v63  }
0xe2: {  	v3 =	vld [tilespmem:$0x120];
	_ =	sdelay $0x4  }
0xe3: {  	v50 =	vshll.u32 v3, $0x1  }
0xe4: {  	v3 =	vand.u32 $0x7, v3;
	v4 =	vand.u32 $0xFFFFFFF0, v50  }
0xe5: {  	v3 =	vor.u32 v3, v4  }
0xe6: {  	v4 =	vperm.xlane v3, v0;
	_ =	sdelay $0x1  }
0xe7: {  	v3 =	vperm.xlane v3, v2;
	v4 =	vadd.s32 v1, v4;
	_ =	sdelay $0x1  }
0xe8: {  	v3 =	vadd.s32 v1, v3;
	_ =	sdelay $0x2  }
0xe9: {  	[tilespmem:s16], [sflag:$0x1] =	stream.indirect_vreg.gather [hbm4b:s3+s2], $0x80, v4, vm0, $0xb8;
	[tilespmem:$0x8200] =	vst v63  }
0xea: {  	_ = 	snop  }
0xeb: {  	[tilespmem:s17], [sflag:$0x1] =	stream.indirect_vreg.gather [hbm4b:s3+s2], $0x80, v3, vm0, $0xb8;
	[tilespmem:$0x8200] =	vst v63  }
0xec: {  	v3 =	vld [tilespmem:$0x130];
	_ =	sdelay $0x4  }
0xed: {  	v51 =	vshll.u32 v3, $0x1  }
0xee: {  	v3 =	vand.u32 $0x7, v3;
	v4 =	vand.u32 $0xFFFFFFF0, v51  }
0xef: {  	v3 =	vor.u32 v3, v4  }
0xf0: {  	v4 =	vperm.xlane v3, v0;
	_ =	sdelay $0x1  }
0xf1: {  	v3 =	vperm.xlane v3, v2;
	v4 =	vadd.s32 v1, v4;
	_ =	sdelay $0x1  }
0xf2: {  	v3 =	vadd.s32 v1, v3;
	_ =	sdelay $0x2  }
0xf3: {  	[tilespmem:s18], [sflag:$0x1] =	stream.indirect_vreg.gather [hbm4b:s3+s2], $0x80, v4, vm0, $0xb8;
	[tilespmem:$0x8200] =	vst v63  }
0xf4: {  	_ = 	snop  }
0xf5: {  	[tilespmem:s19], [sflag:$0x1] =	stream.indirect_vreg.gather [hbm4b:s3+s2], $0x80, v3, vm0, $0xb8;
	[tilespmem:$0x8200] =	vst v63  }
0xf6: {  	_ =	swait.ge [sflag:s31], $0x4000  }
0xf7: {  	[sflag:s31] =	ssyncset.done $0x0  }
0xf8: {  	[sflag:s31] =	ssyncadd.s32 $0xFFFFC000  }
0xf9: {  	[hbm4b:s5+s2] =	stream.linear.scatter [tilespmem:s20], [sflag:$0x4], $0x4000, $0x38;
	[tilespmem:$0x8200] =	vst v63  }
0xfa: {  	_ =	swait.ge [sflag:s0], $0x4000  }
0xfb: {  	[sflag:s0] =	ssyncset.done $0x0  }
0xfc: {  	[sflag:s0] =	ssyncadd.s32 $0xFFFFC000  }
0xfd: {  	v3 =	vld [tilespmem:$0x140];
	_ =	sdelay $0x4  }
0xfe: {  	v52 =	vshll.u32 v3, $0x1  }
0xff: {  	v3 =	vand.u32 $0x7, v3;
	v4 =	vand.u32 $0xFFFFFFF0, v52  }
0x100: {  	v3 =	vor.u32 v3, v4  }
0x101: {  	v4 =	vperm.xlane v3, v0;
	_ =	sdelay $0x1  }
0x102: {  	v3 =	vperm.xlane v3, v2;
	v4 =	vadd.s32 v1, v4;
	_ =	sdelay $0x1  }
0x103: {  	v3 =	vadd.s32 v1, v3;
	_ =	sdelay $0x2  }
0x104: {  	[tilespmem:s20], [sflag:$0x2] =	stream.indirect_vreg.gather [hbm4b:s3+s2], $0x80, v4, vm0, $0xb8;
	[tilespmem:$0x8200] =	vst v63  }
0x105: {  	_ = 	snop  }
0x106: {  	[tilespmem:s21], [sflag:$0x2] =	stream.indirect_vreg.gather [hbm4b:s3+s2], $0x80, v3, vm0, $0xb8;
	[tilespmem:$0x8200] =	vst v63  }
0x107: {  	v3 =	vld [tilespmem:$0x150];
	_ =	sdelay $0x4  }
0x108: {  	v53 =	vshll.u32 v3, $0x1  }
0x109: {  	v3 =	vand.u32 $0x7, v3;
	v4 =	vand.u32 $0xFFFFFFF0, v53  }
0x10a: {  	v3 =	vor.u32 v3, v4  }
0x10b: {  	v4 =	vperm.xlane v3, v0;
	_ =	sdelay $0x1  }
0x10c: {  	v3 =	vperm.xlane v3, v2;
	v4 =	vadd.s32 v1, v4;
	_ =	sdelay $0x1  }
0x10d: {  	v3 =	vadd.s32 v1, v3;
	_ =	sdelay $0x2  }
0x10e: {  	[tilespmem:s22], [sflag:$0x2] =	stream.indirect_vreg.gather [hbm4b:s3+s2], $0x80, v4, vm0, $0xb8;
	[tilespmem:$0x8200] =	vst v63  }
0x10f: {  	_ = 	snop  }
0x110: {  	[tilespmem:s23], [sflag:$0x2] =	stream.indirect_vreg.gather [hbm4b:s3+s2], $0x80, v3, vm0, $0xb8;
	[tilespmem:$0x8200] =	vst v63  }
0x111: {  	v3 =	vld [tilespmem:$0x160];
	_ =	sdelay $0x4  }
0x112: {  	v54 =	vshll.u32 v3, $0x1  }
0x113: {  	v3 =	vand.u32 $0x7, v3;
	v4 =	vand.u32 $0xFFFFFFF0, v54  }
0x114: {  	v3 =	vor.u32 v3, v4  }
0x115: {  	v4 =	vperm.xlane v3, v0;
	_ =	sdelay $0x1  }
0x116: {  	v3 =	vperm.xlane v3, v2;
	v4 =	vadd.s32 v1, v4;
	_ =	sdelay $0x1  }
0x117: {  	v3 =	vadd.s32 v1, v3;
	_ =	sdelay $0x2  }
0x118: {  	[tilespmem:s24], [sflag:$0x2] =	stream.indirect_vreg.gather [hbm4b:s3+s2], $0x80, v4, vm0, $0xb8;
	[tilespmem:$0x8200] =	vst v63  }
0x119: {  	_ = 	snop  }
0x11a: {  	[tilespmem:s25], [sflag:$0x2] =	stream.indirect_vreg.gather [hbm4b:s3+s2], $0x80, v3, vm0, $0xb8;
	[tilespmem:$0x8200] =	vst v63  }
0x11b: {  	v3 =	vld [tilespmem:$0x170];
	_ =	sdelay $0x4  }
0x11c: {  	v55 =	vshll.u32 v3, $0x1  }
0x11d: {  	v3 =	vand.u32 $0x7, v3;
	v4 =	vand.u32 $0xFFFFFFF0, v55  }
0x11e: {  	v3 =	vor.u32 v3, v4  }
0x11f: {  	v4 =	vperm.xlane v3, v0;
	_ =	sdelay $0x1  }
0x120: {  	v3 =	vperm.xlane v3, v2;
	v4 =	vadd.s32 v1, v4;
	_ =	sdelay $0x1  }
0x121: {  	v3 =	vadd.s32 v1, v3;
	_ =	sdelay $0x2  }
0x122: {  	[tilespmem:s26], [sflag:$0x2] =	stream.indirect_vreg.gather [hbm4b:s3+s2], $0x80, v4, vm0, $0xb8;
	[tilespmem:$0x8200] =	vst v63  }
0x123: {  	_ = 	snop  }
0x124: {  	[tilespmem:s28], [sflag:$0x2] =	stream.indirect_vreg.gather [hbm4b:s3+s2], $0x80, v3, vm0, $0xb8;
	[tilespmem:$0x8200] =	vst v63  }
0x125: {  	_ =	swait.ge [sflag:s29], $0x4000  }
0x126: {  	[sflag:s29] =	ssyncset.done $0x0  }
0x127: {  	[sflag:s29] =	ssyncadd.s32 $0xFFFFC000  }
0x128: {  	[hbm4b:s6+s2] =	stream.linear.scatter [tilespmem:s12], [sflag:$0x3], $0x4000, $0x38;
	[tilespmem:$0x8200] =	vst v63  }
0x129: {  	_ =	swait.ge [sflag:s30], $0x4000  }
0x12a: {  	[sflag:s30] =	ssyncset.done $0x0  }
0x12b: {  	[sflag:s30] =	ssyncadd.s32 $0xFFFFC000  }
0x12c: {  	v3 =	vld [tilespmem:$0x180];
	_ =	sdelay $0x4  }
0x12d: {  	v56 =	vshll.u32 v3, $0x1  }
0x12e: {  	v3 =	vand.u32 $0x7, v3;
	v4 =	vand.u32 $0xFFFFFFF0, v56  }
0x12f: {  	v3 =	vor.u32 v3, v4  }
0x130: {  	v4 =	vperm.xlane v3, v0;
	_ =	sdelay $0x1  }
0x131: {  	v3 =	vperm.xlane v3, v2;
	v4 =	vadd.s32 v1, v4;
	_ =	sdelay $0x1  }
0x132: {  	v3 =	vadd.s32 v1, v3;
	_ =	sdelay $0x2  }
0x133: {  	[tilespmem:s12], [sflag:$0x1] =	stream.indirect_vreg.gather [hbm4b:s3+s2], $0x80, v4, vm0, $0xb8;
	[tilespmem:$0x8200] =	vst v63  }
0x134: {  	_ = 	snop  }
0x135: {  	[tilespmem:s13], [sflag:$0x1] =	stream.indirect_vreg.gather [hbm4b:s3+s2], $0x80, v3, vm0, $0xb8;
	[tilespmem:$0x8200] =	vst v63  }
0x136: {  	v3 =	vld [tilespmem:$0x190];
	_ =	sdelay $0x4  }
0x137: {  	v57 =	vshll.u32 v3, $0x1  }
0x138: {  	v3 =	vand.u32 $0x7, v3;
	v4 =	vand.u32 $0xFFFFFFF0, v57  }
0x139: {  	v3 =	vor.u32 v3, v4  }
0x13a: {  	v4 =	vperm.xlane v3, v0;
	_ =	sdelay $0x1  }
0x13b: {  	v3 =	vperm.xlane v3, v2;
	v4 =	vadd.s32 v1, v4;
	_ =	sdelay $0x1  }
0x13c: {  	v3 =	vadd.s32 v1, v3;
	_ =	sdelay $0x2  }
0x13d: {  	[tilespmem:s14], [sflag:$0x1] =	stream.indirect_vreg.gather [hbm4b:s3+s2], $0x80, v4, vm0, $0xb8;
	[tilespmem:$0x8200] =	vst v63  }
0x13e: {  	_ = 	snop  }
0x13f: {  	[tilespmem:s15], [sflag:$0x1] =	stream.indirect_vreg.gather [hbm4b:s3+s2], $0x80, v3, vm0, $0xb8;
	[tilespmem:$0x8200] =	vst v63  }
0x140: {  	v3 =	vld [tilespmem:$0x1A0];
	_ =	sdelay $0x4  }
0x141: {  	v58 =	vshll.u32 v3, $0x1  }
0x142: {  	v3 =	vand.u32 $0x7, v3;
	v4 =	vand.u32 $0xFFFFFFF0, v58  }
0x143: {  	v3 =	vor.u32 v3, v4  }
0x144: {  	v4 =	vperm.xlane v3, v0;
	_ =	sdelay $0x1  }
0x145: {  	v3 =	vperm.xlane v3, v2;
	v4 =	vadd.s32 v1, v4;
	_ =	sdelay $0x1  }
0x146: {  	v3 =	vadd.s32 v1, v3;
	_ =	sdelay $0x2  }
0x147: {  	[tilespmem:s16], [sflag:$0x1] =	stream.indirect_vreg.gather [hbm4b:s3+s2], $0x80, v4, vm0, $0xb8;
	[tilespmem:$0x8200] =	vst v63  }
0x148: {  	_ = 	snop  }
0x149: {  	[tilespmem:s17], [sflag:$0x1] =	stream.indirect_vreg.gather [hbm4b:s3+s2], $0x80, v3, vm0, $0xb8;
	[tilespmem:$0x8200] =	vst v63  }
0x14a: {  	v3 =	vld [tilespmem:$0x1B0];
	_ =	sdelay $0x4  }
0x14b: {  	v59 =	vshll.u32 v3, $0x1  }
0x14c: {  	v3 =	vand.u32 $0x7, v3;
	v4 =	vand.u32 $0xFFFFFFF0, v59  }
0x14d: {  	v3 =	vor.u32 v3, v4  }
0x14e: {  	v4 =	vperm.xlane v3, v0;
	_ =	sdelay $0x1  }
0x14f: {  	v3 =	vperm.xlane v3, v2;
	v4 =	vadd.s32 v1, v4;
	_ =	sdelay $0x1  }
0x150: {  	v3 =	vadd.s32 v1, v3;
	_ =	sdelay $0x2  }
0x151: {  	[tilespmem:s18], [sflag:$0x1] =	stream.indirect_vreg.gather [hbm4b:s3+s2], $0x80, v4, vm0, $0xb8;
	[tilespmem:$0x8200] =	vst v63  }
0x152: {  	_ = 	snop  }
0x153: {  	[tilespmem:s19], [sflag:$0x1] =	stream.indirect_vreg.gather [hbm4b:s3+s2], $0x80, v3, vm0, $0xb8;
	[tilespmem:$0x8200] =	vst v63  }
0x154: {  	_ =	swait.ge [sflag:s31], $0x4000  }
0x155: {  	[sflag:s31] =	ssyncset.done $0x0  }
0x156: {  	[sflag:s31] =	ssyncadd.s32 $0xFFFFC000  }
0x157: {  	[hbm4b:s7+s2] =	stream.linear.scatter [tilespmem:s20], [sflag:$0x4], $0x4000, $0x38;
	[tilespmem:$0x8200] =	vst v63  }
0x158: {  	_ =	swait.ge [sflag:s0], $0x4000  }
0x159: {  	[sflag:s0] =	ssyncset.done $0x0  }
0x15a: {  	[sflag:s0] =	ssyncadd.s32 $0xFFFFC000  }
0x15b: {  	v3 =	vld [tilespmem:$0x1C0];
	_ =	sdelay $0x4  }
0x15c: {  	v60 =	vshll.u32 v3, $0x1  }
0x15d: {  	v3 =	vand.u32 $0x7, v3;
	v4 =	vand.u32 $0xFFFFFFF0, v60  }
0x15e: {  	v3 =	vor.u32 v3, v4  }
0x15f: {  	v4 =	vperm.xlane v3, v0;
	_ =	sdelay $0x1  }
0x160: {  	v3 =	vperm.xlane v3, v2;
	v4 =	vadd.s32 v1, v4;
	_ =	sdelay $0x1  }
0x161: {  	v3 =	vadd.s32 v1, v3;
	_ =	sdelay $0x2  }
0x162: {  	[tilespmem:s20], [sflag:$0x2] =	stream.indirect_vreg.gather [hbm4b:s3+s2], $0x80, v4, vm0, $0xb8;
	[tilespmem:$0x8200] =	vst v63  }
0x163: {  	_ = 	snop  }
0x164: {  	[tilespmem:s21], [sflag:$0x2] =	stream.indirect_vreg.gather [hbm4b:s3+s2], $0x80, v3, vm0, $0xb8;
	[tilespmem:$0x8200] =	vst v63  }
0x165: {  	v3 =	vld [tilespmem:$0x1D0];
	_ =	sdelay $0x4  }
0x166: {  	v61 =	vshll.u32 v3, $0x1  }
0x167: {  	v3 =	vand.u32 $0x7, v3;
	v4 =	vand.u32 $0xFFFFFFF0, v61  }
0x168: {  	v3 =	vor.u32 v3, v4  }
0x169: {  	v4 =	vperm.xlane v3, v0;
	_ =	sdelay $0x1  }
0x16a: {  	v3 =	vperm.xlane v3, v2;
	v4 =	vadd.s32 v1, v4;
	_ =	sdelay $0x1  }
0x16b: {  	v3 =	vadd.s32 v1, v3;
	_ =	sdelay $0x2  }
0x16c: {  	[tilespmem:s22], [sflag:$0x2] =	stream.indirect_vreg.gather [hbm4b:s3+s2], $0x80, v4, vm0, $0xb8;
	[tilespmem:$0x8200] =	vst v63  }
0x16d: {  	_ = 	snop  }
0x16e: {  	[tilespmem:s23], [sflag:$0x2] =	stream.indirect_vreg.gather [hbm4b:s3+s2], $0x80, v3, vm0, $0xb8;
	[tilespmem:$0x8200] =	vst v63  }
0x16f: {  	v3 =	vld [tilespmem:$0x1E0];
	_ =	sdelay $0x4  }
0x170: {  	v62 =	vshll.u32 v3, $0x1  }
0x171: {  	v3 =	vand.u32 $0x7, v3;
	v4 =	vand.u32 $0xFFFFFFF0, v62  }
0x172: {  	v3 =	vor.u32 v3, v4  }
0x173: {  	v4 =	vperm.xlane v3, v0;
	_ =	sdelay $0x1  }
0x174: {  	v3 =	vperm.xlane v3, v2;
	v4 =	vadd.s32 v1, v4;
	_ =	sdelay $0x1  }
0x175: {  	v3 =	vadd.s32 v1, v3;
	_ =	sdelay $0x2  }
0x176: {  	[tilespmem:s24], [sflag:$0x2] =	stream.indirect_vreg.gather [hbm4b:s3+s2], $0x80, v4, vm0, $0xb8;
	[tilespmem:$0x8200] =	vst v63  }
0x177: {  	_ = 	snop  }
0x178: {  	[tilespmem:s25], [sflag:$0x2] =	stream.indirect_vreg.gather [hbm4b:s3+s2], $0x80, v3, vm0, $0xb8;
	[tilespmem:$0x8200] =	vst v63  }
0x179: {  	v3 =	vld [tilespmem:$0x1F0];
	_ =	sdelay $0x4  }
0x17a: {  	v63 =	vshll.u32 v3, $0x1  }
0x17b: {  	v3 =	vand.u32 $0x7, v3;
	v4 =	vand.u32 $0xFFFFFFF0, v63  }
0x17c: {  	v3 =	vor.u32 v3, v4  }
0x17d: {  	v4 =	vperm.xlane v3, v0;
	_ =	sdelay $0x1  }
0x17e: {  	v3 =	vperm.xlane v3, v2;
	v4 =	vadd.s32 v1, v4;
	_ =	sdelay $0x1  }
0x17f: {  	v3 =	vadd.s32 v1, v3;
	_ =	sdelay $0x2  }
0x180: {  	[tilespmem:s26], [sflag:$0x2] =	stream.indirect_vreg.gather [hbm4b:s3+s2], $0x80, v4, vm0, $0xb8;
	[tilespmem:$0x8200] =	vst v63  }
0x181: {  	_ = 	snop  }
0x182: {  	[tilespmem:s28], [sflag:$0x2] =	stream.indirect_vreg.gather [hbm4b:s3+s2], $0x80, v3, vm0, $0xb8;
	[tilespmem:$0x8200] =	vst v63  }
0x183: {  	_ =	swait.ge [sflag:s29], $0x4000  }
0x184: {  	[sflag:s29] =	ssyncset.done $0x0  }
0x185: {  	[sflag:s29] =	ssyncadd.s32 $0xFFFFC000  }
0x186: {  	[hbm4b:s8+s2] =	stream.linear.scatter [tilespmem:s12], [sflag:$0x3], $0x4000, $0x38;
	[tilespmem:$0x8200] =	vst v63  }
0x187: {  	_ =	swait.ge [sflag:s31], $0x4000  }
0x188: {  	[sflag:s31] =	ssyncset.done $0x0  }
0x189: {  	[sflag:s31] =	ssyncadd.s32 $0xFFFFC000  }
0x18a: {  	[hbm4b:s9+s2] =	stream.linear.scatter [tilespmem:s20], [sflag:$0x4], $0x4000, $0x38;
	[tilespmem:$0x8200] =	vst v63  }
0x18b: {  	p0 =	sne.s32 s10, $0x1;
	_ =	swait.ge [sflag:s30], $0x4000  }
.Ltmp0:
0x18c: {  	[sflag:s30] =	ssyncset.done $0x0;
	(pc) =	sbr.rel @p0 .LBB2_1-.Ltmp0, $4  }
0x18d: {  	[sflag:s30] =	ssyncadd.s32 $0xFFFFC000  }
0x18e: {  	_ =	swait.ge [sflag:s0], $0x4000  }
0x18f: {  	[sflag:s0] =	ssyncset.done $0x0  }
0x190: {  	s10 =	sadd.s32 $0xFFFFFFFF, s10;
	[sflag:s0] =	ssyncadd.s32 $0xFFFFC000  }
0x191: {  	_ =	sfence.sel $0x180000  }
0x192: {  	[bflag:$0x0] =	sbarrier.arrive $0xFFFF  }
0x193: {  	_ =	strace $0x9000004D  }
0x194: {  	s0 =	stileid.u32;
	[bflag:$0x2] =	sbarrier.arrive $0xFFFF  }
0x195: {  	p0 =	sne.s32 s0, $0x0;
	s0 =	rddreg [dreg:$0x2]  }
0x196: {  	s0 =	sadd.s32 @!p0 $0x100000, s0  }
0x197: {  	[sflag:s0] =	ssyncadd.tile.s32 @!p0 $0x1;
	_ =	shalt  }
.Lfunc_end2:
_tile_overlayer_lowered:
.L_overlay_start_2:
0x198: {  	(tag) =	ssettag $0x2  }
0x199: {  	s0 =	rddreg [dreg:$0x0];
	s2 =	stileid.u32  }
0x19a: {  	s1 =	rddreg [dreg:$0x1];
	p0 =	sne.s32 s2, $0x0  }
0x19b: {  	s3 =	rddreg [dreg:$0x2];
	[bflag:$0x3] =	sbarrier.arrive $0xFFFF;
	s2 =	simm.s32 @!p0 $0x1C05  }
0x19c: {  	[timem:s3], [sflag:s2] =	dma.local @!p0 [hbm:s0], s1  }
0x19d: {  	s0 =	simm.s32 @!p0 $0x5  }
0x19e: {  	_ =	swait.ge @!p0 [sflag:s0], s1  }
0x19f: {  	s1 =	ssub.s32 @!p0 $0x0, s1;
	[sflag:s0] =	ssyncset.done @!p0 $0x0  }
0x1a0: {  	[sflag:s0] =	ssyncadd.s32 @!p0 s1  }
0x1a1: {  	[bflag:$0x3] =	sbarrier.arrive $0xFFFF  }
0x1a2: {  	_ =	shalt  }

// kernel: kernel.9.cloned.1.call-start
scs
__scs_entry_jumppad:
0x0: {  	(pc) =	sbr.rel $0x88, $3  }
0x1: {  	(tag) =	ssettag $0x0;
	lr =	simm.s32 $0x1  }
0x2: {  	[smem:$0x3F93] =	sst lr;
	_ =	strace $0xD0000000  }
0x3: {  	_ = 	snop  }
0x4: {  	_ = 	snop  }
0x5: {  	_ = 	snop  }
0x6: {  	_ = 	snop  }
0x7: {  	_ = 	snop  }
__scs_overlays_trampoline_lowered:
0x8: {  	[smem:$0x3FA2] =	sst s0  }
0x9: {  	[smem:$0x3FA3] =	sst s1  }
0xa: {  	[smem:$0x3FA4] =	sst s2  }
0xb: {  	[smem:$0x3FA5] =	sst s3  }
0xc: {  	[smem:$0x3FA6] =	sst s4  }
0xd: {  	[smem:$0x3FA7] =	sst s5  }
0xe: {  	[smem:$0x3FA8] =	sst s6  }
0xf: {  	[smem:$0x3FA9] =	sst s7  }
0x10: {  	[smem:$0x3FAA] =	sst s8  }
0x11: {  	[smem:$0x3FAB] =	sst s9;
	s0 =	simm.s32 @!p0 $0x0  }
0x12: {  	s1 =	sld [smem:$0x3F91];
	s0 =	simm.s32 @p0 $0x1  }
0x13: {  	[smem:$0x3FAC] =	sst s0;
	s0 =	simm.s32 @!p1 $0x0  }
0x14: {  	s2 =	sld [smem:$0x3F90];
	s0 =	simm.s32 @p1 $0x1  }
0x15: {  	[smem:$0x3FAD] =	sst s0;
	s0 =	simm.s32 @!p2 $0x0  }
0x16: {  	s3 =	sld [smem:$0x3FDB];
	s0 =	simm.s32 @p2 $0x1  }
0x17: {  	s4 =	simm.s32 $0x1BF5;
	[smem:$0x3FAF] =	sst s0  }
0x18: {  	s0 =	sld [smem:$0x3F92];
	_ =	swait.ge [sflag:s4], $0x0  }
0x19: {  	s7 =	sld [smem:$0x3F93]  }
0x1a: {  	s8 =	sadd.s32 $0xFFFFE003, lr  }
0x1b: {  	s9 =	sadd.s32 $0xFFFFFEF7, lr;
	s5 =	simm.s32 $0xFFFFFFFF;
	p2 =	slt.u32 s8, $0xFFFFF086  }
0x1c: {  	p1 =	slt.u32 s9, $0xF7A;
	s5 =	simm.s32 @!p2 $0x0  }
0x1d: {  	s5 =	simm.s32 @p1 $0x1;
	p0 =	seq.s32 s7, s2  }
0x1e: {  	s7 =	smul.u32 @!p0 $0xF7A, s2;
	p2 =	seq.s32 @!p0 s5, $0x0  }
0x1f: {  	s9 =	smul.u32 $0xF7A, s1;
	s8 =	simm.s32 @!p0 $0x1BF5;
	p2 =	por !p2, p0  }
0x20: {  	[sflag:s8] =	ssyncset.s32 @!p0 $0xFFFFF086;
	s6 =	sadd.s32 @!p0 s3, s7;
	s7 =	simm.s32 @!p0 $0x108  }
0x21: {  	s3 =	sadd.s32 s3, s9;
	s6 =	sadd.s32 @!p0 $0x88, s6;
	s7 =	simm.s32 @p2 $0x1082  }
0x22: {  	[simem:s7], [sflag:s8] =	dma.local @!p0 [hbm:s6], $0xF7A  }
0x23: {  	s9 =	sor.u32 $0xD0000000, s2;
	s6 =	simm.s32 $0x108;
	_ =	swait.ge @!p0 [sflag:s8], $0x0  }
0x24: {  	s3 =	sadd.s32 $0x88, s3;
	s6 =	simm.s32 @!p1 $0x1082;
	[sflag:s4] =	ssyncset.s32 $0xFFFFF086  }
0x25: {  	[simem:s6], [sflag:s4] =	dma.local [hbm:s3], $0xF7A  }
0x26: {  	[smem:$0x3F93] =	sst s1;
	(tag) =	ssettag s2;
	_ =	strace s9  }
0x27: {  	s1 =	sld [smem:$0x3FA3]  }
0x28: {  	s2 =	sld [smem:$0x3FA4]  }
0x29: {  	s4 =	sld [smem:$0x3FA6]  }
0x2a: {  	p0 =	seq.s32 s5, $0x0;
	s5 =	sld [smem:$0x3FA7]  }
0x2b: {  	s6 =	sld [smem:$0x3FA8]  }
0x2c: {  	s7 =	sld [smem:$0x3FA9]  }
0x2d: {  	s3 =	simm.s32 $0x108;
	s8 =	sld [smem:$0x3FAA]  }
0x2e: {  	s3 =	simm.s32 @!p0 $0x1082;
	s9 =	sld [smem:$0x3FAB]  }
0x2f: {  	lr =	sadd.s32 s0, s3;
	s0 =	sld [smem:$0x3FA2]  }
0x30: {  	s3 =	sld [smem:$0x3FA5]  }
0x31: {  	[smem:$0x3FAE] =	sst s10  }
0x32: {  	s10 =	sld [smem:$0x3FAC];
	_ =	sdelay $0x3  }
0x33: {  	p0 =	seq.s32 s10, $0x1;
	s10 =	sld [smem:$0x3FAE];
	_ =	sdelay $0x3  }
0x34: {  	[smem:$0x3FAE] =	sst s10  }
0x35: {  	s10 =	sld [smem:$0x3FAD];
	_ =	sdelay $0x3  }
0x36: {  	p1 =	seq.s32 s10, $0x1;
	s10 =	sld [smem:$0x3FAE];
	_ =	sdelay $0x3  }
0x37: {  	[smem:$0x3FAE] =	sst s10  }
0x38: {  	s10 =	sld [smem:$0x3FAF]  }
0x39: {  	_ = 	snop;
	(pc) =	sbr.ind lr, $3  }
0x3a: {  	_ = 	snop  }
0x3b: {  	_ = 	snop  }
0x3c: {  	p2 =	seq.s32 s10, $0x1;
	s10 =	sld [smem:$0x3FAE]  }
0x3d: {  	_ =	shalt  }
0x3e: {  	_ =	shalt  }
0x3f: {  	_ =	shalt  }
0x40: {  	_ =	shalt  }
0x41: {  	_ =	shalt  }
0x42: {  	_ =	shalt  }
0x43: {  	_ =	shalt  }
0x44: {  	_ =	shalt  }
0x45: {  	_ =	shalt  }
0x46: {  	_ =	shalt  }
0x47: {  	_ =	shalt  }
0x48: {  	_ =	shalt  }
0x49: {  	_ =	shalt  }
0x4a: {  	_ =	shalt  }
0x4b: {  	_ =	shalt  }
0x4c: {  	_ =	shalt  }
0x4d: {  	_ =	shalt  }
0x4e: {  	_ =	shalt  }
0x4f: {  	_ =	shalt  }
0x50: {  	_ =	shalt  }
0x51: {  	_ =	shalt  }
0x52: {  	_ =	shalt  }
0x53: {  	_ =	shalt  }
0x54: {  	_ =	shalt  }
0x55: {  	_ =	shalt  }
0x56: {  	_ =	shalt  }
0x57: {  	_ =	shalt  }
0x58: {  	_ =	shalt  }
0x59: {  	_ =	shalt  }
0x5a: {  	_ =	shalt  }
0x5b: {  	_ =	shalt  }
0x5c: {  	_ =	shalt  }
0x5d: {  	_ =	shalt  }
0x5e: {  	_ =	shalt  }
0x5f: {  	_ =	shalt  }
0x60: {  	_ =	shalt  }
0x61: {  	_ =	shalt  }
0x62: {  	_ =	shalt  }
0x63: {  	_ =	shalt  }
0x64: {  	_ =	shalt  }
0x65: {  	_ =	shalt  }
0x66: {  	_ =	shalt  }
0x67: {  	_ =	shalt  }
0x68: {  	_ =	shalt  }
0x69: {  	_ =	shalt  }
0x6a: {  	_ =	shalt  }
0x6b: {  	_ =	shalt  }
0x6c: {  	_ =	shalt  }
0x6d: {  	_ =	shalt  }
0x6e: {  	_ =	shalt  }
0x6f: {  	_ =	shalt  }
0x70: {  	_ =	shalt  }
0x71: {  	_ =	shalt  }
0x72: {  	_ =	shalt  }
0x73: {  	_ =	shalt  }
0x74: {  	_ =	shalt  }
0x75: {  	_ =	shalt  }
0x76: {  	_ =	shalt  }
0x77: {  	_ =	shalt  }
0x78: {  	_ =	shalt  }
0x79: {  	_ =	shalt  }
0x7a: {  	_ =	shalt  }
0x7b: {  	_ =	shalt  }
0x7c: {  	_ =	shalt  }
0x7d: {  	_ =	shalt  }
0x7e: {  	_ =	shalt  }
0x7f: {  	_ =	shalt  }
0x80: {  	_ =	shalt  }
0x81: {  	_ =	shalt  }
0x82: {  	_ =	shalt  }
0x83: {  	_ =	shalt  }
0x84: {  	_ =	shalt  }
0x85: {  	_ =	shalt  }
0x86: {  	_ =	shalt  }
0x87: {  	_ =	shalt  }
.Lfunc_end0:
.L_simem_size_0:
called_computation.1_lowered:
.L_overlay_start_0:
0x88: {  	s2 =	sld [smem:$0x3FD9]  }
0x89: {  	s3 =	sld [smem:$0x3FFE];
	_ =	sdelay $0x1  }
0x8a: {  	s1 =	srdreg.scid  }
0x8b: {  	s0 =	sand.u32 $0x1, s1  }
0x8c: {  	s17 =	sshll.u32 s0, $0xA;
	s2 =	sadd.s32 s3, s2  }
0x8d: {  	s2 =	sadd.s32 s2, s17  }
0x8e: {  	[smem:$0x3FBA] =	sst s2  }
0x8f: {  	_ = 	snop  }
0x90: {  	s2 =	sld [smem:$0x3FC9]  }
0x91: {  	s18 =	sld [smem:$0x3FC8];
	(tm) =	ssettm $0x1  }
0x92: {  	s4 =	sld [smem:$0x3FFB];
	_ =	sdelay $0x3  }
0x93: {  	_ =	strace s4  }
0x94: {  	s4 =	sld [smem:$0x3FFC];
	_ =	sdelay $0x3  }
0x95: {  	_ =	strace s4  }
0x96: {  	s4 =	sld [smem:$0x3FFD];
	_ =	sdelay $0x3  }
0x97: {  	_ =	strace s4  }
0x98: {  	_ =	strace $0x8FFFFFFF  }
0x99: {  	s19 =	sld [smem:$0x3FDB];
	_ =	sdelay $0x1  }
0x9a: {  	s5 =	simm.s32 $_scs_section_size  }
0x9b: {  	s6 =	simm.s32 $_size__tile_overlayer_lowered;
	s7 =	simm.s32 $_tile_overlayer_lowered  }
0x9c: {  	s22 =	simm.s32 $0x1BFF;
	s21 =	sshll.u32 s7, $0x1;
	s4 =	sadd.s32 s5, s19  }
0x9d: {  	s8 =	simm.s32 $0x0;
	s20 =	sshll.u32 s6, $0x1;
	s6 =	sadd.s32 s21, s4  }
0x9e: {  	[timem:s8], [sflag:s22] =	dma.local [hbm:s6], s20  }
0x9f: {  	_ =	swait.ge [sflag:s22], s20  }
0xa0: {  	s5 =	ssub.s32 $0x0, s20;
	[sflag:s22] =	ssyncset.done $0x0  }
0xa1: {  	[sflag:s22] =	ssyncadd.s32 s5;
	_ =	sdelay $0x1  }
0xa2: {  	s23 =	simm.s32 $0x1B8B  }
0xa3: {  	_ =	swait.ge [sflag:s23], $0x1  }
0xa4: {  	[sflag:s23] =	ssyncset.done $0x0  }
0xa5: {  	s25 =	simm.s32 $0x1B8E;
	s24 =	sld [smem:$0x3FFE];
	[sflag:s23] =	ssyncadd.s32 $0xFFFFFFFF  }
0xa6: {  	s26 =	simm.s32 $execute0_lowered;
	[smem:$0x3FD2] =	sst s25  }
0xa7: {  	s6 =	sshll.u32 s26, $0x1;
	_ =	strace $0x80000046;
	[dreg:$0x1] =	wrdreg $0xFFFFFFFF  }
0xa8: {  	s28 =	simm.s32 $_size_execute0_lowered;
	s4 =	sadd.s32 s4, s6;
	[dreg:$0x0] =	wrdreg $0x0  }
0xa9: {  	s6 =	sshll.u32 s28, $0x1;
	[dreg:$0x2] =	wrdreg s4  }
0xaa: {  	[dreg:$0x3] =	wrdreg s6  }
0xab: {  	[dreg:$0x4] =	wrdreg $0xC0  }
0xac: {  	_ =	task [dreg:s8], $0x5FFFF  }
0xad: {  	[dreg:$0x1] =	wrdreg $0xFFFFFFFF  }
0xae: {  	[dreg:$0x0] =	wrdreg $0x60  }
0xaf: {  	[dreg:$0x2] =	wrdreg s2  }
0xb0: {  	[dreg:$0x3] =	wrdreg s18  }
0xb1: {  	[dreg:$0x4] =	wrdreg s24  }
0xb2: {  	[dreg:$0x5] =	wrdreg $0xA  }
0xb3: {  	_ =	task.clear_ibuf [dreg:s8], $0x6FFFF;
	_ =	strace $0x90000046  }
0xb4: {  	s29 =	simm.s32 $0xA;
	_ =	strace $0x80000048  }
0xb5: {  	_ =	swait.ge [sflag:s29], $0x1  }
0xb6: {  	[sflag:s29] =	ssyncadd.s32 $0xFFFFFFFF  }
0xb7: {  	_ =	strace $0x90000048  }
0xb8: {  	_ =	sfence  }
0xb9: {  	s30 =	sld [smem:$0x0];
	_ =	sdelay $0x2  }
0xba: {  	s31 =	sshll.u32 s1, $0xD;
	s1 =	sshrl.u32 s1, $0x2  }
0xbb: {  	s3 =	sand.u32 $0x4000, s31;
	s1 =	sadd.s32 s1, s30  }
0xbc: {  	s0 =	sor.u32 s3, s0;
	s1 =	sshll.u32 s1, $0x11  }
0xbd: {  	s0 =	sor.u32 s1, s0  }
0xbe: {  	s0 =	sadd.s32 $0x8F2B, s0  }
0xbf: {  	[sflag:s0] =	ssyncadd.remote.s32 $0x1  }
0xc0: {  	_ =	sfence.sel $0xFFFF  }
0xc1: {  	[dreg:$0x0] =	wrdreg $0xFFFFFFFF;
	(pc) =	sbr.abs _section_cstart, $3  }
0xc2: {  	[dreg:$0x1] =	wrdreg $0xFFFFFFFF  }
0xc3: {  	_ =	task.clear_ibuf [dreg:s8], $0x2FFFF;
	_ =	strace $0x9FFFFFFF  }
0xc4: {  	(tm) =	ssettm $0x7FFFFFFF  }
0xc5: {  	_ =	shalt  }
tec
execute0_lowered:
.L_overlay_start_1:
0x0: {  	(tag) =	ssettag $0x1  }
0x1: {  	s3 =	rddreg [dreg:$0x0];
	s1 =	srdreg.scid  }
0x2: {  	s5 =	rddreg [dreg:$0x1];
	s0 =	stileid.u32;
	s12 =	sand.u32 $0x1, s1  }
0x3: {  	s13 =	rddreg [dreg:$0x2];
	s4 =	sshll.u32 s0, $0xA;
	s6 =	sshll.u32 s12, $0x9  }
0x4: {  	s2 =	simm.s32 $0x0;
	s1 =	rddreg [dreg:$0x3];
	s14 =	sor.u32 s6, s4  }
0x5: {  	[smem:$0x7FF] =	sst s2;
	s6 =	sshrl.u32 s14, $0x3  }
0x6: {  	_ =	strace $0x80000047;
	s4 =	sadd.s32 s3, s6;
	s3 =	simm.s32 $0x2  }
0x7: {  	[tilespmem:s2], [sflag:$0x2] =	stream.linear.gather [hbm4b:s4+s2], $0x200, $0x38;
	[tilespmem:$0x8400] =	vst v63  }
0x8: {  	_ =	swait.ge [sflag:s3], $0x200  }
0x9: {  	[sflag:s3] =	ssyncset.done $0x0  }
0xa: {  	s5 =	sadd.s32 s5, s6;
	s6 =	simm.s32 $0x200;
	[sflag:s3] =	ssyncadd.s32 $0xFFFFFE00  }
0xb: {  	[tilespmem:s6], [sflag:$0x2] =	stream.linear.gather [hbm4b:s5+s2], $0x200, $0x38;
	[tilespmem:$0x8400] =	vst v63  }
0xc: {  	_ =	swait.ge [sflag:s3], $0x200  }
0xd: {  	[sflag:s3] =	ssyncset.done $0x0  }
0xe: {  	s8 =	simm.s32 $0x400;
	s7 =	sadd.s32 $0x188C00, s13;
	[sflag:s3] =	ssyncadd.s32 $0xFFFFFE00  }
0xf: {  	[tilespmem:s8], [sflag:$0x1] =	stream.indirect.gather [hbm4b:s7+s6], $0x20, s2, s6, $0xb8;
	[tilespmem:$0x8400] =	vst v63  }
0x10: {  	s10 =	simm.s32 $0x4400;
	s11 =	simm.s32 $0x1;
	s9 =	sadd.s32 $0x1EA800, s13  }
0x11: {  	[tilespmem:s10], [sflag:$0x1] =	stream.indirect.gather [hbm4b:s9+s6], $0x20, s6, s6, $0xb8;
	[tilespmem:$0x8400] =	vst v63  }
0x12: {  	_ =	swait.ge [sflag:s11], $0x4000  }
0x13: {  	[sflag:s11] =	ssyncset.done $0x0  }
0x14: {  	s31 =	ssub.s32 $0x2, s12;
	[sflag:s11] =	ssyncadd.s32 $0xFFFFC000  }
0x15: {  	s15 =	sshrl.u32 s31, $0x1;
	s14 =	sshll.u32 s14, $0x2;
	_ =	swait.ge [sflag:s11], $0x4000  }
0x16: {  	s13 =	sadd.s32 s14, s13;
	s14 =	ssub.s32 s31, s15;
	[sflag:s11] =	ssyncset.done $0x0  }
0x17: {  	s12 =	sadd.s32 $0x2200, s13;
	s14 =	smax.u32 s14, $0x1;
	[sflag:s11] =	ssyncadd.s32 $0xFFFFC000  }
0x18: {  	[hbm4b:s12+s2] =	stream.linear.scatter [tilespmem:s8], [sflag:$0x2], $0x4000, $0x38;
	[tilespmem:$0x8400] =	vst v63  }
0x19: {  	p0 =	sne.s32 s14, $0x1;
	_ =	swait.ge [sflag:s3], $0x4000  }
.Ltmp0:
0x1a: {  	[sflag:s3] =	ssyncset.done $0x0;
	(pc) =	sbr.rel @!p0 .LBB2_2-.Ltmp0, $4  }
0x1b: {  	s13 =	sadd.s32 $0x12200, s13;
	[sflag:s3] =	ssyncadd.s32 $0xFFFFC000  }
0x1c: {  	[hbm4b:s13+s2] =	stream.linear.scatter [tilespmem:s10], [sflag:$0x2], $0x4000, $0x38;
	[tilespmem:$0x8400] =	vst v63  }
0x1d: {  	_ =	swait.ge [sflag:s3], $0x4000  }
0x1e: {  	s14 =	sadd.s32 $0xFFFFFFFF, s14;
	[sflag:s3] =	ssyncset.done $0x0  }
.LBB2_1:
0x1f: {  	p0 =	sne.s32 s14, $0x1;
	s14 =	sadd.s32 $0xFFFFFFFF, s14;
	[sflag:s3] =	ssyncadd.s32 $0xFFFFC000  }
0x20: {  	[tilespmem:s2], [sflag:$0x2] =	stream.linear.gather [hbm4b:s4+s2], $0x200, $0x38;
	[tilespmem:$0x8400] =	vst v63  }
0x21: {  	_ =	swait.ge [sflag:s3], $0x200  }
0x22: {  	[sflag:s3] =	ssyncset.done $0x0  }
0x23: {  	[sflag:s3] =	ssyncadd.s32 $0xFFFFFE00  }
0x24: {  	[tilespmem:s6], [sflag:$0x2] =	stream.linear.gather [hbm4b:s5+s2], $0x200, $0x38;
	[tilespmem:$0x8400] =	vst v63  }
0x25: {  	_ =	swait.ge [sflag:s3], $0x200  }
0x26: {  	[sflag:s3] =	ssyncset.done $0x0  }
0x27: {  	[sflag:s3] =	ssyncadd.s32 $0xFFFFFE00  }
0x28: {  	[tilespmem:s8], [sflag:$0x1] =	stream.indirect.gather [hbm4b:s7+s6], $0x20, s2, s6, $0xb8;
	[tilespmem:$0x8400] =	vst v63  }
0x29: {  	_ = 	snop  }
0x2a: {  	[tilespmem:s10], [sflag:$0x1] =	stream.indirect.gather [hbm4b:s9+s6], $0x20, s6, s6, $0xb8;
	[tilespmem:$0x8400] =	vst v63  }
0x2b: {  	_ =	swait.ge [sflag:s11], $0x4000  }
0x2c: {  	[sflag:s11] =	ssyncset.done $0x0  }
0x2d: {  	[sflag:s11] =	ssyncadd.s32 $0xFFFFC000  }
0x2e: {  	_ =	swait.ge [sflag:s11], $0x4000  }
0x2f: {  	[sflag:s11] =	ssyncset.done $0x0  }
0x30: {  	[sflag:s11] =	ssyncadd.s32 $0xFFFFC000  }
0x31: {  	[hbm4b:s12+s2] =	stream.linear.scatter [tilespmem:s8], [sflag:$0x2], $0x4000, $0x38;
	[tilespmem:$0x8400] =	vst v63  }
0x32: {  	_ =	swait.ge [sflag:s3], $0x4000  }
.Ltmp1:
0x33: {  	[sflag:s3] =	ssyncset.done $0x0;
	(pc) =	sbr.rel @p0 .LBB2_1-.Ltmp1, $4  }
0x34: {  	[sflag:s3] =	ssyncadd.s32 $0xFFFFC000  }
0x35: {  	[hbm4b:s13+s2] =	stream.linear.scatter [tilespmem:s10], [sflag:$0x2], $0x4000, $0x38;
	[tilespmem:$0x8400] =	vst v63  }
0x36: {  	_ =	swait.ge [sflag:s3], $0x4000  }
0x37: {  	[sflag:s3] =	ssyncset.done $0x0  }
.LBB2_2:
0x38: {  	[sflag:s3] =	ssyncadd.s32 $0xFFFFC000  }
0x39: {  	_ =	sfence.sel $0x180000  }
0x3a: {  	[bflag:$0x0] =	sbarrier.arrive $0xFFFF  }
0x3b: {  	p0 =	sne.s32 s0, $0x0;
	_ =	strace $0x90000047  }
0x3c: {  	s0 =	sadd.s32 @!p0 $0x100000, s1;
	[bflag:$0x2] =	sbarrier.arrive $0xFFFF  }
0x3d: {  	[sflag:s0] =	ssyncadd.tile.s32 @!p0 $0x1;
	_ =	shalt  }
.Lfunc_end2:
_tile_overlayer_lowered:
.L_overlay_start_2:
0x3e: {  	(tag) =	ssettag $0x2  }
0x3f: {  	s0 =	rddreg [dreg:$0x0];
	s2 =	stileid.u32  }
0x40: {  	s1 =	rddreg [dreg:$0x1];
	p0 =	sne.s32 s2, $0x0  }
0x41: {  	s3 =	rddreg [dreg:$0x2];
	[bflag:$0x3] =	sbarrier.arrive $0xFFFF;
	s2 =	simm.s32 @!p0 $0x1C02  }
0x42: {  	[timem:s3], [sflag:s2] =	dma.local @!p0 [hbm:s0], s1  }
0x43: {  	s0 =	simm.s32 @!p0 $0x2  }
0x44: {  	_ =	swait.ge @!p0 [sflag:s0], s1  }
0x45: {  	s1 =	ssub.s32 @!p0 $0x0, s1;
	[sflag:s0] =	ssyncset.done @!p0 $0x0  }
0x46: {  	[sflag:s0] =	ssyncadd.s32 @!p0 s1  }
0x47: {  	[bflag:$0x3] =	sbarrier.arrive $0xFFFF  }
0x48: {  	_ =	shalt  }

</sc_bundles>
